<compile_context>
chip_gen: v7x
topology: tpu7x:2x2x1
jax: 0.10.2.dev20260603
libtpu: 0.0.44.dev20260713+nightly
codegen_flags: <defaults>
</compile_context>

<pallas_src>
import functools

import jax
import jax.numpy as jnp
from jax import lax
from jax.experimental import pallas as pl
from jax.experimental.pallas import tpu as pltpu
from jax.experimental.pallas import tpu_sc as plsc

N = 10000
D = 128
E = 320000
NC = 2
NS = 16
NW = NC * NS
EPW = E // NW
K = 128
NCHUNK = 80
EPWP = NCHUNK * K
EPAD = NW * EPWP
IH = 40
PADR = 512
NP = N + PADR
KH = 2000
NCHUNK_H = EPW // KH
ROWS_PT = 624

_HIGH = lax.Precision.HIGHEST


def _sc_mesh():
    return plsc.VectorSubcoreMesh(core_axis_name="c", subcore_axis_name="s")


def _sc_degrees(src, dst):

    @functools.partial(
        pl.kernel,
        out_type=jax.ShapeDtypeStruct((NC, 2, N, 16), jnp.float32),
        mesh=_sc_mesh(),
        compiler_params=pltpu.CompilerParams(use_tc_tiling_on_sc=False),
        scratch_types=[
            pltpu.VMEM((KH,), jnp.int32),
            pltpu.VMEM((KH,), jnp.int32),
            pltpu.VMEM((KH, 16), jnp.float32),
            pltpu.VMEM_SHARED((N, 16), jnp.float32),
            pltpu.VMEM_SHARED((N, 16), jnp.float32),
            pltpu.SemaphoreType.DMA,
            pltpu.SemaphoreType.DMA,
        ],
    )
    def hist(src_hbm, dst_hbm, out_hbm, idx_a, idx_b, ones_v, acc_s, acc_d,
             sem_a, sem_b):
        cid = lax.axis_index("c")
        sid = lax.axis_index("s")
        wid = sid * NC + cid
        one = jnp.ones((16,), jnp.float32)
        zero = jnp.zeros((16,), jnp.float32)

        @pl.loop(0, KH)
        def _(r):
            ones_v.at[r][...] = one

        row0 = sid * ROWS_PT

        @pl.loop(0, 64)
        def _(r):
            ones_v.at[r][...] = zero

        @pl.loop(0, 640, step=64)
        def _(r):
            pltpu.sync_copy(ones_v.at[pl.ds(0, 64)],
                            acc_s.at[pl.ds(row0 + r, 64)])
            pltpu.sync_copy(ones_v.at[pl.ds(0, 64)],
                            acc_d.at[pl.ds(row0 + r, 64)])

        @pl.loop(0, 64)
        def _(r):
            ones_v.at[r][...] = one

        base = wid * EPW
        pltpu.async_copy(src_hbm.at[pl.ds(base, KH)], idx_a, sem_a)
        pltpu.async_copy(dst_hbm.at[pl.ds(base, KH)], idx_b, sem_b)

        plsc.subcore_barrier()

        @pl.loop(0, NCHUNK_H)
        def _(chunk):
            off = base + (chunk + 1) * KH
            pltpu.make_async_copy(src_hbm.at[pl.ds(off - KH, KH)], idx_a,
                                  sem_a).wait()
            pltpu.sync_copy(ones_v, acc_s.at[idx_a], add=True)

            @pl.when(chunk < NCHUNK_H - 1)
            def _():
                pltpu.async_copy(src_hbm.at[pl.ds(off, KH)], idx_a, sem_a)

            pltpu.make_async_copy(dst_hbm.at[pl.ds(off - KH, KH)], idx_b,
                                  sem_b).wait()
            pltpu.sync_copy(ones_v, acc_d.at[idx_b], add=True)

            @pl.when(chunk < NCHUNK_H - 1)
            def _():
                pltpu.async_copy(dst_hbm.at[pl.ds(off, KH)], idx_b, sem_b)

        plsc.subcore_barrier()
        pltpu.sync_copy(acc_s.at[pl.ds(row0, ROWS_PT)],
                        out_hbm.at[cid, 0, pl.ds(row0, ROWS_PT)])
        pltpu.sync_copy(acc_d.at[pl.ds(row0, ROWS_PT)],
                        out_hbm.at[cid, 1, pl.ds(row0, ROWS_PT)])

        @pl.when(sid == NS - 1)
        def _():
            pltpu.sync_copy(acc_s.at[pl.ds(NS * ROWS_PT, N - NS * ROWS_PT)],
                            out_hbm.at[cid, 0, pl.ds(NS * ROWS_PT, N - NS * ROWS_PT)])
            pltpu.sync_copy(acc_d.at[pl.ds(NS * ROWS_PT, N - NS * ROWS_PT)],
                            out_hbm.at[cid, 1, pl.ds(NS * ROWS_PT, N - NS * ROWS_PT)])

    return hist(src, dst)


def _sc_propagate(x, src3, dst3):

    @functools.partial(
        pl.kernel,
        out_type=jax.ShapeDtypeStruct((NC, N, D), jnp.float32),
        mesh=_sc_mesh(),
        scratch_types=[
            pltpu.VMEM((IH, K), jnp.int32),
            pltpu.VMEM((IH, K), jnp.int32),
            pltpu.VMEM((K, D), jnp.float32),
            pltpu.VMEM((K, D), jnp.float32),
            pltpu.VMEM_SHARED((NP, D), jnp.float32),
            pltpu.SemaphoreType.DMA,
            pltpu.SemaphoreType.DMA,
        ],
    )
    def prop(x_hbm, src_hbm, dst_hbm, out_hbm, src_v, dst_v, rows0, rows1,
             acc_sh, sem0, sem1):
        cid = lax.axis_index("c")
        sid = lax.axis_index("s")
        wid = sid * NC + cid
        zero = jnp.zeros((16,), jnp.float32)

        @pl.loop(0, 64)
        def _(r):
            @pl.loop(0, D, step=16)
            def _(c0):
                rows0.at[r, pl.ds(c0, 16)][...] = zero

        row0 = sid * ROWS_PT

        @pl.loop(0, 640, step=64)
        def _(r):
            pltpu.sync_copy(rows0.at[pl.ds(0, 64)],
                            acc_sh.at[pl.ds(row0 + r, 64)])

        plsc.subcore_barrier()

        for phase in range(2):
            pltpu.sync_copy(src_hbm.at[wid, pl.ds(phase * IH, IH)], src_v)
            pltpu.sync_copy(dst_hbm.at[wid, pl.ds(phase * IH, IH)], dst_v)
            pltpu.async_copy(x_hbm.at[src_v.at[0]], rows0, sem0)

            @pl.loop(0, IH, step=2)
            def _(j):
                pltpu.async_copy(x_hbm.at[src_v.at[j + 1]], rows1, sem1)
                pltpu.make_async_copy(x_hbm.at[src_v.at[j]], rows0, sem0).wait()
                pltpu.sync_copy(rows0, acc_sh.at[dst_v.at[j]], add=True)

                @pl.when(j < IH - 2)
                def _():
                    pltpu.async_copy(x_hbm.at[src_v.at[j + 2]], rows0, sem0)

                pltpu.make_async_copy(x_hbm.at[src_v.at[j + 1]], rows1,
                                      sem1).wait()
                pltpu.sync_copy(rows1, acc_sh.at[dst_v.at[j + 1]], add=True)

        plsc.subcore_barrier()
        pltpu.sync_copy(acc_sh.at[pl.ds(row0, ROWS_PT)],
                        out_hbm.at[cid, pl.ds(row0, ROWS_PT)])

        @pl.when(sid == NS - 1)
        def _():
            pltpu.sync_copy(acc_sh.at[pl.ds(NS * ROWS_PT, N - NS * ROWS_PT)],
                            out_hbm.at[cid, pl.ds(NS * ROWS_PT, N - NS * ROWS_PT)])

    return prop(x, src3, dst3)


def _tc_prepare(counts, features):
    def body(counts_ref, feat_ref, h_ref, no_ref, ni_ref):
        c = counts_ref[...]
        deg_o = c[0, 0, :, 0:1] + c[1, 0, :, 0:1]
        deg_i = c[0, 1, :, 0:1] + c[1, 1, :, 0:1]
        no = lax.rsqrt(jnp.maximum(deg_o, 1.0))
        ni = lax.rsqrt(jnp.maximum(deg_i, 1.0))
        h_ref[...] = feat_ref[...] * no
        no_ref[...] = no
        ni_ref[...] = ni

    return pl.pallas_call(
        body,
        out_shape=(
            jax.ShapeDtypeStruct((N, D), jnp.float32),
            jax.ShapeDtypeStruct((N, 1), jnp.float32),
            jax.ShapeDtypeStruct((N, 1), jnp.float32),
        ),
        grid=(N // _RB,),
        in_specs=[
            pl.BlockSpec((NC, 2, _RB, 16), lambda i: (0, 0, i, 0)),
            pl.BlockSpec((_RB, D), lambda i: (i, 0)),
        ],
        out_specs=(
            pl.BlockSpec((_RB, D), lambda i: (i, 0)),
            pl.BlockSpec((_RB, 1), lambda i: (i, 0)),
            pl.BlockSpec((_RB, 1), lambda i: (i, 0)),
        ),
    )(counts, features)


_RB = 2000


def _w_spec(shape):
    return pl.BlockSpec(shape, lambda i: (0,) * len(shape))


def _tc_mid(p, norm_in, norm_out, W10, b10, W11, b11, W20, W21):
    def body(p_ref, ni_ref, no_ref, W10_r, b10_r, W11_r, b11_r, W20_r, W21_r,
             q_ref):
        agg = (p_ref[0] + p_ref[1]) * ni_ref[...]
        o0 = jnp.maximum(
            jnp.dot(agg, W10_r[...], preferred_element_type=jnp.float32) + b10_r[...], 0.0)
        o1 = jnp.maximum(
            jnp.dot(agg, W11_r[...], preferred_element_type=jnp.float32) + b11_r[...], 0.0)
        q0 = jnp.dot(o0, W20_r[...], preferred_element_type=jnp.float32)
        q1 = jnp.dot(o1, W21_r[...], preferred_element_type=jnp.float32)
        q_ref[...] = jnp.concatenate([q0, q1], axis=1) * no_ref[...]

    return pl.pallas_call(
        body,
        grid=(N // _RB,),
        in_specs=[
            pl.BlockSpec((NC, _RB, D), lambda i: (0, i, 0)),
            pl.BlockSpec((_RB, 1), lambda i: (i, 0)),
            pl.BlockSpec((_RB, 1), lambda i: (i, 0)),
            _w_spec((D, D)), _w_spec((1, D)),
            _w_spec((D, D)), _w_spec((1, D)),
            _w_spec((D, D // 2)), _w_spec((D, D // 2)),
        ],
        out_specs=pl.BlockSpec((_RB, D), lambda i: (i, 0)),
        out_shape=jax.ShapeDtypeStruct((N, D), jnp.float32),
    )(p, norm_in, norm_out, W10, b10, W11, b11, W20, W21)


def _tc_final(p2, norm_in, features, b2cat, ln_g, ln_b, Wf1, bf1, Wf2, bf2):
    def body(p_ref, ni_ref, feat_ref, b2_r, g_r, b_r, Wf1_r, bf1_r, Wf2_r,
             bf2_r, out_ref):
        hcat = (p_ref[0] + p_ref[1]) * ni_ref[...] + b2_r[...]
        mu = jnp.mean(hcat, axis=1, keepdims=True)
        xc = hcat - mu
        var = jnp.mean(xc * xc, axis=1, keepdims=True)
        ln = xc * lax.rsqrt(var + 1e-5) * g_r[...] + b_r[...]
        h2 = feat_ref[...] + ln
        ff = jnp.maximum(
            jnp.dot(h2, Wf1_r[...], preferred_element_type=jnp.float32) + bf1_r[...], 0.0)
        ff = jnp.dot(ff, Wf2_r[...], preferred_element_type=jnp.float32) + bf2_r[...]
        out_ref[...] = h2 + ff

    return pl.pallas_call(
        body,
        grid=(N // _RB,),
        in_specs=[
            pl.BlockSpec((NC, _RB, D), lambda i: (0, i, 0)),
            pl.BlockSpec((_RB, 1), lambda i: (i, 0)),
            pl.BlockSpec((_RB, D), lambda i: (i, 0)),
            _w_spec((1, D)), _w_spec((1, D)), _w_spec((1, D)),
            _w_spec((D, D)), _w_spec((1, D)),
            _w_spec((D, D)), _w_spec((1, D)),
        ],
        out_specs=pl.BlockSpec((_RB, D), lambda i: (i, 0)),
        out_shape=jax.ShapeDtypeStruct((N, D), jnp.float32),
    )(p2, norm_in, features, b2cat, ln_g, ln_b, Wf1, bf1, Wf2, bf2)


def kernel(features, edge_index, W1_0, b1_0, W2_0, b2_0, W1_1, b1_1, W2_1,
           b2_1, ln_g, ln_b, Wf1, bf1, Wf2, bf2):
    src = edge_index[0]
    dst = edge_index[1]

    pad_i = jnp.arange(EPAD - E, dtype=jnp.int32)
    src3 = jnp.concatenate([src, pad_i % N]).reshape(NW, NCHUNK, K)
    dst3 = jnp.concatenate([dst, N + pad_i % PADR]).reshape(NW, NCHUNK, K)

    counts = _sc_degrees(src, dst)
    h_scaled, norm_out, norm_in = _tc_prepare(counts, features)

    p1 = _sc_propagate(h_scaled, src3, dst3)
    q = _tc_mid(p1, norm_in, norm_out,
                W1_0, b1_0.reshape(1, D), W1_1, b1_1.reshape(1, D), W2_0, W2_1)

    p2 = _sc_propagate(q, src3, dst3)
    b2cat = jnp.concatenate([b2_0, b2_1]).reshape(1, D)
    out = _tc_final(p2, norm_in, features, b2cat, ln_g.reshape(1, D),
                    ln_b.reshape(1, D), Wf1, bf1.reshape(1, D), Wf2,
                    bf2.reshape(1, D))
    return out

# --- scband reference (transcript-rebuilt; emitter-appended) ---
"""Pipeline reference for scband-graph-module-4303557231018 (READ-ONLY COPY).

The authoritative reference and input builder live on the scoring server;
editing this copy changes nothing except your own understanding.
"""

import jax, jax.numpy as jnp
import numpy as np

N = 10000
E = 320000
D = 128
DH = 64  # hidden_dim // n_head


def _layer_norm(x, g, b, eps=1e-5):
    mu = jnp.mean(x, axis=-1, keepdims=True)
    var = jnp.var(x, axis=-1, keepdims=True)
    return (x - mu) / jnp.sqrt(var + eps) * g + b


def _gcn_conv(feat, W, b, src, dst, norm_out, norm_in):
    # DGL GraphConv with norm='both': D_out^{-1/2} A D_in^{-1/2} X W + b
    h = feat * norm_out[:, None]
    msg = h[src]
    agg = jax.ops.segment_sum(msg, dst, num_segments=N)
    agg = agg * norm_in[:, None]
    return agg @ W + b


def setup_inputs(seed: int = 0):
    key = jax.random.key(seed)
    ks = jax.random.split(key, 16)
    features = jax.random.normal(ks[0], (N, D), dtype=jnp.float32)
    edge_index = jax.random.randint(ks[1], (2, E), 0, N, dtype=jnp.int32)
    s = 0.05
    inp = {
        'features': features,
        'edge_index': edge_index,
        'W1_0': jax.random.normal(ks[2], (D, D), dtype=jnp.float32) * s,
        'b1_0': jnp.zeros((D,), dtype=jnp.float32),
        'W2_0': jax.random.normal(ks[3], (D, DH), dtype=jnp.float32) * s,
        'b2_0': jnp.zeros((DH,), dtype=jnp.float32),
        'W1_1': jax.random.normal(ks[4], (D, D), dtype=jnp.float32) * s,
        'b1_1': jnp.zeros((D,), dtype=jnp.float32),
        'W2_1': jax.random.normal(ks[5], (D, DH), dtype=jnp.float32) * s,
        'b2_1': jnp.zeros((DH,), dtype=jnp.float32),
        'ln_g': jnp.ones((D,), dtype=jnp.float32),
        'ln_b': jnp.zeros((D,), dtype=jnp.float32),
        'Wf1': jax.random.normal(ks[6], (D, D), dtype=jnp.float32) * s,
        'bf1': jnp.zeros((D,), dtype=jnp.float32),
        'Wf2': jax.random.normal(ks[7], (D, D), dtype=jnp.float32) * s,
        'bf2': jnp.zeros((D,), dtype=jnp.float32),
    }
    return inp


def reference(features, edge_index, W1_0, b1_0, W2_0, b2_0, W1_1, b1_1, W2_1, b2_1, ln_g, ln_b, Wf1, bf1, Wf2, bf2):
    src = edge_index[0]
    dst = edge_index[1]
    deg_out = jnp.clip(jnp.bincount(src, length=N).astype(jnp.float32), 1.0, None)
    deg_in = jnp.clip(jnp.bincount(dst, length=N).astype(jnp.float32), 1.0, None)
    norm_out = deg_out ** -0.5
    norm_in = deg_in ** -0.5

    def branch(h, W1, b1, W2, b2):
        o = _gcn_conv(h, W1, b1, src, dst, norm_out, norm_in)
        o = jax.nn.relu(o)
        # dropout is identity in eval mode
        return _gcn_conv(o, W2, b2, src, dst, norm_out, norm_in)

    h = features.reshape(-1, D)
    out0 = branch(h, W1_0, b1_0, W2_0, b2_0)
    out1 = branch(h, W1_1, b1_1, W2_1, b2_1)
    hcat = jnp.concatenate([out0, out1], axis=-1).reshape(features.shape)
    h2 = features + _layer_norm(hcat, ln_g, ln_b)
    ff = jax.nn.relu(h2 @ Wf1 + bf1) @ Wf2 + bf2
    return h2 + ff

if __name__ == "__main__":
    import jax
    _d = setup_inputs()
    print(jax.jit(kernel)(*tuple(_d.values())))

</pallas_src>

<mosaic_0001>
#map = affine_map<(d0, d1) -> (0)>
#map1 = affine_map<(d0, d1) -> (0, 0, 0, 0)>
module attributes {stable_mosaic.version = 14 : i64} {
  func.func @hist(%arg0: i32, %arg1: i32, %arg2: memref<320000xi32, #tpu.memory_space<hbm>>, %arg3: memref<320000xi32, #tpu.memory_space<hbm>>, %arg4: memref<2x2x10000x16xf32, #tpu.memory_space<hbm>>, %arg5: memref<2000xi32, #tpu.memory_space<vmem>>, %arg6: memref<2000xi32, #tpu.memory_space<vmem>>, %arg7: memref<2000x16xf32, #tpu.memory_space<vmem>>, %arg8: memref<10000x16xf32, #tpu.memory_space<vmem_shared>>, %arg9: memref<10000x16xf32, #tpu.memory_space<vmem_shared>>, %arg10: memref<!tpu.dma_semaphore, #tpu.memory_space<semaphore_mem>>, %arg11: memref<!tpu.dma_semaphore, #tpu.memory_space<semaphore_mem>>) attributes {dimension_semantics = [#tpu.dimension_semantics<core_parallel>, #tpu.dimension_semantics<subcore_parallel>], iteration_bounds = array<i64: 2, 16>, scalar_prefetch = 0 : i64, scratch_operands = 7 : i64, tpu.core_type = #tpu.core_type<sc_vector_subcore>, window_params = [{transform_indices = #map}, {transform_indices = #map}, {transform_indices = #map1}]} {
    %mul3A = arith.constant 2 : i32
    %mul3A_0 = arith.muli %arg1, %mul3A : i32
    %add3A = arith.addi %mul3A_0, %arg0 : i32
    %broadcast_in_dim3A = arith.constant 1.000000e+00 : f32
    %broadcast_in_dim3A_1 = vector.broadcast %broadcast_in_dim3A : f32 to vector<16xf32>
    %broadcast_in_dim3A_2 = arith.constant 0.000000e+00 : f32
    %broadcast_in_dim3A_3 = vector.broadcast %broadcast_in_dim3A_2 : f32 to vector<16xf32>
    %scan3A = arith.constant 0 : i32
    %scan3A_4 = arith.constant 2000 : i32
    %scan3A_5 = arith.addi %scan3A, %scan3A_4 : i32
    %scan3A_6 = arith.constant 1 : i32
    scf.for %scan3A_39 = %scan3A to %scan3A_5 step %scan3A_6  : i32 {
      %mul3A_40 = arith.constant 1 : i32
      %mul3A_41 = arith.muli %scan3A_39, %mul3A_40 : i32
      %add3A_42 = arith.constant 0 : i32
      %add3A_43 = arith.addi %add3A_42, %mul3A_41 : i32
      %swap3A = arith.index_cast %add3A_43 : i32 to index
      %swap3A_44 = arith.constant 0 : index
      %swap3A_45 = tpu.vector_load %arg7[%swap3A, %swap3A_44] {strides = array<i32>} : memref<2000x16xf32, #tpu.memory_space<vmem>>, vector<1x16xf32>,
      %swap3A_46 = vector.shape_cast %swap3A_45 : vector<1x16xf32> to vector<16xf32>
      %swap3A_47 = vector.shape_cast %broadcast_in_dim3A_1 : vector<16xf32> to vector<1x16xf32>
      tpu.vector_store %arg7[%swap3A, %swap3A_44], %swap3A_47 {strides = array<i32>} : memref<2000x16xf32, #tpu.memory_space<vmem>>, vector<1x16xf32>,
    }
    %scan3A_7 = arith.constant 2000 : i32
    %mul3A_8 = arith.constant 624 : i32
    %mul3A_9 = arith.muli %arg1, %mul3A_8 : i32
    %scan3A_10 = arith.constant 0 : i32
    %scan3A_11 = arith.constant 64 : i32
    %scan3A_12 = arith.addi %scan3A_10, %scan3A_11 : i32
    %scan3A_13 = arith.constant 1 : i32
    scf.for %scan3A_39 = %scan3A_10 to %scan3A_12 step %scan3A_13  : i32 {
      %mul3A_40 = arith.constant 1 : i32
      %mul3A_41 = arith.muli %scan3A_39, %mul3A_40 : i32
      %add3A_42 = arith.constant 0 : i32
      %add3A_43 = arith.addi %add3A_42, %mul3A_41 : i32
      %swap3A = arith.index_cast %add3A_43 : i32 to index
      %swap3A_44 = arith.constant 0 : index
      %swap3A_45 = tpu.vector_load %arg7[%swap3A, %swap3A_44] {strides = array<i32>} : memref<2000x16xf32, #tpu.memory_space<vmem>>, vector<1x16xf32>,
      %swap3A_46 = vector.shape_cast %swap3A_45 : vector<1x16xf32> to vector<16xf32>
      %swap3A_47 = vector.shape_cast %broadcast_in_dim3A_3 : vector<16xf32> to vector<1x16xf32>
      tpu.vector_store %arg7[%swap3A, %swap3A_44], %swap3A_47 {strides = array<i32>} : memref<2000x16xf32, #tpu.memory_space<vmem>>, vector<1x16xf32>,
    }
    %scan3A_14 = arith.constant 64 : i32
    %scan3A_15 = arith.constant 0 : i32
    %scan3A_16 = arith.constant 10 : i32
    %scan3A_17 = arith.addi %scan3A_15, %scan3A_16 : i32
    %scan3A_18 = arith.constant 1 : i32
    scf.for %scan3A_39 = %scan3A_15 to %scan3A_17 step %scan3A_18  : i32 {
      %mul3A_40 = arith.constant 64 : i32
      %mul3A_41 = arith.muli %scan3A_39, %mul3A_40 : i32
      %add3A_42 = arith.constant 0 : i32
      %add3A_43 = arith.addi %add3A_42, %mul3A_41 : i32
      %add3A_44 = arith.addi %mul3A_9, %add3A_43 : i32
      "tpu.region"() ({
        %run_scoped3A_46 = tpu.sem_alloc : memref<!tpu.dma_semaphore, #tpu.memory_space<semaphore_mem>>
        %dma_start3A_47 = arith.constant 0 : i32
        %dma_start3A_48 = arith.constant 0 : i32
        %dma_start3A_49 = tpu.memref_slice %arg7[%dma_start3A_47, %dma_start3A_48] : memref<2000x16xf32, #tpu.memory_space<vmem>> -> memref<64x16xf32, #tpu.memory_space<vmem>>
        %dma_start3A_50 = arith.constant 0 : i32
        %dma_start3A_51 = tpu.memref_slice %arg8[%add3A_44, %dma_start3A_50] : memref<10000x16xf32, #tpu.memory_space<vmem_shared>> -> memref<64x16xf32, #tpu.memory_space<vmem_shared>>
        %dma_start3A_52 = arith.constant 0 : i32
        %dma_start3A_53 = tpu.memref_slice %arg8[%add3A_44, %dma_start3A_52] : memref<10000x16xf32, #tpu.memory_space<vmem_shared>> -> memref<64x16xf32, #tpu.memory_space<vmem_shared>>
        %dma_start3A_54 = arith.constant 0 : i32
        %dma_start3A_55 = arith.constant 0 : i32
        %dma_start3A_56 = tpu.memref_slice %arg7[%dma_start3A_54, %dma_start3A_55] : memref<2000x16xf32, #tpu.memory_space<vmem>> -> memref<64x16xf32, #tpu.memory_space<vmem>>
        tpu.enqueue_dma source(%dma_start3A_56 : memref<64x16xf32, #tpu.memory_space<vmem>>) target(%dma_start3A_53 : memref<64x16xf32, #tpu.memory_space<vmem_shared>>) target_semaphore(%run_scoped3A_46 : memref<!tpu.dma_semaphore, #tpu.memory_space<semaphore_mem>>)
        %dma_wait3A = arith.constant 0 : i32
        %dma_wait3A_57 = arith.constant 0 : i32
        %dma_wait3A_58 = tpu.memref_slice %arg7[%dma_wait3A, %dma_wait3A_57] : memref<2000x16xf32, #tpu.memory_space<vmem>> -> memref<64x16xf32, #tpu.memory_space<vmem>>
        %dma_wait3A_59 = arith.constant 0 : i32
        %dma_wait3A_60 = tpu.memref_slice %arg8[%add3A_44, %dma_wait3A_59] : memref<10000x16xf32, #tpu.memory_space<vmem_shared>> -> memref<64x16xf32, #tpu.memory_space<vmem_shared>>
        %dma_wait3A_61 = arith.constant 0 : i32
        %dma_wait3A_62 = tpu.memref_slice %arg8[%add3A_44, %dma_wait3A_61] : memref<10000x16xf32, #tpu.memory_space<vmem_shared>> -> memref<64x16xf32, #tpu.memory_space<vmem_shared>>
        %dma_wait3A_63 = arith.constant 0 : i32
        %dma_wait3A_64 = arith.constant 0 : i32
        %dma_wait3A_65 = tpu.memref_slice %arg7[%dma_wait3A_63, %dma_wait3A_64] : memref<2000x16xf32, #tpu.memory_space<vmem>> -> memref<64x16xf32, #tpu.memory_space<vmem>>
        tpu.wait_dma2 semaphore(%run_scoped3A_46 : memref<!tpu.dma_semaphore, #tpu.memory_space<semaphore_mem>>) src(%dma_wait3A_65 : memref<64x16xf32, #tpu.memory_space<vmem>>) dst(%dma_wait3A_62 : memref<64x16xf32, #tpu.memory_space<vmem_shared>>)
        tpu.yield
      }) : () -> ()
      %add3A_45 = arith.addi %mul3A_9, %add3A_43 : i32
      "tpu.region"() ({
        %run_scoped3A_46 = tpu.sem_alloc : memref<!tpu.dma_semaphore, #tpu.memory_space<semaphore_mem>>
        %dma_start3A_47 = arith.constant 0 : i32
        %dma_start3A_48 = arith.constant 0 : i32
        %dma_start3A_49 = tpu.memref_slice %arg7[%dma_start3A_47, %dma_start3A_48] : memref<2000x16xf32, #tpu.memory_space<vmem>> -> memref<64x16xf32, #tpu.memory_space<vmem>>
        %dma_start3A_50 = arith.constant 0 : i32
        %dma_start3A_51 = tpu.memref_slice %arg9[%add3A_45, %dma_start3A_50] : memref<10000x16xf32, #tpu.memory_space<vmem_shared>> -> memref<64x16xf32, #tpu.memory_space<vmem_shared>>
        %dma_start3A_52 = arith.constant 0 : i32
        %dma_start3A_53 = tpu.memref_slice %arg9[%add3A_45, %dma_start3A_52] : memref<10000x16xf32, #tpu.memory_space<vmem_shared>> -> memref<64x16xf32, #tpu.memory_space<vmem_shared>>
        %dma_start3A_54 = arith.constant 0 : i32
        %dma_start3A_55 = arith.constant 0 : i32
        %dma_start3A_56 = tpu.memref_slice %arg7[%dma_start3A_54, %dma_start3A_55] : memref<2000x16xf32, #tpu.memory_space<vmem>> -> memref<64x16xf32, #tpu.memory_space<vmem>>
        tpu.enqueue_dma source(%dma_start3A_56 : memref<64x16xf32, #tpu.memory_space<vmem>>) target(%dma_start3A_53 : memref<64x16xf32, #tpu.memory_space<vmem_shared>>) target_semaphore(%run_scoped3A_46 : memref<!tpu.dma_semaphore, #tpu.memory_space<semaphore_mem>>)
        %dma_wait3A = arith.constant 0 : i32
        %dma_wait3A_57 = arith.constant 0 : i32
        %dma_wait3A_58 = tpu.memref_slice %arg7[%dma_wait3A, %dma_wait3A_57] : memref<2000x16xf32, #tpu.memory_space<vmem>> -> memref<64x16xf32, #tpu.memory_space<vmem>>
        %dma_wait3A_59 = arith.constant 0 : i32
        %dma_wait3A_60 = tpu.memref_slice %arg9[%add3A_45, %dma_wait3A_59] : memref<10000x16xf32, #tpu.memory_space<vmem_shared>> -> memref<64x16xf32, #tpu.memory_space<vmem_shared>>
        %dma_wait3A_61 = arith.constant 0 : i32
        %dma_wait3A_62 = tpu.memref_slice %arg9[%add3A_45, %dma_wait3A_61] : memref<10000x16xf32, #tpu.memory_space<vmem_shared>> -> memref<64x16xf32, #tpu.memory_space<vmem_shared>>
        %dma_wait3A_63 = arith.constant 0 : i32
        %dma_wait3A_64 = arith.constant 0 : i32
        %dma_wait3A_65 = tpu.memref_slice %arg7[%dma_wait3A_63, %dma_wait3A_64] : memref<2000x16xf32, #tpu.memory_space<vmem>> -> memref<64x16xf32, #tpu.memory_space<vmem>>
        tpu.wait_dma2 semaphore(%run_scoped3A_46 : memref<!tpu.dma_semaphore, #tpu.memory_space<semaphore_mem>>) src(%dma_wait3A_65 : memref<64x16xf32, #tpu.memory_space<vmem>>) dst(%dma_wait3A_62 : memref<64x16xf32, #tpu.memory_space<vmem_shared>>)
        tpu.yield
      }) : () -> ()
    }
    %scan3A_19 = arith.constant 10 : i32
    %scan3A_20 = arith.constant 0 : i32
    %scan3A_21 = arith.constant 64 : i32
    %scan3A_22 = arith.addi %scan3A_20, %scan3A_21 : i32
    %scan3A_23 = arith.constant 1 : i32
    scf.for %scan3A_39 = %scan3A_20 to %scan3A_22 step %scan3A_23  : i32 {
      %mul3A_40 = arith.constant 1 : i32
      %mul3A_41 = arith.muli %scan3A_39, %mul3A_40 : i32
      %add3A_42 = arith.constant 0 : i32
      %add3A_43 = arith.addi %add3A_42, %mul3A_41 : i32
      %swap3A = arith.index_cast %add3A_43 : i32 to index
      %swap3A_44 = arith.constant 0 : index
      %swap3A_45 = tpu.vector_load %arg7[%swap3A, %swap3A_44] {strides = array<i32>} : memref<2000x16xf32, #tpu.memory_space<vmem>>, vector<1x16xf32>,
      %swap3A_46 = vector.shape_cast %swap3A_45 : vector<1x16xf32> to vector<16xf32>
      %swap3A_47 = vector.shape_cast %broadcast_in_dim3A_1 : vector<16xf32> to vector<1x16xf32>
      tpu.vector_store %arg7[%swap3A, %swap3A_44], %swap3A_47 {strides = array<i32>} : memref<2000x16xf32, #tpu.memory_space<vmem>>, vector<1x16xf32>,
    }
    %scan3A_24 = arith.constant 64 : i32
    %mul3A_25 = arith.constant 10000 : i32
    %mul3A_26 = arith.muli %add3A, %mul3A_25 : i32
    %dma_start3A = tpu.memref_slice %arg2[%mul3A_26] : memref<320000xi32, #tpu.memory_space<hbm>> -> memref<2000xi32, #tpu.memory_space<hbm>>
    %dma_start3A_27 = tpu.memref_slice %arg2[%mul3A_26] : memref<320000xi32, #tpu.memory_space<hbm>> -> memref<2000xi32, #tpu.memory_space<hbm>>
    tpu.enqueue_dma source(%dma_start3A_27 : memref<2000xi32, #tpu.memory_space<hbm>>) target(%arg5 : memref<2000xi32, #tpu.memory_space<vmem>>) target_semaphore(%arg10 : memref<!tpu.dma_semaphore, #tpu.memory_space<semaphore_mem>>)
    %dma_start3A_28 = tpu.memref_slice %arg3[%mul3A_26] : memref<320000xi32, #tpu.memory_space<hbm>> -> memref<2000xi32, #tpu.memory_space<hbm>>
    %dma_start3A_29 = tpu.memref_slice %arg3[%mul3A_26] : memref<320000xi32, #tpu.memory_space<hbm>> -> memref<2000xi32, #tpu.memory_space<hbm>>
    tpu.enqueue_dma source(%dma_start3A_29 : memref<2000xi32, #tpu.memory_space<hbm>>) target(%arg6 : memref<2000xi32, #tpu.memory_space<vmem>>) target_semaphore(%arg11 : memref<!tpu.dma_semaphore, #tpu.memory_space<semaphore_mem>>)
    %barrier3A = arith.constant 0 : index
    tpu.barrier barrier_id(%barrier3A)
    %scan3A_30 = arith.constant 0 : i32
    %scan3A_31 = arith.constant 5 : i32
    %scan3A_32 = arith.addi %scan3A_30, %scan3A_31 : i32
    %scan3A_33 = arith.constant 1 : i32
    scf.for %scan3A_39 = %scan3A_30 to %scan3A_32 step %scan3A_33  : i32 {
      %mul3A_40 = arith.constant 1 : i32
      %mul3A_41 = arith.muli %scan3A_39, %mul3A_40 : i32
      %add3A_42 = arith.constant 0 : i32
      %add3A_43 = arith.addi %add3A_42, %mul3A_41 : i32
      %add3A_44 = arith.constant 1 : i32
      %add3A_45 = arith.addi %add3A_43, %add3A_44 : i32
      %mul3A_46 = arith.constant 2000 : i32
      %mul3A_47 = arith.muli %add3A_45, %mul3A_46 : i32
      %add3A_48 = arith.addi %mul3A_26, %mul3A_47 : i32
      %sub3A = arith.constant 2000 : i32
      %sub3A_49 = arith.subi %add3A_48, %sub3A : i32
      %dma_wait3A = tpu.memref_slice %arg2[%sub3A_49] : memref<320000xi32, #tpu.memory_space<hbm>> -> memref<2000xi32, #tpu.memory_space<hbm>>
      %dma_wait3A_50 = tpu.memref_slice %arg2[%sub3A_49] : memref<320000xi32, #tpu.memory_space<hbm>> -> memref<2000xi32, #tpu.memory_space<hbm>>
      tpu.wait_dma2 semaphore(%arg10 : memref<!tpu.dma_semaphore, #tpu.memory_space<semaphore_mem>>) src(%dma_wait3A_50 : memref<2000xi32, #tpu.memory_space<hbm>>) dst(%arg5 : memref<2000xi32, #tpu.memory_space<vmem>>)
      "tpu.region"() ({
        %run_scoped3A_64 = tpu.sem_alloc : memref<!tpu.dma_semaphore, #tpu.memory_space<semaphore_mem>>
        %dma_start3A_65 = arith.constant 0 : i32
        %dma_start3A_66 = arith.constant 0 : i32
        %dma_start3A_67 = tpu.memref_slice %arg8[%dma_start3A_65, %dma_start3A_66] : memref<10000x16xf32, #tpu.memory_space<vmem_shared>> -> memref<10000x16xf32, #tpu.memory_space<vmem_shared>>
        tpu.enqueue_indirect_dma source(%arg7 : memref<2000x16xf32, #tpu.memory_space<vmem>>) target(%dma_start3A_67 : memref<10000x16xf32, #tpu.memory_space<vmem_shared>>) offsets(%arg5 : memref<2000xi32, #tpu.memory_space<vmem>>) semaphore(%run_scoped3A_64 : memref<!tpu.dma_semaphore, #tpu.memory_space<semaphore_mem>>) {add = true}
        %dma_wait3A_68 = arith.constant 0 : i32
        %dma_wait3A_69 = arith.constant 0 : i32
        %dma_wait3A_70 = tpu.memref_slice %arg8[%dma_wait3A_68, %dma_wait3A_69] : memref<10000x16xf32, #tpu.memory_space<vmem_shared>> -> memref<10000x16xf32, #tpu.memory_space<vmem_shared>>
        tpu.wait_indirect_dma semaphore(%run_scoped3A_64 : memref<!tpu.dma_semaphore, #tpu.memory_space<semaphore_mem>>) src(%arg7 : memref<2000x16xf32, #tpu.memory_space<vmem>>) dst(%dma_wait3A_70 : memref<10000x16xf32, #tpu.memory_space<vmem_shared>>)
        tpu.yield
      }) : () -> ()
      %lt3A = arith.constant 4 : i32
      %lt3A_51 = arith.cmpi slt, %add3A_43, %lt3A : i32
      %convert_element_type3A_52 = arith.extui %lt3A_51 : i1 to i32
      %cond3A_53 = arith.constant 0 : i32
      %cond3A_54 = arith.cmpi ne, %convert_element_type3A_52, %cond3A_53 : i32
      scf.if %cond3A_54 {
        %dma_start3A_64 = tpu.memref_slice %arg2[%add3A_48] : memref<320000xi32, #tpu.memory_space<hbm>> -> memref<2000xi32, #tpu.memory_space<hbm>>
        %dma_start3A_65 = tpu.memref_slice %arg2[%add3A_48] : memref<320000xi32, #tpu.memory_space<hbm>> -> memref<2000xi32, #tpu.memory_space<hbm>>
        tpu.enqueue_dma source(%dma_start3A_65 : memref<2000xi32, #tpu.memory_space<hbm>>) target(%arg5 : memref<2000xi32, #tpu.memory_space<vmem>>) target_semaphore(%arg10 : memref<!tpu.dma_semaphore, #tpu.memory_space<semaphore_mem>>)
      } else {
      }
      %sub3A_55 = arith.constant 2000 : i32
      %sub3A_56 = arith.subi %add3A_48, %sub3A_55 : i32
      %dma_wait3A_57 = tpu.memref_slice %arg3[%sub3A_56] : memref<320000xi32, #tpu.memory_space<hbm>> -> memref<2000xi32, #tpu.memory_space<hbm>>
      %dma_wait3A_58 = tpu.memref_slice %arg3[%sub3A_56] : memref<320000xi32, #tpu.memory_space<hbm>> -> memref<2000xi32, #tpu.memory_space<hbm>>
      tpu.wait_dma2 semaphore(%arg11 : memref<!tpu.dma_semaphore, #tpu.memory_space<semaphore_mem>>) src(%dma_wait3A_58 : memref<2000xi32, #tpu.memory_space<hbm>>) dst(%arg6 : memref<2000xi32, #tpu.memory_space<vmem>>)
      "tpu.region"() ({
        %run_scoped3A_64 = tpu.sem_alloc : memref<!tpu.dma_semaphore, #tpu.memory_space<semaphore_mem>>
        %dma_start3A_65 = arith.constant 0 : i32
        %dma_start3A_66 = arith.constant 0 : i32
        %dma_start3A_67 = tpu.memref_slice %arg9[%dma_start3A_65, %dma_start3A_66] : memref<10000x16xf32, #tpu.memory_space<vmem_shared>> -> memref<10000x16xf32, #tpu.memory_space<vmem_shared>>
        tpu.enqueue_indirect_dma source(%arg7 : memref<2000x16xf32, #tpu.memory_space<vmem>>) target(%dma_start3A_67 : memref<10000x16xf32, #tpu.memory_space<vmem_shared>>) offsets(%arg6 : memref<2000xi32, #tpu.memory_space<vmem>>) semaphore(%run_scoped3A_64 : memref<!tpu.dma_semaphore, #tpu.memory_space<semaphore_mem>>) {add = true}
        %dma_wait3A_68 = arith.constant 0 : i32
        %dma_wait3A_69 = arith.constant 0 : i32
        %dma_wait3A_70 = tpu.memref_slice %arg9[%dma_wait3A_68, %dma_wait3A_69] : memref<10000x16xf32, #tpu.memory_space<vmem_shared>> -> memref<10000x16xf32, #tpu.memory_space<vmem_shared>>
        tpu.wait_indirect_dma semaphore(%run_scoped3A_64 : memref<!tpu.dma_semaphore, #tpu.memory_space<semaphore_mem>>) src(%arg7 : memref<2000x16xf32, #tpu.memory_space<vmem>>) dst(%dma_wait3A_70 : memref<10000x16xf32, #tpu.memory_space<vmem_shared>>)
        tpu.yield
      }) : () -> ()
      %lt3A_59 = arith.constant 4 : i32
      %lt3A_60 = arith.cmpi slt, %add3A_43, %lt3A_59 : i32
      %convert_element_type3A_61 = arith.extui %lt3A_60 : i1 to i32
      %cond3A_62 = arith.constant 0 : i32
      %cond3A_63 = arith.cmpi ne, %convert_element_type3A_61, %cond3A_62 : i32
      scf.if %cond3A_63 {
        %dma_start3A_64 = tpu.memref_slice %arg3[%add3A_48] : memref<320000xi32, #tpu.memory_space<hbm>> -> memref<2000xi32, #tpu.memory_space<hbm>>
        %dma_start3A_65 = tpu.memref_slice %arg3[%add3A_48] : memref<320000xi32, #tpu.memory_space<hbm>> -> memref<2000xi32, #tpu.memory_space<hbm>>
        tpu.enqueue_dma source(%dma_start3A_65 : memref<2000xi32, #tpu.memory_space<hbm>>) target(%arg6 : memref<2000xi32, #tpu.memory_space<vmem>>) target_semaphore(%arg11 : memref<!tpu.dma_semaphore, #tpu.memory_space<semaphore_mem>>)
      } else {
      }
    }
    %scan3A_34 = arith.constant 5 : i32
    %barrier3A_35 = arith.constant 0 : index
    tpu.barrier barrier_id(%barrier3A_35)
    %run_scoped3A = arith.constant 0 : i32
    "tpu.region"() ({
      %run_scoped3A_39 = tpu.sem_alloc : memref<!tpu.dma_semaphore, #tpu.memory_space<semaphore_mem>>
      %dma_start3A_40 = arith.constant 0 : i32
      %dma_start3A_41 = tpu.memref_slice %arg4[%arg0, %run_scoped3A, %mul3A_9, %dma_start3A_40] : memref<2x2x10000x16xf32, #tpu.memory_space<hbm>> -> memref<1x1x624x16xf32, #tpu.memory_space<hbm>>
      %dma_start3A_42 = tpu.memref_squeeze %dma_start3A_41 : memref<1x1x624x16xf32, #tpu.memory_space<hbm>> -> memref<624x16xf32, #tpu.memory_space<hbm>>
      %dma_start3A_43 = arith.constant 0 : i32
      %dma_start3A_44 = tpu.memref_slice %arg8[%mul3A_9, %dma_start3A_43] : memref<10000x16xf32, #tpu.memory_space<vmem_shared>> -> memref<624x16xf32, #tpu.memory_space<vmem_shared>>
      tpu.enqueue_dma source(%dma_start3A_44 : memref<624x16xf32, #tpu.memory_space<vmem_shared>>) target(%dma_start3A_42 : memref<624x16xf32, #tpu.memory_space<hbm>>) target_semaphore(%run_scoped3A_39 : memref<!tpu.dma_semaphore, #tpu.memory_space<semaphore_mem>>)
      %dma_wait3A = arith.constant 0 : i32
      %dma_wait3A_45 = tpu.memref_slice %arg4[%arg0, %run_scoped3A, %mul3A_9, %dma_wait3A] : memref<2x2x10000x16xf32, #tpu.memory_space<hbm>> -> memref<1x1x624x16xf32, #tpu.memory_space<hbm>>
      %dma_wait3A_46 = tpu.memref_squeeze %dma_wait3A_45 : memref<1x1x624x16xf32, #tpu.memory_space<hbm>> -> memref<624x16xf32, #tpu.memory_space<hbm>>
      %dma_wait3A_47 = arith.constant 0 : i32
      %dma_wait3A_48 = tpu.memref_slice %arg8[%mul3A_9, %dma_wait3A_47] : memref<10000x16xf32, #tpu.memory_space<vmem_shared>> -> memref<624x16xf32, #tpu.memory_space<vmem_shared>>
      tpu.wait_dma2 semaphore(%run_scoped3A_39 : memref<!tpu.dma_semaphore, #tpu.memory_space<semaphore_mem>>) src(%dma_wait3A_48 : memref<624x16xf32, #tpu.memory_space<vmem_shared>>) dst(%dma_wait3A_46 : memref<624x16xf32, #tpu.memory_space<hbm>>)
      tpu.yield
    }) : () -> ()
    %run_scoped3A_36 = arith.constant 1 : i32
    "tpu.region"() ({
      %run_scoped3A_39 = tpu.sem_alloc : memref<!tpu.dma_semaphore, #tpu.memory_space<semaphore_mem>>
      %dma_start3A_40 = arith.constant 0 : i32
      %dma_start3A_41 = tpu.memref_slice %arg4[%arg0, %run_scoped3A_36, %mul3A_9, %dma_start3A_40] : memref<2x2x10000x16xf32, #tpu.memory_space<hbm>> -> memref<1x1x624x16xf32, #tpu.memory_space<hbm>>
      %dma_start3A_42 = tpu.memref_squeeze %dma_start3A_41 : memref<1x1x624x16xf32, #tpu.memory_space<hbm>> -> memref<624x16xf32, #tpu.memory_space<hbm>>
      %dma_start3A_43 = arith.constant 0 : i32
      %dma_start3A_44 = tpu.memref_slice %arg9[%mul3A_9, %dma_start3A_43] : memref<10000x16xf32, #tpu.memory_space<vmem_shared>> -> memref<624x16xf32, #tpu.memory_space<vmem_shared>>
      tpu.enqueue_dma source(%dma_start3A_44 : memref<624x16xf32, #tpu.memory_space<vmem_shared>>) target(%dma_start3A_42 : memref<624x16xf32, #tpu.memory_space<hbm>>) target_semaphore(%run_scoped3A_39 : memref<!tpu.dma_semaphore, #tpu.memory_space<semaphore_mem>>)
      %dma_wait3A = arith.constant 0 : i32
      %dma_wait3A_45 = tpu.memref_slice %arg4[%arg0, %run_scoped3A_36, %mul3A_9, %dma_wait3A] : memref<2x2x10000x16xf32, #tpu.memory_space<hbm>> -> memref<1x1x624x16xf32, #tpu.memory_space<hbm>>
      %dma_wait3A_46 = tpu.memref_squeeze %dma_wait3A_45 : memref<1x1x624x16xf32, #tpu.memory_space<hbm>> -> memref<624x16xf32, #tpu.memory_space<hbm>>
      %dma_wait3A_47 = arith.constant 0 : i32
      %dma_wait3A_48 = tpu.memref_slice %arg9[%mul3A_9, %dma_wait3A_47] : memref<10000x16xf32, #tpu.memory_space<vmem_shared>> -> memref<624x16xf32, #tpu.memory_space<vmem_shared>>
      tpu.wait_dma2 semaphore(%run_scoped3A_39 : memref<!tpu.dma_semaphore, #tpu.memory_space<semaphore_mem>>) src(%dma_wait3A_48 : memref<624x16xf32, #tpu.memory_space<vmem_shared>>) dst(%dma_wait3A_46 : memref<624x16xf32, #tpu.memory_space<hbm>>)
      tpu.yield
    }) : () -> ()
    %eq3A = arith.constant 15 : i32
    %eq3A_37 = arith.cmpi eq, %arg1, %eq3A : i32
    %convert_element_type3A = arith.extui %eq3A_37 : i1 to i32
    %cond3A = arith.constant 0 : i32
    %cond3A_38 = arith.cmpi ne, %convert_element_type3A, %cond3A : i32
    scf.if %cond3A_38 {
      %run_scoped3A_39 = arith.constant 0 : i32
      "tpu.region"() ({
        %run_scoped3A_41 = tpu.sem_alloc : memref<!tpu.dma_semaphore, #tpu.memory_space<semaphore_mem>>
        %dma_start3A_42 = arith.constant 9984 : i32
        %dma_start3A_43 = arith.constant 0 : i32
        %dma_start3A_44 = tpu.memref_slice %arg4[%arg0, %run_scoped3A_39, %dma_start3A_42, %dma_start3A_43] : memref<2x2x10000x16xf32, #tpu.memory_space<hbm>> -> memref<1x1x16x16xf32, #tpu.memory_space<hbm>>
        %dma_start3A_45 = tpu.memref_squeeze %dma_start3A_44 : memref<1x1x16x16xf32, #tpu.memory_space<hbm>> -> memref<16x16xf32, #tpu.memory_space<hbm>>
        %dma_start3A_46 = arith.constant 9984 : i32
        %dma_start3A_47 = arith.constant 0 : i32
        %dma_start3A_48 = tpu.memref_slice %arg8[%dma_start3A_46, %dma_start3A_47] : memref<10000x16xf32, #tpu.memory_space<vmem_shared>> -> memref<16x16xf32, #tpu.memory_space<vmem_shared>>
        tpu.enqueue_dma source(%dma_start3A_48 : memref<16x16xf32, #tpu.memory_space<vmem_shared>>) target(%dma_start3A_45 : memref<16x16xf32, #tpu.memory_space<hbm>>) target_semaphore(%run_scoped3A_41 : memref<!tpu.dma_semaphore, #tpu.memory_space<semaphore_mem>>)
        %dma_wait3A = arith.constant 9984 : i32
        %dma_wait3A_49 = arith.constant 0 : i32
        %dma_wait3A_50 = tpu.memref_slice %arg4[%arg0, %run_scoped3A_39, %dma_wait3A, %dma_wait3A_49] : memref<2x2x10000x16xf32, #tpu.memory_space<hbm>> -> memref<1x1x16x16xf32, #tpu.memory_space<hbm>>
        %dma_wait3A_51 = tpu.memref_squeeze %dma_wait3A_50 : memref<1x1x16x16xf32, #tpu.memory_space<hbm>> -> memref<16x16xf32, #tpu.memory_space<hbm>>
        %dma_wait3A_52 = arith.constant 9984 : i32
        %dma_wait3A_53 = arith.constant 0 : i32
        %dma_wait3A_54 = tpu.memref_slice %arg8[%dma_wait3A_52, %dma_wait3A_53] : memref<10000x16xf32, #tpu.memory_space<vmem_shared>> -> memref<16x16xf32, #tpu.memory_space<vmem_shared>>
        tpu.wait_dma2 semaphore(%run_scoped3A_41 : memref<!tpu.dma_semaphore, #tpu.memory_space<semaphore_mem>>) src(%dma_wait3A_54 : memref<16x16xf32, #tpu.memory_space<vmem_shared>>) dst(%dma_wait3A_51 : memref<16x16xf32, #tpu.memory_space<hbm>>)
        tpu.yield
      }) : () -> ()
      %run_scoped3A_40 = arith.constant 1 : i32
      "tpu.region"() ({
        %run_scoped3A_41 = tpu.sem_alloc : memref<!tpu.dma_semaphore, #tpu.memory_space<semaphore_mem>>
        %dma_start3A_42 = arith.constant 9984 : i32
        %dma_start3A_43 = arith.constant 0 : i32
        %dma_start3A_44 = tpu.memref_slice %arg4[%arg0, %run_scoped3A_40, %dma_start3A_42, %dma_start3A_43] : memref<2x2x10000x16xf32, #tpu.memory_space<hbm>> -> memref<1x1x16x16xf32, #tpu.memory_space<hbm>>
        %dma_start3A_45 = tpu.memref_squeeze %dma_start3A_44 : memref<1x1x16x16xf32, #tpu.memory_space<hbm>> -> memref<16x16xf32, #tpu.memory_space<hbm>>
        %dma_start3A_46 = arith.constant 9984 : i32
        %dma_start3A_47 = arith.constant 0 : i32
        %dma_start3A_48 = tpu.memref_slice %arg9[%dma_start3A_46, %dma_start3A_47] : memref<10000x16xf32, #tpu.memory_space<vmem_shared>> -> memref<16x16xf32, #tpu.memory_space<vmem_shared>>
        tpu.enqueue_dma source(%dma_start3A_48 : memref<16x16xf32, #tpu.memory_space<vmem_shared>>) target(%dma_start3A_45 : memref<16x16xf32, #tpu.memory_space<hbm>>) target_semaphore(%run_scoped3A_41 : memref<!tpu.dma_semaphore, #tpu.memory_space<semaphore_mem>>)
        %dma_wait3A = arith.constant 9984 : i32
        %dma_wait3A_49 = arith.constant 0 : i32
        %dma_wait3A_50 = tpu.memref_slice %arg4[%arg0, %run_scoped3A_40, %dma_wait3A, %dma_wait3A_49] : memref<2x2x10000x16xf32, #tpu.memory_space<hbm>> -> memref<1x1x16x16xf32, #tpu.memory_space<hbm>>
        %dma_wait3A_51 = tpu.memref_squeeze %dma_wait3A_50 : memref<1x1x16x16xf32, #tpu.memory_space<hbm>> -> memref<16x16xf32, #tpu.memory_space<hbm>>
        %dma_wait3A_52 = arith.constant 9984 : i32
        %dma_wait3A_53 = arith.constant 0 : i32
        %dma_wait3A_54 = tpu.memref_slice %arg9[%dma_wait3A_52, %dma_wait3A_53] : memref<10000x16xf32, #tpu.memory_space<vmem_shared>> -> memref<16x16xf32, #tpu.memory_space<vmem_shared>>
        tpu.wait_dma2 semaphore(%run_scoped3A_41 : memref<!tpu.dma_semaphore, #tpu.memory_space<semaphore_mem>>) src(%dma_wait3A_54 : memref<16x16xf32, #tpu.memory_space<vmem_shared>>) dst(%dma_wait3A_51 : memref<16x16xf32, #tpu.memory_space<hbm>>)
        tpu.yield
      }) : () -> ()
    } else {
    }
    return
  }
}

#map = affine_map<(d0, d1) -> (0, 0)>
#map1 = affine_map<(d0, d1) -> (0, 0, 0)>
module attributes {stable_mosaic.version = 14 : i64} {
  func.func @prop(%arg0: i32, %arg1: i32, %arg2: memref<10000x128xf32, #tpu.memory_space<hbm>>, %arg3: memref<32x80x128xi32, #tpu.memory_space<hbm>>, %arg4: memref<32x80x128xi32, #tpu.memory_space<hbm>>, %arg5: memref<2x10000x128xf32, #tpu.memory_space<hbm>>, %arg6: memref<40x128xi32, #tpu.memory_space<vmem>>, %arg7: memref<40x128xi32, #tpu.memory_space<vmem>>, %arg8: memref<128x128xf32, #tpu.memory_space<vmem>>, %arg9: memref<128x128xf32, #tpu.memory_space<vmem>>, %arg10: memref<10512x128xf32, #tpu.memory_space<vmem_shared>>, %arg11: memref<!tpu.dma_semaphore, #tpu.memory_space<semaphore_mem>>, %arg12: memref<!tpu.dma_semaphore, #tpu.memory_space<semaphore_mem>>) attributes {dimension_semantics = [#tpu.dimension_semantics<core_parallel>, #tpu.dimension_semantics<subcore_parallel>], iteration_bounds = array<i64: 2, 16>, scalar_prefetch = 0 : i64, scratch_operands = 7 : i64, tpu.core_type = #tpu.core_type<sc_vector_subcore>, window_params = [{transform_indices = #map}, {transform_indices = #map1}, {transform_indices = #map1}, {transform_indices = #map1}]} {
    %mul3A = arith.constant 2 : i32
    %mul3A_0 = arith.muli %arg1, %mul3A : i32
    %add3A = arith.addi %mul3A_0, %arg0 : i32
    %broadcast_in_dim3A = arith.constant 0.000000e+00 : f32
    %broadcast_in_dim3A_1 = vector.broadcast %broadcast_in_dim3A : f32 to vector<16xf32>
    %scan3A = arith.constant 0 : i32
    %scan3A_2 = arith.constant 64 : i32
    %scan3A_3 = arith.addi %scan3A, %scan3A_2 : i32
    %scan3A_4 = arith.constant 1 : i32
    scf.for %scan3A_39 = %scan3A to %scan3A_3 step %scan3A_4  : i32 {
      %mul3A_40 = arith.constant 1 : i32
      %mul3A_41 = arith.muli %scan3A_39, %mul3A_40 : i32
      %add3A_42 = arith.constant 0 : i32
      %add3A_43 = arith.addi %add3A_42, %mul3A_41 : i32
      %scan3A_44 = arith.constant 0 : i32
      %scan3A_45 = arith.constant 8 : i32
      %scan3A_46 = arith.addi %scan3A_44, %scan3A_45 : i32
      %scan3A_47 = arith.constant 1 : i32
      scf.for %scan3A_49 = %scan3A_44 to %scan3A_46 step %scan3A_47  : i32 {
        %mul3A_50 = arith.constant 16 : i32
        %mul3A_51 = arith.muli %scan3A_49, %mul3A_50 : i32
        %add3A_52 = arith.constant 0 : i32
        %add3A_53 = arith.addi %add3A_52, %mul3A_51 : i32
        %swap3A = arith.index_cast %add3A_43 : i32 to index
        %swap3A_54 = arith.index_cast %add3A_53 : i32 to index
        %swap3A_55 = tpu.vector_load %arg8[%swap3A, %swap3A_54] {strides = array<i32>} : memref<128x128xf32, #tpu.memory_space<vmem>>, vector<1x16xf32>,
        %swap3A_56 = vector.shape_cast %swap3A_55 : vector<1x16xf32> to vector<16xf32>
        %swap3A_57 = vector.shape_cast %broadcast_in_dim3A_1 : vector<16xf32> to vector<1x16xf32>
        tpu.vector_store %arg8[%swap3A, %swap3A_54], %swap3A_57 {strides = array<i32>} : memref<128x128xf32, #tpu.memory_space<vmem>>, vector<1x16xf32>,
      }
      %scan3A_48 = arith.constant 8 : i32
    }
    %scan3A_5 = arith.constant 64 : i32
    %mul3A_6 = arith.constant 624 : i32
    %mul3A_7 = arith.muli %arg1, %mul3A_6 : i32
    %scan3A_8 = arith.constant 0 : i32
    %scan3A_9 = arith.constant 10 : i32
    %scan3A_10 = arith.addi %scan3A_8, %scan3A_9 : i32
    %scan3A_11 = arith.constant 1 : i32
    scf.for %scan3A_39 = %scan3A_8 to %scan3A_10 step %scan3A_11  : i32 {
      %mul3A_40 = arith.constant 64 : i32
      %mul3A_41 = arith.muli %scan3A_39, %mul3A_40 : i32
      %add3A_42 = arith.constant 0 : i32
      %add3A_43 = arith.addi %add3A_42, %mul3A_41 : i32
      %add3A_44 = arith.addi %mul3A_7, %add3A_43 : i32
      "tpu.region"() ({
        %run_scoped3A = tpu.sem_alloc : memref<!tpu.dma_semaphore, #tpu.memory_space<semaphore_mem>>
        %dma_start3A_45 = arith.constant 0 : i32
        %dma_start3A_46 = arith.constant 0 : i32
        %dma_start3A_47 = tpu.memref_slice %arg8[%dma_start3A_45, %dma_start3A_46] : memref<128x128xf32, #tpu.memory_space<vmem>> -> memref<64x128xf32, #tpu.memory_space<vmem>>
        %dma_start3A_48 = arith.constant 0 : i32
        %dma_start3A_49 = tpu.memref_slice %arg10[%add3A_44, %dma_start3A_48] : memref<10512x128xf32, #tpu.memory_space<vmem_shared>> -> memref<64x128xf32, #tpu.memory_space<vmem_shared>>
        %dma_start3A_50 = arith.constant 0 : i32
        %dma_start3A_51 = tpu.memref_slice %arg10[%add3A_44, %dma_start3A_50] : memref<10512x128xf32, #tpu.memory_space<vmem_shared>> -> memref<64x128xf32, #tpu.memory_space<vmem_shared>>
        %dma_start3A_52 = arith.constant 0 : i32
        %dma_start3A_53 = arith.constant 0 : i32
        %dma_start3A_54 = tpu.memref_slice %arg8[%dma_start3A_52, %dma_start3A_53] : memref<128x128xf32, #tpu.memory_space<vmem>> -> memref<64x128xf32, #tpu.memory_space<vmem>>
        tpu.enqueue_dma source(%dma_start3A_54 : memref<64x128xf32, #tpu.memory_space<vmem>>) target(%dma_start3A_51 : memref<64x128xf32, #tpu.memory_space<vmem_shared>>) target_semaphore(%run_scoped3A : memref<!tpu.dma_semaphore, #tpu.memory_space<semaphore_mem>>)
        %dma_wait3A = arith.constant 0 : i32
        %dma_wait3A_55 = arith.constant 0 : i32
        %dma_wait3A_56 = tpu.memref_slice %arg8[%dma_wait3A, %dma_wait3A_55] : memref<128x128xf32, #tpu.memory_space<vmem>> -> memref<64x128xf32, #tpu.memory_space<vmem>>
        %dma_wait3A_57 = arith.constant 0 : i32
        %dma_wait3A_58 = tpu.memref_slice %arg10[%add3A_44, %dma_wait3A_57] : memref<10512x128xf32, #tpu.memory_space<vmem_shared>> -> memref<64x128xf32, #tpu.memory_space<vmem_shared>>
        %dma_wait3A_59 = arith.constant 0 : i32
        %dma_wait3A_60 = tpu.memref_slice %arg10[%add3A_44, %dma_wait3A_59] : memref<10512x128xf32, #tpu.memory_space<vmem_shared>> -> memref<64x128xf32, #tpu.memory_space<vmem_shared>>
        %dma_wait3A_61 = arith.constant 0 : i32
        %dma_wait3A_62 = arith.constant 0 : i32
        %dma_wait3A_63 = tpu.memref_slice %arg8[%dma_wait3A_61, %dma_wait3A_62] : memref<128x128xf32, #tpu.memory_space<vmem>> -> memref<64x128xf32, #tpu.memory_space<vmem>>
        tpu.wait_dma2 semaphore(%run_scoped3A : memref<!tpu.dma_semaphore, #tpu.memory_space<semaphore_mem>>) src(%dma_wait3A_63 : memref<64x128xf32, #tpu.memory_space<vmem>>) dst(%dma_wait3A_60 : memref<64x128xf32, #tpu.memory_space<vmem_shared>>)
        tpu.yield
      }) : () -> ()
    }
    %scan3A_12 = arith.constant 10 : i32
    %barrier3A = arith.constant 0 : index
    tpu.barrier barrier_id(%barrier3A)
    "tpu.region"() ({
      %run_scoped3A = tpu.sem_alloc : memref<!tpu.dma_semaphore, #tpu.memory_space<semaphore_mem>>
      %dma_start3A_39 = arith.constant 0 : i32
      %dma_start3A_40 = arith.constant 0 : i32
      %dma_start3A_41 = tpu.memref_slice %arg3[%add3A, %dma_start3A_39, %dma_start3A_40] : memref<32x80x128xi32, #tpu.memory_space<hbm>> -> memref<1x40x128xi32, #tpu.memory_space<hbm>>
      %dma_start3A_42 = tpu.memref_squeeze %dma_start3A_41 : memref<1x40x128xi32, #tpu.memory_space<hbm>> -> memref<40x128xi32, #tpu.memory_space<hbm>>
      %dma_start3A_43 = arith.constant 0 : i32
      %dma_start3A_44 = arith.constant 0 : i32
      %dma_start3A_45 = tpu.memref_slice %arg3[%add3A, %dma_start3A_43, %dma_start3A_44] : memref<32x80x128xi32, #tpu.memory_space<hbm>> -> memref<1x40x128xi32, #tpu.memory_space<hbm>>
      %dma_start3A_46 = tpu.memref_squeeze %dma_start3A_45 : memref<1x40x128xi32, #tpu.memory_space<hbm>> -> memref<40x128xi32, #tpu.memory_space<hbm>>
      tpu.enqueue_dma source(%dma_start3A_46 : memref<40x128xi32, #tpu.memory_space<hbm>>) target(%arg6 : memref<40x128xi32, #tpu.memory_space<vmem>>) target_semaphore(%run_scoped3A : memref<!tpu.dma_semaphore, #tpu.memory_space<semaphore_mem>>)
      %dma_wait3A = arith.constant 0 : i32
      %dma_wait3A_47 = arith.constant 0 : i32
      %dma_wait3A_48 = tpu.memref_slice %arg3[%add3A, %dma_wait3A, %dma_wait3A_47] : memref<32x80x128xi32, #tpu.memory_space<hbm>> -> memref<1x40x128xi32, #tpu.memory_space<hbm>>
      %dma_wait3A_49 = tpu.memref_squeeze %dma_wait3A_48 : memref<1x40x128xi32, #tpu.memory_space<hbm>> -> memref<40x128xi32, #tpu.memory_space<hbm>>
      %dma_wait3A_50 = arith.constant 0 : i32
      %dma_wait3A_51 = arith.constant 0 : i32
      %dma_wait3A_52 = tpu.memref_slice %arg3[%add3A, %dma_wait3A_50, %dma_wait3A_51] : memref<32x80x128xi32, #tpu.memory_space<hbm>> -> memref<1x40x128xi32, #tpu.memory_space<hbm>>
      %dma_wait3A_53 = tpu.memref_squeeze %dma_wait3A_52 : memref<1x40x128xi32, #tpu.memory_space<hbm>> -> memref<40x128xi32, #tpu.memory_space<hbm>>
      tpu.wait_dma2 semaphore(%run_scoped3A : memref<!tpu.dma_semaphore, #tpu.memory_space<semaphore_mem>>) src(%dma_wait3A_53 : memref<40x128xi32, #tpu.memory_space<hbm>>) dst(%arg6 : memref<40x128xi32, #tpu.memory_space<vmem>>)
      tpu.yield
    }) : () -> ()
    "tpu.region"() ({
      %run_scoped3A = tpu.sem_alloc : memref<!tpu.dma_semaphore, #tpu.memory_space<semaphore_mem>>
      %dma_start3A_39 = arith.constant 0 : i32
      %dma_start3A_40 = arith.constant 0 : i32
      %dma_start3A_41 = tpu.memref_slice %arg4[%add3A, %dma_start3A_39, %dma_start3A_40] : memref<32x80x128xi32, #tpu.memory_space<hbm>> -> memref<1x40x128xi32, #tpu.memory_space<hbm>>
      %dma_start3A_42 = tpu.memref_squeeze %dma_start3A_41 : memref<1x40x128xi32, #tpu.memory_space<hbm>> -> memref<40x128xi32, #tpu.memory_space<hbm>>
      %dma_start3A_43 = arith.constant 0 : i32
      %dma_start3A_44 = arith.constant 0 : i32
      %dma_start3A_45 = tpu.memref_slice %arg4[%add3A, %dma_start3A_43, %dma_start3A_44] : memref<32x80x128xi32, #tpu.memory_space<hbm>> -> memref<1x40x128xi32, #tpu.memory_space<hbm>>
      %dma_start3A_46 = tpu.memref_squeeze %dma_start3A_45 : memref<1x40x128xi32, #tpu.memory_space<hbm>> -> memref<40x128xi32, #tpu.memory_space<hbm>>
      tpu.enqueue_dma source(%dma_start3A_46 : memref<40x128xi32, #tpu.memory_space<hbm>>) target(%arg7 : memref<40x128xi32, #tpu.memory_space<vmem>>) target_semaphore(%run_scoped3A : memref<!tpu.dma_semaphore, #tpu.memory_space<semaphore_mem>>)
      %dma_wait3A = arith.constant 0 : i32
      %dma_wait3A_47 = arith.constant 0 : i32
      %dma_wait3A_48 = tpu.memref_slice %arg4[%add3A, %dma_wait3A, %dma_wait3A_47] : memref<32x80x128xi32, #tpu.memory_space<hbm>> -> memref<1x40x128xi32, #tpu.memory_space<hbm>>
      %dma_wait3A_49 = tpu.memref_squeeze %dma_wait3A_48 : memref<1x40x128xi32, #tpu.memory_space<hbm>> -> memref<40x128xi32, #tpu.memory_space<hbm>>
      %dma_wait3A_50 = arith.constant 0 : i32
      %dma_wait3A_51 = arith.constant 0 : i32
      %dma_wait3A_52 = tpu.memref_slice %arg4[%add3A, %dma_wait3A_50, %dma_wait3A_51] : memref<32x80x128xi32, #tpu.memory_space<hbm>> -> memref<1x40x128xi32, #tpu.memory_space<hbm>>
      %dma_wait3A_53 = tpu.memref_squeeze %dma_wait3A_52 : memref<1x40x128xi32, #tpu.memory_space<hbm>> -> memref<40x128xi32, #tpu.memory_space<hbm>>
      tpu.wait_dma2 semaphore(%run_scoped3A : memref<!tpu.dma_semaphore, #tpu.memory_space<semaphore_mem>>) src(%dma_wait3A_53 : memref<40x128xi32, #tpu.memory_space<hbm>>) dst(%arg7 : memref<40x128xi32, #tpu.memory_space<vmem>>)
      tpu.yield
    }) : () -> ()
    %dma_start3A = arith.constant 0 : i32
    %dma_start3A_13 = arith.constant 0 : i32
    %dma_start3A_14 = tpu.memref_slice %arg6[%dma_start3A, %dma_start3A_13] : memref<40x128xi32, #tpu.memory_space<vmem>> -> memref<1x128xi32, #tpu.memory_space<vmem>>
    %dma_start3A_15 = tpu.memref_squeeze %dma_start3A_14 : memref<1x128xi32, #tpu.memory_space<vmem>> -> memref<128xi32, #tpu.memory_space<vmem>>
    %dma_start3A_16 = arith.constant 0 : i32
    %dma_start3A_17 = arith.constant 0 : i32
    %dma_start3A_18 = tpu.memref_slice %arg2[%dma_start3A_16, %dma_start3A_17] : memref<10000x128xf32, #tpu.memory_space<hbm>> -> memref<10000x128xf32, #tpu.memory_space<hbm>>
    tpu.enqueue_indirect_dma source(%dma_start3A_18 : memref<10000x128xf32, #tpu.memory_space<hbm>>) target(%arg8 : memref<128x128xf32, #tpu.memory_space<vmem>>) offsets(%dma_start3A_15 : memref<128xi32, #tpu.memory_space<vmem>>) semaphore(%arg11 : memref<!tpu.dma_semaphore, #tpu.memory_space<semaphore_mem>>)
    %scan3A_19 = arith.constant 0 : i32
    %scan3A_20 = arith.constant 20 : i32
    %scan3A_21 = arith.addi %scan3A_19, %scan3A_20 : i32
    %scan3A_22 = arith.constant 1 : i32
    scf.for %scan3A_39 = %scan3A_19 to %scan3A_21 step %scan3A_22  : i32 {
      %mul3A_40 = arith.constant 2 : i32
      %mul3A_41 = arith.muli %scan3A_39, %mul3A_40 : i32
      %add3A_42 = arith.constant 0 : i32
      %add3A_43 = arith.addi %add3A_42, %mul3A_41 : i32
      %add3A_44 = arith.constant 1 : i32
      %add3A_45 = arith.addi %add3A_43, %add3A_44 : i32
      %dma_start3A_46 = arith.constant 0 : i32
      %dma_start3A_47 = tpu.memref_slice %arg6[%add3A_45, %dma_start3A_46] : memref<40x128xi32, #tpu.memory_space<vmem>> -> memref<1x128xi32, #tpu.memory_space<vmem>>
      %dma_start3A_48 = tpu.memref_squeeze %dma_start3A_47 : memref<1x128xi32, #tpu.memory_space<vmem>> -> memref<128xi32, #tpu.memory_space<vmem>>
      %dma_start3A_49 = arith.constant 0 : i32
      %dma_start3A_50 = arith.constant 0 : i32
      %dma_start3A_51 = tpu.memref_slice %arg2[%dma_start3A_49, %dma_start3A_50] : memref<10000x128xf32, #tpu.memory_space<hbm>> -> memref<10000x128xf32, #tpu.memory_space<hbm>>
      tpu.enqueue_indirect_dma source(%dma_start3A_51 : memref<10000x128xf32, #tpu.memory_space<hbm>>) target(%arg9 : memref<128x128xf32, #tpu.memory_space<vmem>>) offsets(%dma_start3A_48 : memref<128xi32, #tpu.memory_space<vmem>>) semaphore(%arg12 : memref<!tpu.dma_semaphore, #tpu.memory_space<semaphore_mem>>)
      %dma_wait3A = arith.constant 0 : i32
      %dma_wait3A_52 = tpu.memref_slice %arg6[%add3A_43, %dma_wait3A] : memref<40x128xi32, #tpu.memory_space<vmem>> -> memref<1x128xi32, #tpu.memory_space<vmem>>
      %dma_wait3A_53 = tpu.memref_squeeze %dma_wait3A_52 : memref<1x128xi32, #tpu.memory_space<vmem>> -> memref<128xi32, #tpu.memory_space<vmem>>
      %dma_wait3A_54 = arith.constant 0 : i32
      %dma_wait3A_55 = arith.constant 0 : i32
      %dma_wait3A_56 = tpu.memref_slice %arg2[%dma_wait3A_54, %dma_wait3A_55] : memref<10000x128xf32, #tpu.memory_space<hbm>> -> memref<10000x128xf32, #tpu.memory_space<hbm>>
      tpu.wait_indirect_dma semaphore(%arg11 : memref<!tpu.dma_semaphore, #tpu.memory_space<semaphore_mem>>) src(%dma_wait3A_56 : memref<10000x128xf32, #tpu.memory_space<hbm>>) dst(%arg8 : memref<128x128xf32, #tpu.memory_space<vmem>>)
      "tpu.region"() ({
        %run_scoped3A = tpu.sem_alloc : memref<!tpu.dma_semaphore, #tpu.memory_space<semaphore_mem>>
        %dma_start3A_71 = arith.constant 0 : i32
        %dma_start3A_72 = tpu.memref_slice %arg7[%add3A_43, %dma_start3A_71] : memref<40x128xi32, #tpu.memory_space<vmem>> -> memref<1x128xi32, #tpu.memory_space<vmem>>
        %dma_start3A_73 = tpu.memref_squeeze %dma_start3A_72 : memref<1x128xi32, #tpu.memory_space<vmem>> -> memref<128xi32, #tpu.memory_space<vmem>>
        %dma_start3A_74 = arith.constant 0 : i32
        %dma_start3A_75 = arith.constant 0 : i32
        %dma_start3A_76 = tpu.memref_slice %arg10[%dma_start3A_74, %dma_start3A_75] : memref<10512x128xf32, #tpu.memory_space<vmem_shared>> -> memref<10512x128xf32, #tpu.memory_space<vmem_shared>>
        tpu.enqueue_indirect_dma source(%arg8 : memref<128x128xf32, #tpu.memory_space<vmem>>) target(%dma_start3A_76 : memref<10512x128xf32, #tpu.memory_space<vmem_shared>>) offsets(%dma_start3A_73 : memref<128xi32, #tpu.memory_space<vmem>>) semaphore(%run_scoped3A : memref<!tpu.dma_semaphore, #tpu.memory_space<semaphore_mem>>) {add = true}
        %dma_wait3A_77 = arith.constant 0 : i32
        %dma_wait3A_78 = tpu.memref_slice %arg7[%add3A_43, %dma_wait3A_77] : memref<40x128xi32, #tpu.memory_space<vmem>> -> memref<1x128xi32, #tpu.memory_space<vmem>>
        %dma_wait3A_79 = tpu.memref_squeeze %dma_wait3A_78 : memref<1x128xi32, #tpu.memory_space<vmem>> -> memref<128xi32, #tpu.memory_space<vmem>>
        %dma_wait3A_80 = arith.constant 0 : i32
        %dma_wait3A_81 = arith.constant 0 : i32
        %dma_wait3A_82 = tpu.memref_slice %arg10[%dma_wait3A_80, %dma_wait3A_81] : memref<10512x128xf32, #tpu.memory_space<vmem_shared>> -> memref<10512x128xf32, #tpu.memory_space<vmem_shared>>
        tpu.wait_indirect_dma semaphore(%run_scoped3A : memref<!tpu.dma_semaphore, #tpu.memory_space<semaphore_mem>>) src(%arg8 : memref<128x128xf32, #tpu.memory_space<vmem>>) dst(%dma_wait3A_82 : memref<10512x128xf32, #tpu.memory_space<vmem_shared>>)
        tpu.yield
      }) : () -> ()
      %lt3A = arith.constant 38 : i32
      %lt3A_57 = arith.cmpi slt, %add3A_43, %lt3A : i32
      %convert_element_type3A_58 = arith.extui %lt3A_57 : i1 to i32
      %cond3A_59 = arith.constant 0 : i32
      %cond3A_60 = arith.cmpi ne, %convert_element_type3A_58, %cond3A_59 : i32
      scf.if %cond3A_60 {
        %add3A_71 = arith.constant 2 : i32
        %add3A_72 = arith.addi %add3A_43, %add3A_71 : i32
        %dma_start3A_73 = arith.constant 0 : i32
        %dma_start3A_74 = tpu.memref_slice %arg6[%add3A_72, %dma_start3A_73] : memref<40x128xi32, #tpu.memory_space<vmem>> -> memref<1x128xi32, #tpu.memory_space<vmem>>
        %dma_start3A_75 = tpu.memref_squeeze %dma_start3A_74 : memref<1x128xi32, #tpu.memory_space<vmem>> -> memref<128xi32, #tpu.memory_space<vmem>>
        %dma_start3A_76 = arith.constant 0 : i32
        %dma_start3A_77 = arith.constant 0 : i32
        %dma_start3A_78 = tpu.memref_slice %arg2[%dma_start3A_76, %dma_start3A_77] : memref<10000x128xf32, #tpu.memory_space<hbm>> -> memref<10000x128xf32, #tpu.memory_space<hbm>>
        tpu.enqueue_indirect_dma source(%dma_start3A_78 : memref<10000x128xf32, #tpu.memory_space<hbm>>) target(%arg8 : memref<128x128xf32, #tpu.memory_space<vmem>>) offsets(%dma_start3A_75 : memref<128xi32, #tpu.memory_space<vmem>>) semaphore(%arg11 : memref<!tpu.dma_semaphore, #tpu.memory_space<semaphore_mem>>)
      } else {
      }
      %add3A_61 = arith.constant 1 : i32
      %add3A_62 = arith.addi %add3A_43, %add3A_61 : i32
      %dma_wait3A_63 = arith.constant 0 : i32
      %dma_wait3A_64 = tpu.memref_slice %arg6[%add3A_62, %dma_wait3A_63] : memref<40x128xi32, #tpu.memory_space<vmem>> -> memref<1x128xi32, #tpu.memory_space<vmem>>
      %dma_wait3A_65 = tpu.memref_squeeze %dma_wait3A_64 : memref<1x128xi32, #tpu.memory_space<vmem>> -> memref<128xi32, #tpu.memory_space<vmem>>
      %dma_wait3A_66 = arith.constant 0 : i32
      %dma_wait3A_67 = arith.constant 0 : i32
      %dma_wait3A_68 = tpu.memref_slice %arg2[%dma_wait3A_66, %dma_wait3A_67] : memref<10000x128xf32, #tpu.memory_space<hbm>> -> memref<10000x128xf32, #tpu.memory_space<hbm>>
      tpu.wait_indirect_dma semaphore(%arg12 : memref<!tpu.dma_semaphore, #tpu.memory_space<semaphore_mem>>) src(%dma_wait3A_68 : memref<10000x128xf32, #tpu.memory_space<hbm>>) dst(%arg9 : memref<128x128xf32, #tpu.memory_space<vmem>>)
      %add3A_69 = arith.constant 1 : i32
      %add3A_70 = arith.addi %add3A_43, %add3A_69 : i32
      "tpu.region"() ({
        %run_scoped3A = tpu.sem_alloc : memref<!tpu.dma_semaphore, #tpu.memory_space<semaphore_mem>>
        %dma_start3A_71 = arith.constant 0 : i32
        %dma_start3A_72 = tpu.memref_slice %arg7[%add3A_70, %dma_start3A_71] : memref<40x128xi32, #tpu.memory_space<vmem>> -> memref<1x128xi32, #tpu.memory_space<vmem>>
        %dma_start3A_73 = tpu.memref_squeeze %dma_start3A_72 : memref<1x128xi32, #tpu.memory_space<vmem>> -> memref<128xi32, #tpu.memory_space<vmem>>
        %dma_start3A_74 = arith.constant 0 : i32
        %dma_start3A_75 = arith.constant 0 : i32
        %dma_start3A_76 = tpu.memref_slice %arg10[%dma_start3A_74, %dma_start3A_75] : memref<10512x128xf32, #tpu.memory_space<vmem_shared>> -> memref<10512x128xf32, #tpu.memory_space<vmem_shared>>
        tpu.enqueue_indirect_dma source(%arg9 : memref<128x128xf32, #tpu.memory_space<vmem>>) target(%dma_start3A_76 : memref<10512x128xf32, #tpu.memory_space<vmem_shared>>) offsets(%dma_start3A_73 : memref<128xi32, #tpu.memory_space<vmem>>) semaphore(%run_scoped3A : memref<!tpu.dma_semaphore, #tpu.memory_space<semaphore_mem>>) {add = true}
        %dma_wait3A_77 = arith.constant 0 : i32
        %dma_wait3A_78 = tpu.memref_slice %arg7[%add3A_70, %dma_wait3A_77] : memref<40x128xi32, #tpu.memory_space<vmem>> -> memref<1x128xi32, #tpu.memory_space<vmem>>
        %dma_wait3A_79 = tpu.memref_squeeze %dma_wait3A_78 : memref<1x128xi32, #tpu.memory_space<vmem>> -> memref<128xi32, #tpu.memory_space<vmem>>
        %dma_wait3A_80 = arith.constant 0 : i32
        %dma_wait3A_81 = arith.constant 0 : i32
        %dma_wait3A_82 = tpu.memref_slice %arg10[%dma_wait3A_80, %dma_wait3A_81] : memref<10512x128xf32, #tpu.memory_space<vmem_shared>> -> memref<10512x128xf32, #tpu.memory_space<vmem_shared>>
        tpu.wait_indirect_dma semaphore(%run_scoped3A : memref<!tpu.dma_semaphore, #tpu.memory_space<semaphore_mem>>) src(%arg9 : memref<128x128xf32, #tpu.memory_space<vmem>>) dst(%dma_wait3A_82 : memref<10512x128xf32, #tpu.memory_space<vmem_shared>>)
        tpu.yield
      }) : () -> ()
    }
    %scan3A_23 = arith.constant 20 : i32
    "tpu.region"() ({
      %run_scoped3A = tpu.sem_alloc : memref<!tpu.dma_semaphore, #tpu.memory_space<semaphore_mem>>
      %dma_start3A_39 = arith.constant 40 : i32
      %dma_start3A_40 = arith.constant 0 : i32
      %dma_start3A_41 = tpu.memref_slice %arg3[%add3A, %dma_start3A_39, %dma_start3A_40] : memref<32x80x128xi32, #tpu.memory_space<hbm>> -> memref<1x40x128xi32, #tpu.memory_space<hbm>>
      %dma_start3A_42 = tpu.memref_squeeze %dma_start3A_41 : memref<1x40x128xi32, #tpu.memory_space<hbm>> -> memref<40x128xi32, #tpu.memory_space<hbm>>
      %dma_start3A_43 = arith.constant 40 : i32
      %dma_start3A_44 = arith.constant 0 : i32
      %dma_start3A_45 = tpu.memref_slice %arg3[%add3A, %dma_start3A_43, %dma_start3A_44] : memref<32x80x128xi32, #tpu.memory_space<hbm>> -> memref<1x40x128xi32, #tpu.memory_space<hbm>>
      %dma_start3A_46 = tpu.memref_squeeze %dma_start3A_45 : memref<1x40x128xi32, #tpu.memory_space<hbm>> -> memref<40x128xi32, #tpu.memory_space<hbm>>
      tpu.enqueue_dma source(%dma_start3A_46 : memref<40x128xi32, #tpu.memory_space<hbm>>) target(%arg6 : memref<40x128xi32, #tpu.memory_space<vmem>>) target_semaphore(%run_scoped3A : memref<!tpu.dma_semaphore, #tpu.memory_space<semaphore_mem>>)
      %dma_wait3A = arith.constant 40 : i32
      %dma_wait3A_47 = arith.constant 0 : i32
      %dma_wait3A_48 = tpu.memref_slice %arg3[%add3A, %dma_wait3A, %dma_wait3A_47] : memref<32x80x128xi32, #tpu.memory_space<hbm>> -> memref<1x40x128xi32, #tpu.memory_space<hbm>>
      %dma_wait3A_49 = tpu.memref_squeeze %dma_wait3A_48 : memref<1x40x128xi32, #tpu.memory_space<hbm>> -> memref<40x128xi32, #tpu.memory_space<hbm>>
      %dma_wait3A_50 = arith.constant 40 : i32
      %dma_wait3A_51 = arith.constant 0 : i32
      %dma_wait3A_52 = tpu.memref_slice %arg3[%add3A, %dma_wait3A_50, %dma_wait3A_51] : memref<32x80x128xi32, #tpu.memory_space<hbm>> -> memref<1x40x128xi32, #tpu.memory_space<hbm>>
      %dma_wait3A_53 = tpu.memref_squeeze %dma_wait3A_52 : memref<1x40x128xi32, #tpu.memory_space<hbm>> -> memref<40x128xi32, #tpu.memory_space<hbm>>
      tpu.wait_dma2 semaphore(%run_scoped3A : memref<!tpu.dma_semaphore, #tpu.memory_space<semaphore_mem>>) src(%dma_wait3A_53 : memref<40x128xi32, #tpu.memory_space<hbm>>) dst(%arg6 : memref<40x128xi32, #tpu.memory_space<vmem>>)
      tpu.yield
    }) : () -> ()
    "tpu.region"() ({
      %run_scoped3A = tpu.sem_alloc : memref<!tpu.dma_semaphore, #tpu.memory_space<semaphore_mem>>
      %dma_start3A_39 = arith.constant 40 : i32
      %dma_start3A_40 = arith.constant 0 : i32
      %dma_start3A_41 = tpu.memref_slice %arg4[%add3A, %dma_start3A_39, %dma_start3A_40] : memref<32x80x128xi32, #tpu.memory_space<hbm>> -> memref<1x40x128xi32, #tpu.memory_space<hbm>>
      %dma_start3A_42 = tpu.memref_squeeze %dma_start3A_41 : memref<1x40x128xi32, #tpu.memory_space<hbm>> -> memref<40x128xi32, #tpu.memory_space<hbm>>
      %dma_start3A_43 = arith.constant 40 : i32
      %dma_start3A_44 = arith.constant 0 : i32
      %dma_start3A_45 = tpu.memref_slice %arg4[%add3A, %dma_start3A_43, %dma_start3A_44] : memref<32x80x128xi32, #tpu.memory_space<hbm>> -> memref<1x40x128xi32, #tpu.memory_space<hbm>>
      %dma_start3A_46 = tpu.memref_squeeze %dma_start3A_45 : memref<1x40x128xi32, #tpu.memory_space<hbm>> -> memref<40x128xi32, #tpu.memory_space<hbm>>
      tpu.enqueue_dma source(%dma_start3A_46 : memref<40x128xi32, #tpu.memory_space<hbm>>) target(%arg7 : memref<40x128xi32, #tpu.memory_space<vmem>>) target_semaphore(%run_scoped3A : memref<!tpu.dma_semaphore, #tpu.memory_space<semaphore_mem>>)
      %dma_wait3A = arith.constant 40 : i32
      %dma_wait3A_47 = arith.constant 0 : i32
      %dma_wait3A_48 = tpu.memref_slice %arg4[%add3A, %dma_wait3A, %dma_wait3A_47] : memref<32x80x128xi32, #tpu.memory_space<hbm>> -> memref<1x40x128xi32, #tpu.memory_space<hbm>>
      %dma_wait3A_49 = tpu.memref_squeeze %dma_wait3A_48 : memref<1x40x128xi32, #tpu.memory_space<hbm>> -> memref<40x128xi32, #tpu.memory_space<hbm>>
      %dma_wait3A_50 = arith.constant 40 : i32
      %dma_wait3A_51 = arith.constant 0 : i32
      %dma_wait3A_52 = tpu.memref_slice %arg4[%add3A, %dma_wait3A_50, %dma_wait3A_51] : memref<32x80x128xi32, #tpu.memory_space<hbm>> -> memref<1x40x128xi32, #tpu.memory_space<hbm>>
      %dma_wait3A_53 = tpu.memref_squeeze %dma_wait3A_52 : memref<1x40x128xi32, #tpu.memory_space<hbm>> -> memref<40x128xi32, #tpu.memory_space<hbm>>
      tpu.wait_dma2 semaphore(%run_scoped3A : memref<!tpu.dma_semaphore, #tpu.memory_space<semaphore_mem>>) src(%dma_wait3A_53 : memref<40x128xi32, #tpu.memory_space<hbm>>) dst(%arg7 : memref<40x128xi32, #tpu.memory_space<vmem>>)
      tpu.yield
    }) : () -> ()
    %dma_start3A_24 = arith.constant 0 : i32
    %dma_start3A_25 = arith.constant 0 : i32
    %dma_start3A_26 = tpu.memref_slice %arg6[%dma_start3A_24, %dma_start3A_25] : memref<40x128xi32, #tpu.memory_space<vmem>> -> memref<1x128xi32, #tpu.memory_space<vmem>>
    %dma_start3A_27 = tpu.memref_squeeze %dma_start3A_26 : memref<1x128xi32, #tpu.memory_space<vmem>> -> memref<128xi32, #tpu.memory_space<vmem>>
    %dma_start3A_28 = arith.constant 0 : i32
    %dma_start3A_29 = arith.constant 0 : i32
    %dma_start3A_30 = tpu.memref_slice %arg2[%dma_start3A_28, %dma_start3A_29] : memref<10000x128xf32, #tpu.memory_space<hbm>> -> memref<10000x128xf32, #tpu.memory_space<hbm>>
    tpu.enqueue_indirect_dma source(%dma_start3A_30 : memref<10000x128xf32, #tpu.memory_space<hbm>>) target(%arg8 : memref<128x128xf32, #tpu.memory_space<vmem>>) offsets(%dma_start3A_27 : memref<128xi32, #tpu.memory_space<vmem>>) semaphore(%arg11 : memref<!tpu.dma_semaphore, #tpu.memory_space<semaphore_mem>>)
    %scan3A_31 = arith.constant 0 : i32
    %scan3A_32 = arith.constant 20 : i32
    %scan3A_33 = arith.addi %scan3A_31, %scan3A_32 : i32
    %scan3A_34 = arith.constant 1 : i32
    scf.for %scan3A_39 = %scan3A_31 to %scan3A_33 step %scan3A_34  : i32 {
      %mul3A_40 = arith.constant 2 : i32
      %mul3A_41 = arith.muli %scan3A_39, %mul3A_40 : i32
      %add3A_42 = arith.constant 0 : i32
      %add3A_43 = arith.addi %add3A_42, %mul3A_41 : i32
      %add3A_44 = arith.constant 1 : i32
      %add3A_45 = arith.addi %add3A_43, %add3A_44 : i32
      %dma_start3A_46 = arith.constant 0 : i32
      %dma_start3A_47 = tpu.memref_slice %arg6[%add3A_45, %dma_start3A_46] : memref<40x128xi32, #tpu.memory_space<vmem>> -> memref<1x128xi32, #tpu.memory_space<vmem>>
      %dma_start3A_48 = tpu.memref_squeeze %dma_start3A_47 : memref<1x128xi32, #tpu.memory_space<vmem>> -> memref<128xi32, #tpu.memory_space<vmem>>
      %dma_start3A_49 = arith.constant 0 : i32
      %dma_start3A_50 = arith.constant 0 : i32
      %dma_start3A_51 = tpu.memref_slice %arg2[%dma_start3A_49, %dma_start3A_50] : memref<10000x128xf32, #tpu.memory_space<hbm>> -> memref<10000x128xf32, #tpu.memory_space<hbm>>
      tpu.enqueue_indirect_dma source(%dma_start3A_51 : memref<10000x128xf32, #tpu.memory_space<hbm>>) target(%arg9 : memref<128x128xf32, #tpu.memory_space<vmem>>) offsets(%dma_start3A_48 : memref<128xi32, #tpu.memory_space<vmem>>) semaphore(%arg12 : memref<!tpu.dma_semaphore, #tpu.memory_space<semaphore_mem>>)
      %dma_wait3A = arith.constant 0 : i32
      %dma_wait3A_52 = tpu.memref_slice %arg6[%add3A_43, %dma_wait3A] : memref<40x128xi32, #tpu.memory_space<vmem>> -> memref<1x128xi32, #tpu.memory_space<vmem>>
      %dma_wait3A_53 = tpu.memref_squeeze %dma_wait3A_52 : memref<1x128xi32, #tpu.memory_space<vmem>> -> memref<128xi32, #tpu.memory_space<vmem>>
      %dma_wait3A_54 = arith.constant 0 : i32
      %dma_wait3A_55 = arith.constant 0 : i32
      %dma_wait3A_56 = tpu.memref_slice %arg2[%dma_wait3A_54, %dma_wait3A_55] : memref<10000x128xf32, #tpu.memory_space<hbm>> -> memref<10000x128xf32, #tpu.memory_space<hbm>>
      tpu.wait_indirect_dma semaphore(%arg11 : memref<!tpu.dma_semaphore, #tpu.memory_space<semaphore_mem>>) src(%dma_wait3A_56 : memref<10000x128xf32, #tpu.memory_space<hbm>>) dst(%arg8 : memref<128x128xf32, #tpu.memory_space<vmem>>)
      "tpu.region"() ({
        %run_scoped3A = tpu.sem_alloc : memref<!tpu.dma_semaphore, #tpu.memory_space<semaphore_mem>>
        %dma_start3A_71 = arith.constant 0 : i32
        %dma_start3A_72 = tpu.memref_slice %arg7[%add3A_43, %dma_start3A_71] : memref<40x128xi32, #tpu.memory_space<vmem>> -> memref<1x128xi32, #tpu.memory_space<vmem>>
        %dma_start3A_73 = tpu.memref_squeeze %dma_start3A_72 : memref<1x128xi32, #tpu.memory_space<vmem>> -> memref<128xi32, #tpu.memory_space<vmem>>
        %dma_start3A_74 = arith.constant 0 : i32
        %dma_start3A_75 = arith.constant 0 : i32
        %dma_start3A_76 = tpu.memref_slice %arg10[%dma_start3A_74, %dma_start3A_75] : memref<10512x128xf32, #tpu.memory_space<vmem_shared>> -> memref<10512x128xf32, #tpu.memory_space<vmem_shared>>
        tpu.enqueue_indirect_dma source(%arg8 : memref<128x128xf32, #tpu.memory_space<vmem>>) target(%dma_start3A_76 : memref<10512x128xf32, #tpu.memory_space<vmem_shared>>) offsets(%dma_start3A_73 : memref<128xi32, #tpu.memory_space<vmem>>) semaphore(%run_scoped3A : memref<!tpu.dma_semaphore, #tpu.memory_space<semaphore_mem>>) {add = true}
        %dma_wait3A_77 = arith.constant 0 : i32
        %dma_wait3A_78 = tpu.memref_slice %arg7[%add3A_43, %dma_wait3A_77] : memref<40x128xi32, #tpu.memory_space<vmem>> -> memref<1x128xi32, #tpu.memory_space<vmem>>
        %dma_wait3A_79 = tpu.memref_squeeze %dma_wait3A_78 : memref<1x128xi32, #tpu.memory_space<vmem>> -> memref<128xi32, #tpu.memory_space<vmem>>
        %dma_wait3A_80 = arith.constant 0 : i32
        %dma_wait3A_81 = arith.constant 0 : i32
        %dma_wait3A_82 = tpu.memref_slice %arg10[%dma_wait3A_80, %dma_wait3A_81] : memref<10512x128xf32, #tpu.memory_space<vmem_shared>> -> memref<10512x128xf32, #tpu.memory_space<vmem_shared>>
        tpu.wait_indirect_dma semaphore(%run_scoped3A : memref<!tpu.dma_semaphore, #tpu.memory_space<semaphore_mem>>) src(%arg8 : memref<128x128xf32, #tpu.memory_space<vmem>>) dst(%dma_wait3A_82 : memref<10512x128xf32, #tpu.memory_space<vmem_shared>>)
        tpu.yield
      }) : () -> ()
      %lt3A = arith.constant 38 : i32
      %lt3A_57 = arith.cmpi slt, %add3A_43, %lt3A : i32
      %convert_element_type3A_58 = arith.extui %lt3A_57 : i1 to i32
      %cond3A_59 = arith.constant 0 : i32
      %cond3A_60 = arith.cmpi ne, %convert_element_type3A_58, %cond3A_59 : i32
      scf.if %cond3A_60 {
        %add3A_71 = arith.constant 2 : i32
        %add3A_72 = arith.addi %add3A_43, %add3A_71 : i32
        %dma_start3A_73 = arith.constant 0 : i32
        %dma_start3A_74 = tpu.memref_slice %arg6[%add3A_72, %dma_start3A_73] : memref<40x128xi32, #tpu.memory_space<vmem>> -> memref<1x128xi32, #tpu.memory_space<vmem>>
        %dma_start3A_75 = tpu.memref_squeeze %dma_start3A_74 : memref<1x128xi32, #tpu.memory_space<vmem>> -> memref<128xi32, #tpu.memory_space<vmem>>
        %dma_start3A_76 = arith.constant 0 : i32
        %dma_start3A_77 = arith.constant 0 : i32
        %dma_start3A_78 = tpu.memref_slice %arg2[%dma_start3A_76, %dma_start3A_77] : memref<10000x128xf32, #tpu.memory_space<hbm>> -> memref<10000x128xf32, #tpu.memory_space<hbm>>
        tpu.enqueue_indirect_dma source(%dma_start3A_78 : memref<10000x128xf32, #tpu.memory_space<hbm>>) target(%arg8 : memref<128x128xf32, #tpu.memory_space<vmem>>) offsets(%dma_start3A_75 : memref<128xi32, #tpu.memory_space<vmem>>) semaphore(%arg11 : memref<!tpu.dma_semaphore, #tpu.memory_space<semaphore_mem>>)
      } else {
      }
      %add3A_61 = arith.constant 1 : i32
      %add3A_62 = arith.addi %add3A_43, %add3A_61 : i32
      %dma_wait3A_63 = arith.constant 0 : i32
      %dma_wait3A_64 = tpu.memref_slice %arg6[%add3A_62, %dma_wait3A_63] : memref<40x128xi32, #tpu.memory_space<vmem>> -> memref<1x128xi32, #tpu.memory_space<vmem>>
      %dma_wait3A_65 = tpu.memref_squeeze %dma_wait3A_64 : memref<1x128xi32, #tpu.memory_space<vmem>> -> memref<128xi32, #tpu.memory_space<vmem>>
      %dma_wait3A_66 = arith.constant 0 : i32
      %dma_wait3A_67 = arith.constant 0 : i32
      %dma_wait3A_68 = tpu.memref_slice %arg2[%dma_wait3A_66, %dma_wait3A_67] : memref<10000x128xf32, #tpu.memory_space<hbm>> -> memref<10000x128xf32, #tpu.memory_space<hbm>>
      tpu.wait_indirect_dma semaphore(%arg12 : memref<!tpu.dma_semaphore, #tpu.memory_space<semaphore_mem>>) src(%dma_wait3A_68 : memref<10000x128xf32, #tpu.memory_space<hbm>>) dst(%arg9 : memref<128x128xf32, #tpu.memory_space<vmem>>)
      %add3A_69 = arith.constant 1 : i32
      %add3A_70 = arith.addi %add3A_43, %add3A_69 : i32
      "tpu.region"() ({
        %run_scoped3A = tpu.sem_alloc : memref<!tpu.dma_semaphore, #tpu.memory_space<semaphore_mem>>
        %dma_start3A_71 = arith.constant 0 : i32
        %dma_start3A_72 = tpu.memref_slice %arg7[%add3A_70, %dma_start3A_71] : memref<40x128xi32, #tpu.memory_space<vmem>> -> memref<1x128xi32, #tpu.memory_space<vmem>>
        %dma_start3A_73 = tpu.memref_squeeze %dma_start3A_72 : memref<1x128xi32, #tpu.memory_space<vmem>> -> memref<128xi32, #tpu.memory_space<vmem>>
        %dma_start3A_74 = arith.constant 0 : i32
        %dma_start3A_75 = arith.constant 0 : i32
        %dma_start3A_76 = tpu.memref_slice %arg10[%dma_start3A_74, %dma_start3A_75] : memref<10512x128xf32, #tpu.memory_space<vmem_shared>> -> memref<10512x128xf32, #tpu.memory_space<vmem_shared>>
        tpu.enqueue_indirect_dma source(%arg9 : memref<128x128xf32, #tpu.memory_space<vmem>>) target(%dma_start3A_76 : memref<10512x128xf32, #tpu.memory_space<vmem_shared>>) offsets(%dma_start3A_73 : memref<128xi32, #tpu.memory_space<vmem>>) semaphore(%run_scoped3A : memref<!tpu.dma_semaphore, #tpu.memory_space<semaphore_mem>>) {add = true}
        %dma_wait3A_77 = arith.constant 0 : i32
        %dma_wait3A_78 = tpu.memref_slice %arg7[%add3A_70, %dma_wait3A_77] : memref<40x128xi32, #tpu.memory_space<vmem>> -> memref<1x128xi32, #tpu.memory_space<vmem>>
        %dma_wait3A_79 = tpu.memref_squeeze %dma_wait3A_78 : memref<1x128xi32, #tpu.memory_space<vmem>> -> memref<128xi32, #tpu.memory_space<vmem>>
        %dma_wait3A_80 = arith.constant 0 : i32
        %dma_wait3A_81 = arith.constant 0 : i32
        %dma_wait3A_82 = tpu.memref_slice %arg10[%dma_wait3A_80, %dma_wait3A_81] : memref<10512x128xf32, #tpu.memory_space<vmem_shared>> -> memref<10512x128xf32, #tpu.memory_space<vmem_shared>>
        tpu.wait_indirect_dma semaphore(%run_scoped3A : memref<!tpu.dma_semaphore, #tpu.memory_space<semaphore_mem>>) src(%arg9 : memref<128x128xf32, #tpu.memory_space<vmem>>) dst(%dma_wait3A_82 : memref<10512x128xf32, #tpu.memory_space<vmem_shared>>)
        tpu.yield
      }) : () -> ()
    }
    %scan3A_35 = arith.constant 20 : i32
    %barrier3A_36 = arith.constant 0 : index
    tpu.barrier barrier_id(%barrier3A_36)
    "tpu.region"() ({
      %run_scoped3A = tpu.sem_alloc : memref<!tpu.dma_semaphore, #tpu.memory_space<semaphore_mem>>
      %dma_start3A_39 = arith.constant 0 : i32
      %dma_start3A_40 = tpu.memref_slice %arg5[%arg0, %mul3A_7, %dma_start3A_39] : memref<2x10000x128xf32, #tpu.memory_space<hbm>> -> memref<1x624x128xf32, #tpu.memory_space<hbm>>
      %dma_start3A_41 = tpu.memref_squeeze %dma_start3A_40 : memref<1x624x128xf32, #tpu.memory_space<hbm>> -> memref<624x128xf32, #tpu.memory_space<hbm>>
      %dma_start3A_42 = arith.constant 0 : i32
      %dma_start3A_43 = tpu.memref_slice %arg10[%mul3A_7, %dma_start3A_42] : memref<10512x128xf32, #tpu.memory_space<vmem_shared>> -> memref<624x128xf32, #tpu.memory_space<vmem_shared>>
      tpu.enqueue_dma source(%dma_start3A_43 : memref<624x128xf32, #tpu.memory_space<vmem_shared>>) target(%dma_start3A_41 : memref<624x128xf32, #tpu.memory_space<hbm>>) target_semaphore(%run_scoped3A : memref<!tpu.dma_semaphore, #tpu.memory_space<semaphore_mem>>)
      %dma_wait3A = arith.constant 0 : i32
      %dma_wait3A_44 = tpu.memref_slice %arg5[%arg0, %mul3A_7, %dma_wait3A] : memref<2x10000x128xf32, #tpu.memory_space<hbm>> -> memref<1x624x128xf32, #tpu.memory_space<hbm>>
      %dma_wait3A_45 = tpu.memref_squeeze %dma_wait3A_44 : memref<1x624x128xf32, #tpu.memory_space<hbm>> -> memref<624x128xf32, #tpu.memory_space<hbm>>
      %dma_wait3A_46 = arith.constant 0 : i32
      %dma_wait3A_47 = tpu.memref_slice %arg10[%mul3A_7, %dma_wait3A_46] : memref<10512x128xf32, #tpu.memory_space<vmem_shared>> -> memref<624x128xf32, #tpu.memory_space<vmem_shared>>
      tpu.wait_dma2 semaphore(%run_scoped3A : memref<!tpu.dma_semaphore, #tpu.memory_space<semaphore_mem>>) src(%dma_wait3A_47 : memref<624x128xf32, #tpu.memory_space<vmem_shared>>) dst(%dma_wait3A_45 : memref<624x128xf32, #tpu.memory_space<hbm>>)
      tpu.yield
    }) : () -> ()
    %eq3A = arith.constant 15 : i32
    %eq3A_37 = arith.cmpi eq, %arg1, %eq3A : i32
    %convert_element_type3A = arith.extui %eq3A_37 : i1 to i32
    %cond3A = arith.constant 0 : i32
    %cond3A_38 = arith.cmpi ne, %convert_element_type3A, %cond3A : i32
    scf.if %cond3A_38 {
      "tpu.region"() ({
        %run_scoped3A = tpu.sem_alloc : memref<!tpu.dma_semaphore, #tpu.memory_space<semaphore_mem>>
        %dma_start3A_39 = arith.constant 9984 : i32
        %dma_start3A_40 = arith.constant 0 : i32
        %dma_start3A_41 = tpu.memref_slice %arg5[%arg0, %dma_start3A_39, %dma_start3A_40] : memref<2x10000x128xf32, #tpu.memory_space<hbm>> -> memref<1x16x128xf32, #tpu.memory_space<hbm>>
        %dma_start3A_42 = tpu.memref_squeeze %dma_start3A_41 : memref<1x16x128xf32, #tpu.memory_space<hbm>> -> memref<16x128xf32, #tpu.memory_space<hbm>>
        %dma_start3A_43 = arith.constant 9984 : i32
        %dma_start3A_44 = arith.constant 0 : i32
        %dma_start3A_45 = tpu.memref_slice %arg10[%dma_start3A_43, %dma_start3A_44] : memref<10512x128xf32, #tpu.memory_space<vmem_shared>> -> memref<16x128xf32, #tpu.memory_space<vmem_shared>>
        tpu.enqueue_dma source(%dma_start3A_45 : memref<16x128xf32, #tpu.memory_space<vmem_shared>>) target(%dma_start3A_42 : memref<16x128xf32, #tpu.memory_space<hbm>>) target_semaphore(%run_scoped3A : memref<!tpu.dma_semaphore, #tpu.memory_space<semaphore_mem>>)
        %dma_wait3A = arith.constant 9984 : i32
        %dma_wait3A_46 = arith.constant 0 : i32
        %dma_wait3A_47 = tpu.memref_slice %arg5[%arg0, %dma_wait3A, %dma_wait3A_46] : memref<2x10000x128xf32, #tpu.memory_space<hbm>> -> memref<1x16x128xf32, #tpu.memory_space<hbm>>
        %dma_wait3A_48 = tpu.memref_squeeze %dma_wait3A_47 : memref<1x16x128xf32, #tpu.memory_space<hbm>> -> memref<16x128xf32, #tpu.memory_space<hbm>>
        %dma_wait3A_49 = arith.constant 9984 : i32
        %dma_wait3A_50 = arith.constant 0 : i32
        %dma_wait3A_51 = tpu.memref_slice %arg10[%dma_wait3A_49, %dma_wait3A_50] : memref<10512x128xf32, #tpu.memory_space<vmem_shared>> -> memref<16x128xf32, #tpu.memory_space<vmem_shared>>
        tpu.wait_dma2 semaphore(%run_scoped3A : memref<!tpu.dma_semaphore, #tpu.memory_space<semaphore_mem>>) src(%dma_wait3A_51 : memref<16x128xf32, #tpu.memory_space<vmem_shared>>) dst(%dma_wait3A_48 : memref<16x128xf32, #tpu.memory_space<hbm>>)
        tpu.yield
      }) : () -> ()
    } else {
    }
    return
  }
}

#map = affine_map<(d0, d1) -> (0, 0)>
#map1 = affine_map<(d0, d1) -> (0, 0, 0)>
module attributes {stable_mosaic.version = 14 : i64} {
  func.func @prop(%arg0: i32, %arg1: i32, %arg2: memref<10000x128xf32, #tpu.memory_space<hbm>>, %arg3: memref<32x80x128xi32, #tpu.memory_space<hbm>>, %arg4: memref<32x80x128xi32, #tpu.memory_space<hbm>>, %arg5: memref<2x10000x128xf32, #tpu.memory_space<hbm>>, %arg6: memref<40x128xi32, #tpu.memory_space<vmem>>, %arg7: memref<40x128xi32, #tpu.memory_space<vmem>>, %arg8: memref<128x128xf32, #tpu.memory_space<vmem>>, %arg9: memref<128x128xf32, #tpu.memory_space<vmem>>, %arg10: memref<10512x128xf32, #tpu.memory_space<vmem_shared>>, %arg11: memref<!tpu.dma_semaphore, #tpu.memory_space<semaphore_mem>>, %arg12: memref<!tpu.dma_semaphore, #tpu.memory_space<semaphore_mem>>) attributes {dimension_semantics = [#tpu.dimension_semantics<core_parallel>, #tpu.dimension_semantics<subcore_parallel>], iteration_bounds = array<i64: 2, 16>, scalar_prefetch = 0 : i64, scratch_operands = 7 : i64, tpu.core_type = #tpu.core_type<sc_vector_subcore>, window_params = [{transform_indices = #map}, {transform_indices = #map1}, {transform_indices = #map1}, {transform_indices = #map1}]} {
    %mul3A = arith.constant 2 : i32
    %mul3A_0 = arith.muli %arg1, %mul3A : i32
    %add3A = arith.addi %mul3A_0, %arg0 : i32
    %broadcast_in_dim3A = arith.constant 0.000000e+00 : f32
    %broadcast_in_dim3A_1 = vector.broadcast %broadcast_in_dim3A : f32 to vector<16xf32>
    %scan3A = arith.constant 0 : i32
    %scan3A_2 = arith.constant 64 : i32
    %scan3A_3 = arith.addi %scan3A, %scan3A_2 : i32
    %scan3A_4 = arith.constant 1 : i32
    scf.for %scan3A_39 = %scan3A to %scan3A_3 step %scan3A_4  : i32 {
      %mul3A_40 = arith.constant 1 : i32
      %mul3A_41 = arith.muli %scan3A_39, %mul3A_40 : i32
      %add3A_42 = arith.constant 0 : i32
      %add3A_43 = arith.addi %add3A_42, %mul3A_41 : i32
      %scan3A_44 = arith.constant 0 : i32
      %scan3A_45 = arith.constant 8 : i32
      %scan3A_46 = arith.addi %scan3A_44, %scan3A_45 : i32
      %scan3A_47 = arith.constant 1 : i32
      scf.for %scan3A_49 = %scan3A_44 to %scan3A_46 step %scan3A_47  : i32 {
        %mul3A_50 = arith.constant 16 : i32
        %mul3A_51 = arith.muli %scan3A_49, %mul3A_50 : i32
        %add3A_52 = arith.constant 0 : i32
        %add3A_53 = arith.addi %add3A_52, %mul3A_51 : i32
        %swap3A = arith.index_cast %add3A_43 : i32 to index
        %swap3A_54 = arith.index_cast %add3A_53 : i32 to index
        %swap3A_55 = tpu.vector_load %arg8[%swap3A, %swap3A_54] {strides = array<i32>} : memref<128x128xf32, #tpu.memory_space<vmem>>, vector<1x16xf32>,
        %swap3A_56 = vector.shape_cast %swap3A_55 : vector<1x16xf32> to vector<16xf32>
        %swap3A_57 = vector.shape_cast %broadcast_in_dim3A_1 : vector<16xf32> to vector<1x16xf32>
        tpu.vector_store %arg8[%swap3A, %swap3A_54], %swap3A_57 {strides = array<i32>} : memref<128x128xf32, #tpu.memory_space<vmem>>, vector<1x16xf32>,
      }
      %scan3A_48 = arith.constant 8 : i32
    }
    %scan3A_5 = arith.constant 64 : i32
    %mul3A_6 = arith.constant 624 : i32
    %mul3A_7 = arith.muli %arg1, %mul3A_6 : i32
    %scan3A_8 = arith.constant 0 : i32
    %scan3A_9 = arith.constant 10 : i32
    %scan3A_10 = arith.addi %scan3A_8, %scan3A_9 : i32
    %scan3A_11 = arith.constant 1 : i32
    scf.for %scan3A_39 = %scan3A_8 to %scan3A_10 step %scan3A_11  : i32 {
      %mul3A_40 = arith.constant 64 : i32
      %mul3A_41 = arith.muli %scan3A_39, %mul3A_40 : i32
      %add3A_42 = arith.constant 0 : i32
      %add3A_43 = arith.addi %add3A_42, %mul3A_41 : i32
      %add3A_44 = arith.addi %mul3A_7, %add3A_43 : i32
      "tpu.region"() ({
        %run_scoped3A = tpu.sem_alloc : memref<!tpu.dma_semaphore, #tpu.memory_space<semaphore_mem>>
        %dma_start3A_45 = arith.constant 0 : i32
        %dma_start3A_46 = arith.constant 0 : i32
        %dma_start3A_47 = tpu.memref_slice %arg8[%dma_start3A_45, %dma_start3A_46] : memref<128x128xf32, #tpu.memory_space<vmem>> -> memref<64x128xf32, #tpu.memory_space<vmem>>
        %dma_start3A_48 = arith.constant 0 : i32
        %dma_start3A_49 = tpu.memref_slice %arg10[%add3A_44, %dma_start3A_48] : memref<10512x128xf32, #tpu.memory_space<vmem_shared>> -> memref<64x128xf32, #tpu.memory_space<vmem_shared>>
        %dma_start3A_50 = arith.constant 0 : i32
        %dma_start3A_51 = tpu.memref_slice %arg10[%add3A_44, %dma_start3A_50] : memref<10512x128xf32, #tpu.memory_space<vmem_shared>> -> memref<64x128xf32, #tpu.memory_space<vmem_shared>>
        %dma_start3A_52 = arith.constant 0 : i32
        %dma_start3A_53 = arith.constant 0 : i32
        %dma_start3A_54 = tpu.memref_slice %arg8[%dma_start3A_52, %dma_start3A_53] : memref<128x128xf32, #tpu.memory_space<vmem>> -> memref<64x128xf32, #tpu.memory_space<vmem>>
        tpu.enqueue_dma source(%dma_start3A_54 : memref<64x128xf32, #tpu.memory_space<vmem>>) target(%dma_start3A_51 : memref<64x128xf32, #tpu.memory_space<vmem_shared>>) target_semaphore(%run_scoped3A : memref<!tpu.dma_semaphore, #tpu.memory_space<semaphore_mem>>)
        %dma_wait3A = arith.constant 0 : i32
        %dma_wait3A_55 = arith.constant 0 : i32
        %dma_wait3A_56 = tpu.memref_slice %arg8[%dma_wait3A, %dma_wait3A_55] : memref<128x128xf32, #tpu.memory_space<vmem>> -> memref<64x128xf32, #tpu.memory_space<vmem>>
        %dma_wait3A_57 = arith.constant 0 : i32
        %dma_wait3A_58 = tpu.memref_slice %arg10[%add3A_44, %dma_wait3A_57] : memref<10512x128xf32, #tpu.memory_space<vmem_shared>> -> memref<64x128xf32, #tpu.memory_space<vmem_shared>>
        %dma_wait3A_59 = arith.constant 0 : i32
        %dma_wait3A_60 = tpu.memref_slice %arg10[%add3A_44, %dma_wait3A_59] : memref<10512x128xf32, #tpu.memory_space<vmem_shared>> -> memref<64x128xf32, #tpu.memory_space<vmem_shared>>
        %dma_wait3A_61 = arith.constant 0 : i32
        %dma_wait3A_62 = arith.constant 0 : i32
        %dma_wait3A_63 = tpu.memref_slice %arg8[%dma_wait3A_61, %dma_wait3A_62] : memref<128x128xf32, #tpu.memory_space<vmem>> -> memref<64x128xf32, #tpu.memory_space<vmem>>
        tpu.wait_dma2 semaphore(%run_scoped3A : memref<!tpu.dma_semaphore, #tpu.memory_space<semaphore_mem>>) src(%dma_wait3A_63 : memref<64x128xf32, #tpu.memory_space<vmem>>) dst(%dma_wait3A_60 : memref<64x128xf32, #tpu.memory_space<vmem_shared>>)
        tpu.yield
      }) : () -> ()
    }
    %scan3A_12 = arith.constant 10 : i32
    %barrier3A = arith.constant 0 : index
    tpu.barrier barrier_id(%barrier3A)
    "tpu.region"() ({
      %run_scoped3A = tpu.sem_alloc : memref<!tpu.dma_semaphore, #tpu.memory_space<semaphore_mem>>
      %dma_start3A_39 = arith.constant 0 : i32
      %dma_start3A_40 = arith.constant 0 : i32
      %dma_start3A_41 = tpu.memref_slice %arg3[%add3A, %dma_start3A_39, %dma_start3A_40] : memref<32x80x128xi32, #tpu.memory_space<hbm>> -> memref<1x40x128xi32, #tpu.memory_space<hbm>>
      %dma_start3A_42 = tpu.memref_squeeze %dma_start3A_41 : memref<1x40x128xi32, #tpu.memory_space<hbm>> -> memref<40x128xi32, #tpu.memory_space<hbm>>
      %dma_start3A_43 = arith.constant 0 : i32
      %dma_start3A_44 = arith.constant 0 : i32
      %dma_start3A_45 = tpu.memref_slice %arg3[%add3A, %dma_start3A_43, %dma_start3A_44] : memref<32x80x128xi32, #tpu.memory_space<hbm>> -> memref<1x40x128xi32, #tpu.memory_space<hbm>>
      %dma_start3A_46 = tpu.memref_squeeze %dma_start3A_45 : memref<1x40x128xi32, #tpu.memory_space<hbm>> -> memref<40x128xi32, #tpu.memory_space<hbm>>
      tpu.enqueue_dma source(%dma_start3A_46 : memref<40x128xi32, #tpu.memory_space<hbm>>) target(%arg6 : memref<40x128xi32, #tpu.memory_space<vmem>>) target_semaphore(%run_scoped3A : memref<!tpu.dma_semaphore, #tpu.memory_space<semaphore_mem>>)
      %dma_wait3A = arith.constant 0 : i32
      %dma_wait3A_47 = arith.constant 0 : i32
      %dma_wait3A_48 = tpu.memref_slice %arg3[%add3A, %dma_wait3A, %dma_wait3A_47] : memref<32x80x128xi32, #tpu.memory_space<hbm>> -> memref<1x40x128xi32, #tpu.memory_space<hbm>>
      %dma_wait3A_49 = tpu.memref_squeeze %dma_wait3A_48 : memref<1x40x128xi32, #tpu.memory_space<hbm>> -> memref<40x128xi32, #tpu.memory_space<hbm>>
      %dma_wait3A_50 = arith.constant 0 : i32
      %dma_wait3A_51 = arith.constant 0 : i32
      %dma_wait3A_52 = tpu.memref_slice %arg3[%add3A, %dma_wait3A_50, %dma_wait3A_51] : memref<32x80x128xi32, #tpu.memory_space<hbm>> -> memref<1x40x128xi32, #tpu.memory_space<hbm>>
      %dma_wait3A_53 = tpu.memref_squeeze %dma_wait3A_52 : memref<1x40x128xi32, #tpu.memory_space<hbm>> -> memref<40x128xi32, #tpu.memory_space<hbm>>
      tpu.wait_dma2 semaphore(%run_scoped3A : memref<!tpu.dma_semaphore, #tpu.memory_space<semaphore_mem>>) src(%dma_wait3A_53 : memref<40x128xi32, #tpu.memory_space<hbm>>) dst(%arg6 : memref<40x128xi32, #tpu.memory_space<vmem>>)
      tpu.yield
    }) : () -> ()
    "tpu.region"() ({
      %run_scoped3A = tpu.sem_alloc : memref<!tpu.dma_semaphore, #tpu.memory_space<semaphore_mem>>
      %dma_start3A_39 = arith.constant 0 : i32
      %dma_start3A_40 = arith.constant 0 : i32
      %dma_start3A_41 = tpu.memref_slice %arg4[%add3A, %dma_start3A_39, %dma_start3A_40] : memref<32x80x128xi32, #tpu.memory_space<hbm>> -> memref<1x40x128xi32, #tpu.memory_space<hbm>>
      %dma_start3A_42 = tpu.memref_squeeze %dma_start3A_41 : memref<1x40x128xi32, #tpu.memory_space<hbm>> -> memref<40x128xi32, #tpu.memory_space<hbm>>
      %dma_start3A_43 = arith.constant 0 : i32
      %dma_start3A_44 = arith.constant 0 : i32
      %dma_start3A_45 = tpu.memref_slice %arg4[%add3A, %dma_start3A_43, %dma_start3A_44] : memref<32x80x128xi32, #tpu.memory_space<hbm>> -> memref<1x40x128xi32, #tpu.memory_space<hbm>>
      %dma_start3A_46 = tpu.memref_squeeze %dma_start3A_45 : memref<1x40x128xi32, #tpu.memory_space<hbm>> -> memref<40x128xi32, #tpu.memory_space<hbm>>
      tpu.enqueue_dma source(%dma_start3A_46 : memref<40x128xi32, #tpu.memory_space<hbm>>) target(%arg7 : memref<40x128xi32, #tpu.memory_space<vmem>>) target_semaphore(%run_scoped3A : memref<!tpu.dma_semaphore, #tpu.memory_space<semaphore_mem>>)
      %dma_wait3A = arith.constant 0 : i32
      %dma_wait3A_47 = arith.constant 0 : i32
      %dma_wait3A_48 = tpu.memref_slice %arg4[%add3A, %dma_wait3A, %dma_wait3A_47] : memref<32x80x128xi32, #tpu.memory_space<hbm>> -> memref<1x40x128xi32, #tpu.memory_space<hbm>>
      %dma_wait3A_49 = tpu.memref_squeeze %dma_wait3A_48 : memref<1x40x128xi32, #tpu.memory_space<hbm>> -> memref<40x128xi32, #tpu.memory_space<hbm>>
      %dma_wait3A_50 = arith.constant 0 : i32
      %dma_wait3A_51 = arith.constant 0 : i32
      %dma_wait3A_52 = tpu.memref_slice %arg4[%add3A, %dma_wait3A_50, %dma_wait3A_51] : memref<32x80x128xi32, #tpu.memory_space<hbm>> -> memref<1x40x128xi32, #tpu.memory_space<hbm>>
      %dma_wait3A_53 = tpu.memref_squeeze %dma_wait3A_52 : memref<1x40x128xi32, #tpu.memory_space<hbm>> -> memref<40x128xi32, #tpu.memory_space<hbm>>
      tpu.wait_dma2 semaphore(%run_scoped3A : memref<!tpu.dma_semaphore, #tpu.memory_space<semaphore_mem>>) src(%dma_wait3A_53 : memref<40x128xi32, #tpu.memory_space<hbm>>) dst(%arg7 : memref<40x128xi32, #tpu.memory_space<vmem>>)
      tpu.yield
    }) : () -> ()
    %dma_start3A = arith.constant 0 : i32
    %dma_start3A_13 = arith.constant 0 : i32
    %dma_start3A_14 = tpu.memref_slice %arg6[%dma_start3A, %dma_start3A_13] : memref<40x128xi32, #tpu.memory_space<vmem>> -> memref<1x128xi32, #tpu.memory_space<vmem>>
    %dma_start3A_15 = tpu.memref_squeeze %dma_start3A_14 : memref<1x128xi32, #tpu.memory_space<vmem>> -> memref<128xi32, #tpu.memory_space<vmem>>
    %dma_start3A_16 = arith.constant 0 : i32
    %dma_start3A_17 = arith.constant 0 : i32
    %dma_start3A_18 = tpu.memref_slice %arg2[%dma_start3A_16, %dma_start3A_17] : memref<10000x128xf32, #tpu.memory_space<hbm>> -> memref<10000x128xf32, #tpu.memory_space<hbm>>
    tpu.enqueue_indirect_dma source(%dma_start3A_18 : memref<10000x128xf32, #tpu.memory_space<hbm>>) target(%arg8 : memref<128x128xf32, #tpu.memory_space<vmem>>) offsets(%dma_start3A_15 : memref<128xi32, #tpu.memory_space<vmem>>) semaphore(%arg11 : memref<!tpu.dma_semaphore, #tpu.memory_space<semaphore_mem>>)
    %scan3A_19 = arith.constant 0 : i32
    %scan3A_20 = arith.constant 20 : i32
    %scan3A_21 = arith.addi %scan3A_19, %scan3A_20 : i32
    %scan3A_22 = arith.constant 1 : i32
    scf.for %scan3A_39 = %scan3A_19 to %scan3A_21 step %scan3A_22  : i32 {
      %mul3A_40 = arith.constant 2 : i32
      %mul3A_41 = arith.muli %scan3A_39, %mul3A_40 : i32
      %add3A_42 = arith.constant 0 : i32
      %add3A_43 = arith.addi %add3A_42, %mul3A_41 : i32
      %add3A_44 = arith.constant 1 : i32
      %add3A_45 = arith.addi %add3A_43, %add3A_44 : i32
      %dma_start3A_46 = arith.constant 0 : i32
      %dma_start3A_47 = tpu.memref_slice %arg6[%add3A_45, %dma_start3A_46] : memref<40x128xi32, #tpu.memory_space<vmem>> -> memref<1x128xi32, #tpu.memory_space<vmem>>
      %dma_start3A_48 = tpu.memref_squeeze %dma_start3A_47 : memref<1x128xi32, #tpu.memory_space<vmem>> -> memref<128xi32, #tpu.memory_space<vmem>>
      %dma_start3A_49 = arith.constant 0 : i32
      %dma_start3A_50 = arith.constant 0 : i32
      %dma_start3A_51 = tpu.memref_slice %arg2[%dma_start3A_49, %dma_start3A_50] : memref<10000x128xf32, #tpu.memory_space<hbm>> -> memref<10000x128xf32, #tpu.memory_space<hbm>>
      tpu.enqueue_indirect_dma source(%dma_start3A_51 : memref<10000x128xf32, #tpu.memory_space<hbm>>) target(%arg9 : memref<128x128xf32, #tpu.memory_space<vmem>>) offsets(%dma_start3A_48 : memref<128xi32, #tpu.memory_space<vmem>>) semaphore(%arg12 : memref<!tpu.dma_semaphore, #tpu.memory_space<semaphore_mem>>)
      %dma_wait3A = arith.constant 0 : i32
      %dma_wait3A_52 = tpu.memref_slice %arg6[%add3A_43, %dma_wait3A] : memref<40x128xi32, #tpu.memory_space<vmem>> -> memref<1x128xi32, #tpu.memory_space<vmem>>
      %dma_wait3A_53 = tpu.memref_squeeze %dma_wait3A_52 : memref<1x128xi32, #tpu.memory_space<vmem>> -> memref<128xi32, #tpu.memory_space<vmem>>
      %dma_wait3A_54 = arith.constant 0 : i32
      %dma_wait3A_55 = arith.constant 0 : i32
      %dma_wait3A_56 = tpu.memref_slice %arg2[%dma_wait3A_54, %dma_wait3A_55] : memref<10000x128xf32, #tpu.memory_space<hbm>> -> memref<10000x128xf32, #tpu.memory_space<hbm>>
      tpu.wait_indirect_dma semaphore(%arg11 : memref<!tpu.dma_semaphore, #tpu.memory_space<semaphore_mem>>) src(%dma_wait3A_56 : memref<10000x128xf32, #tpu.memory_space<hbm>>) dst(%arg8 : memref<128x128xf32, #tpu.memory_space<vmem>>)
      "tpu.region"() ({
        %run_scoped3A = tpu.sem_alloc : memref<!tpu.dma_semaphore, #tpu.memory_space<semaphore_mem>>
        %dma_start3A_71 = arith.constant 0 : i32
        %dma_start3A_72 = tpu.memref_slice %arg7[%add3A_43, %dma_start3A_71] : memref<40x128xi32, #tpu.memory_space<vmem>> -> memref<1x128xi32, #tpu.memory_space<vmem>>
        %dma_start3A_73 = tpu.memref_squeeze %dma_start3A_72 : memref<1x128xi32, #tpu.memory_space<vmem>> -> memref<128xi32, #tpu.memory_space<vmem>>
        %dma_start3A_74 = arith.constant 0 : i32
        %dma_start3A_75 = arith.constant 0 : i32
        %dma_start3A_76 = tpu.memref_slice %arg10[%dma_start3A_74, %dma_start3A_75] : memref<10512x128xf32, #tpu.memory_space<vmem_shared>> -> memref<10512x128xf32, #tpu.memory_space<vmem_shared>>
        tpu.enqueue_indirect_dma source(%arg8 : memref<128x128xf32, #tpu.memory_space<vmem>>) target(%dma_start3A_76 : memref<10512x128xf32, #tpu.memory_space<vmem_shared>>) offsets(%dma_start3A_73 : memref<128xi32, #tpu.memory_space<vmem>>) semaphore(%run_scoped3A : memref<!tpu.dma_semaphore, #tpu.memory_space<semaphore_mem>>) {add = true}
        %dma_wait3A_77 = arith.constant 0 : i32
        %dma_wait3A_78 = tpu.memref_slice %arg7[%add3A_43, %dma_wait3A_77] : memref<40x128xi32, #tpu.memory_space<vmem>> -> memref<1x128xi32, #tpu.memory_space<vmem>>
        %dma_wait3A_79 = tpu.memref_squeeze %dma_wait3A_78 : memref<1x128xi32, #tpu.memory_space<vmem>> -> memref<128xi32, #tpu.memory_space<vmem>>
        %dma_wait3A_80 = arith.constant 0 : i32
        %dma_wait3A_81 = arith.constant 0 : i32
        %dma_wait3A_82 = tpu.memref_slice %arg10[%dma_wait3A_80, %dma_wait3A_81] : memref<10512x128xf32, #tpu.memory_space<vmem_shared>> -> memref<10512x128xf32, #tpu.memory_space<vmem_shared>>
        tpu.wait_indirect_dma semaphore(%run_scoped3A : memref<!tpu.dma_semaphore, #tpu.memory_space<semaphore_mem>>) src(%arg8 : memref<128x128xf32, #tpu.memory_space<vmem>>) dst(%dma_wait3A_82 : memref<10512x128xf32, #tpu.memory_space<vmem_shared>>)
        tpu.yield
      }) : () -> ()
      %lt3A = arith.constant 38 : i32
      %lt3A_57 = arith.cmpi slt, %add3A_43, %lt3A : i32
      %convert_element_type3A_58 = arith.extui %lt3A_57 : i1 to i32
      %cond3A_59 = arith.constant 0 : i32
      %cond3A_60 = arith.cmpi ne, %convert_element_type3A_58, %cond3A_59 : i32
      scf.if %cond3A_60 {
        %add3A_71 = arith.constant 2 : i32
        %add3A_72 = arith.addi %add3A_43, %add3A_71 : i32
        %dma_start3A_73 = arith.constant 0 : i32
        %dma_start3A_74 = tpu.memref_slice %arg6[%add3A_72, %dma_start3A_73] : memref<40x128xi32, #tpu.memory_space<vmem>> -> memref<1x128xi32, #tpu.memory_space<vmem>>
        %dma_start3A_75 = tpu.memref_squeeze %dma_start3A_74 : memref<1x128xi32, #tpu.memory_space<vmem>> -> memref<128xi32, #tpu.memory_space<vmem>>
        %dma_start3A_76 = arith.constant 0 : i32
        %dma_start3A_77 = arith.constant 0 : i32
        %dma_start3A_78 = tpu.memref_slice %arg2[%dma_start3A_76, %dma_start3A_77] : memref<10000x128xf32, #tpu.memory_space<hbm>> -> memref<10000x128xf32, #tpu.memory_space<hbm>>
        tpu.enqueue_indirect_dma source(%dma_start3A_78 : memref<10000x128xf32, #tpu.memory_space<hbm>>) target(%arg8 : memref<128x128xf32, #tpu.memory_space<vmem>>) offsets(%dma_start3A_75 : memref<128xi32, #tpu.memory_space<vmem>>) semaphore(%arg11 : memref<!tpu.dma_semaphore, #tpu.memory_space<semaphore_mem>>)
      } else {
      }
      %add3A_61 = arith.constant 1 : i32
      %add3A_62 = arith.addi %add3A_43, %add3A_61 : i32
      %dma_wait3A_63 = arith.constant 0 : i32
      %dma_wait3A_64 = tpu.memref_slice %arg6[%add3A_62, %dma_wait3A_63] : memref<40x128xi32, #tpu.memory_space<vmem>> -> memref<1x128xi32, #tpu.memory_space<vmem>>
      %dma_wait3A_65 = tpu.memref_squeeze %dma_wait3A_64 : memref<1x128xi32, #tpu.memory_space<vmem>> -> memref<128xi32, #tpu.memory_space<vmem>>
      %dma_wait3A_66 = arith.constant 0 : i32
      %dma_wait3A_67 = arith.constant 0 : i32
      %dma_wait3A_68 = tpu.memref_slice %arg2[%dma_wait3A_66, %dma_wait3A_67] : memref<10000x128xf32, #tpu.memory_space<hbm>> -> memref<10000x128xf32, #tpu.memory_space<hbm>>
      tpu.wait_indirect_dma semaphore(%arg12 : memref<!tpu.dma_semaphore, #tpu.memory_space<semaphore_mem>>) src(%dma_wait3A_68 : memref<10000x128xf32, #tpu.memory_space<hbm>>) dst(%arg9 : memref<128x128xf32, #tpu.memory_space<vmem>>)
      %add3A_69 = arith.constant 1 : i32
      %add3A_70 = arith.addi %add3A_43, %add3A_69 : i32
      "tpu.region"() ({
        %run_scoped3A = tpu.sem_alloc : memref<!tpu.dma_semaphore, #tpu.memory_space<semaphore_mem>>
        %dma_start3A_71 = arith.constant 0 : i32
        %dma_start3A_72 = tpu.memref_slice %arg7[%add3A_70, %dma_start3A_71] : memref<40x128xi32, #tpu.memory_space<vmem>> -> memref<1x128xi32, #tpu.memory_space<vmem>>
        %dma_start3A_73 = tpu.memref_squeeze %dma_start3A_72 : memref<1x128xi32, #tpu.memory_space<vmem>> -> memref<128xi32, #tpu.memory_space<vmem>>
        %dma_start3A_74 = arith.constant 0 : i32
        %dma_start3A_75 = arith.constant 0 : i32
        %dma_start3A_76 = tpu.memref_slice %arg10[%dma_start3A_74, %dma_start3A_75] : memref<10512x128xf32, #tpu.memory_space<vmem_shared>> -> memref<10512x128xf32, #tpu.memory_space<vmem_shared>>
        tpu.enqueue_indirect_dma source(%arg9 : memref<128x128xf32, #tpu.memory_space<vmem>>) target(%dma_start3A_76 : memref<10512x128xf32, #tpu.memory_space<vmem_shared>>) offsets(%dma_start3A_73 : memref<128xi32, #tpu.memory_space<vmem>>) semaphore(%run_scoped3A : memref<!tpu.dma_semaphore, #tpu.memory_space<semaphore_mem>>) {add = true}
        %dma_wait3A_77 = arith.constant 0 : i32
        %dma_wait3A_78 = tpu.memref_slice %arg7[%add3A_70, %dma_wait3A_77] : memref<40x128xi32, #tpu.memory_space<vmem>> -> memref<1x128xi32, #tpu.memory_space<vmem>>
        %dma_wait3A_79 = tpu.memref_squeeze %dma_wait3A_78 : memref<1x128xi32, #tpu.memory_space<vmem>> -> memref<128xi32, #tpu.memory_space<vmem>>
        %dma_wait3A_80 = arith.constant 0 : i32
        %dma_wait3A_81 = arith.constant 0 : i32
        %dma_wait3A_82 = tpu.memref_slice %arg10[%dma_wait3A_80, %dma_wait3A_81] : memref<10512x128xf32, #tpu.memory_space<vmem_shared>> -> memref<10512x128xf32, #tpu.memory_space<vmem_shared>>
        tpu.wait_indirect_dma semaphore(%run_scoped3A : memref<!tpu.dma_semaphore, #tpu.memory_space<semaphore_mem>>) src(%arg9 : memref<128x128xf32, #tpu.memory_space<vmem>>) dst(%dma_wait3A_82 : memref<10512x128xf32, #tpu.memory_space<vmem_shared>>)
        tpu.yield
      }) : () -> ()
    }
    %scan3A_23 = arith.constant 20 : i32
    "tpu.region"() ({
      %run_scoped3A = tpu.sem_alloc : memref<!tpu.dma_semaphore, #tpu.memory_space<semaphore_mem>>
      %dma_start3A_39 = arith.constant 40 : i32
      %dma_start3A_40 = arith.constant 0 : i32
      %dma_start3A_41 = tpu.memref_slice %arg3[%add3A, %dma_start3A_39, %dma_start3A_40] : memref<32x80x128xi32, #tpu.memory_space<hbm>> -> memref<1x40x128xi32, #tpu.memory_space<hbm>>
      %dma_start3A_42 = tpu.memref_squeeze %dma_start3A_41 : memref<1x40x128xi32, #tpu.memory_space<hbm>> -> memref<40x128xi32, #tpu.memory_space<hbm>>
      %dma_start3A_43 = arith.constant 40 : i32
      %dma_start3A_44 = arith.constant 0 : i32
      %dma_start3A_45 = tpu.memref_slice %arg3[%add3A, %dma_start3A_43, %dma_start3A_44] : memref<32x80x128xi32, #tpu.memory_space<hbm>> -> memref<1x40x128xi32, #tpu.memory_space<hbm>>
      %dma_start3A_46 = tpu.memref_squeeze %dma_start3A_45 : memref<1x40x128xi32, #tpu.memory_space<hbm>> -> memref<40x128xi32, #tpu.memory_space<hbm>>
      tpu.enqueue_dma source(%dma_start3A_46 : memref<40x128xi32, #tpu.memory_space<hbm>>) target(%arg6 : memref<40x128xi32, #tpu.memory_space<vmem>>) target_semaphore(%run_scoped3A : memref<!tpu.dma_semaphore, #tpu.memory_space<semaphore_mem>>)
      %dma_wait3A = arith.constant 40 : i32
      %dma_wait3A_47 = arith.constant 0 : i32
      %dma_wait3A_48 = tpu.memref_slice %arg3[%add3A, %dma_wait3A, %dma_wait3A_47] : memref<32x80x128xi32, #tpu.memory_space<hbm>> -> memref<1x40x128xi32, #tpu.memory_space<hbm>>
      %dma_wait3A_49 = tpu.memref_squeeze %dma_wait3A_48 : memref<1x40x128xi32, #tpu.memory_space<hbm>> -> memref<40x128xi32, #tpu.memory_space<hbm>>
      %dma_wait3A_50 = arith.constant 40 : i32
      %dma_wait3A_51 = arith.constant 0 : i32
      %dma_wait3A_52 = tpu.memref_slice %arg3[%add3A, %dma_wait3A_50, %dma_wait3A_51] : memref<32x80x128xi32, #tpu.memory_space<hbm>> -> memref<1x40x128xi32, #tpu.memory_space<hbm>>
      %dma_wait3A_53 = tpu.memref_squeeze %dma_wait3A_52 : memref<1x40x128xi32, #tpu.memory_space<hbm>> -> memref<40x128xi32, #tpu.memory_space<hbm>>
      tpu.wait_dma2 semaphore(%run_scoped3A : memref<!tpu.dma_semaphore, #tpu.memory_space<semaphore_mem>>) src(%dma_wait3A_53 : memref<40x128xi32, #tpu.memory_space<hbm>>) dst(%arg6 : memref<40x128xi32, #tpu.memory_space<vmem>>)
      tpu.yield
    }) : () -> ()
    "tpu.region"() ({
      %run_scoped3A = tpu.sem_alloc : memref<!tpu.dma_semaphore, #tpu.memory_space<semaphore_mem>>
      %dma_start3A_39 = arith.constant 40 : i32
      %dma_start3A_40 = arith.constant 0 : i32
      %dma_start3A_41 = tpu.memref_slice %arg4[%add3A, %dma_start3A_39, %dma_start3A_40] : memref<32x80x128xi32, #tpu.memory_space<hbm>> -> memref<1x40x128xi32, #tpu.memory_space<hbm>>
      %dma_start3A_42 = tpu.memref_squeeze %dma_start3A_41 : memref<1x40x128xi32, #tpu.memory_space<hbm>> -> memref<40x128xi32, #tpu.memory_space<hbm>>
      %dma_start3A_43 = arith.constant 40 : i32
      %dma_start3A_44 = arith.constant 0 : i32
      %dma_start3A_45 = tpu.memref_slice %arg4[%add3A, %dma_start3A_43, %dma_start3A_44] : memref<32x80x128xi32, #tpu.memory_space<hbm>> -> memref<1x40x128xi32, #tpu.memory_space<hbm>>
      %dma_start3A_46 = tpu.memref_squeeze %dma_start3A_45 : memref<1x40x128xi32, #tpu.memory_space<hbm>> -> memref<40x128xi32, #tpu.memory_space<hbm>>
      tpu.enqueue_dma source(%dma_start3A_46 : memref<40x128xi32, #tpu.memory_space<hbm>>) target(%arg7 : memref<40x128xi32, #tpu.memory_space<vmem>>) target_semaphore(%run_scoped3A : memref<!tpu.dma_semaphore, #tpu.memory_space<semaphore_mem>>)
      %dma_wait3A = arith.constant 40 : i32
      %dma_wait3A_47 = arith.constant 0 : i32
      %dma_wait3A_48 = tpu.memref_slice %arg4[%add3A, %dma_wait3A, %dma_wait3A_47] : memref<32x80x128xi32, #tpu.memory_space<hbm>> -> memref<1x40x128xi32, #tpu.memory_space<hbm>>
      %dma_wait3A_49 = tpu.memref_squeeze %dma_wait3A_48 : memref<1x40x128xi32, #tpu.memory_space<hbm>> -> memref<40x128xi32, #tpu.memory_space<hbm>>
      %dma_wait3A_50 = arith.constant 40 : i32
      %dma_wait3A_51 = arith.constant 0 : i32
      %dma_wait3A_52 = tpu.memref_slice %arg4[%add3A, %dma_wait3A_50, %dma_wait3A_51] : memref<32x80x128xi32, #tpu.memory_space<hbm>> -> memref<1x40x128xi32, #tpu.memory_space<hbm>>
      %dma_wait3A_53 = tpu.memref_squeeze %dma_wait3A_52 : memref<1x40x128xi32, #tpu.memory_space<hbm>> -> memref<40x128xi32, #tpu.memory_space<hbm>>
      tpu.wait_dma2 semaphore(%run_scoped3A : memref<!tpu.dma_semaphore, #tpu.memory_space<semaphore_mem>>) src(%dma_wait3A_53 : memref<40x128xi32, #tpu.memory_space<hbm>>) dst(%arg7 : memref<40x128xi32, #tpu.memory_space<vmem>>)
      tpu.yield
    }) : () -> ()
    %dma_start3A_24 = arith.constant 0 : i32
    %dma_start3A_25 = arith.constant 0 : i32
    %dma_start3A_26 = tpu.memref_slice %arg6[%dma_start3A_24, %dma_start3A_25] : memref<40x128xi32, #tpu.memory_space<vmem>> -> memref<1x128xi32, #tpu.memory_space<vmem>>
    %dma_start3A_27 = tpu.memref_squeeze %dma_start3A_26 : memref<1x128xi32, #tpu.memory_space<vmem>> -> memref<128xi32, #tpu.memory_space<vmem>>
    %dma_start3A_28 = arith.constant 0 : i32
    %dma_start3A_29 = arith.constant 0 : i32
    %dma_start3A_30 = tpu.memref_slice %arg2[%dma_start3A_28, %dma_start3A_29] : memref<10000x128xf32, #tpu.memory_space<hbm>> -> memref<10000x128xf32, #tpu.memory_space<hbm>>
    tpu.enqueue_indirect_dma source(%dma_start3A_30 : memref<10000x128xf32, #tpu.memory_space<hbm>>) target(%arg8 : memref<128x128xf32, #tpu.memory_space<vmem>>) offsets(%dma_start3A_27 : memref<128xi32, #tpu.memory_space<vmem>>) semaphore(%arg11 : memref<!tpu.dma_semaphore, #tpu.memory_space<semaphore_mem>>)
    %scan3A_31 = arith.constant 0 : i32
    %scan3A_32 = arith.constant 20 : i32
    %scan3A_33 = arith.addi %scan3A_31, %scan3A_32 : i32
    %scan3A_34 = arith.constant 1 : i32
    scf.for %scan3A_39 = %scan3A_31 to %scan3A_33 step %scan3A_34  : i32 {
      %mul3A_40 = arith.constant 2 : i32
      %mul3A_41 = arith.muli %scan3A_39, %mul3A_40 : i32
      %add3A_42 = arith.constant 0 : i32
      %add3A_43 = arith.addi %add3A_42, %mul3A_41 : i32
      %add3A_44 = arith.constant 1 : i32
      %add3A_45 = arith.addi %add3A_43, %add3A_44 : i32
      %dma_start3A_46 = arith.constant 0 : i32
      %dma_start3A_47 = tpu.memref_slice %arg6[%add3A_45, %dma_start3A_46] : memref<40x128xi32, #tpu.memory_space<vmem>> -> memref<1x128xi32, #tpu.memory_space<vmem>>
      %dma_start3A_48 = tpu.memref_squeeze %dma_start3A_47 : memref<1x128xi32, #tpu.memory_space<vmem>> -> memref<128xi32, #tpu.memory_space<vmem>>
      %dma_start3A_49 = arith.constant 0 : i32
      %dma_start3A_50 = arith.constant 0 : i32
      %dma_start3A_51 = tpu.memref_slice %arg2[%dma_start3A_49, %dma_start3A_50] : memref<10000x128xf32, #tpu.memory_space<hbm>> -> memref<10000x128xf32, #tpu.memory_space<hbm>>
      tpu.enqueue_indirect_dma source(%dma_start3A_51 : memref<10000x128xf32, #tpu.memory_space<hbm>>) target(%arg9 : memref<128x128xf32, #tpu.memory_space<vmem>>) offsets(%dma_start3A_48 : memref<128xi32, #tpu.memory_space<vmem>>) semaphore(%arg12 : memref<!tpu.dma_semaphore, #tpu.memory_space<semaphore_mem>>)
      %dma_wait3A = arith.constant 0 : i32
      %dma_wait3A_52 = tpu.memref_slice %arg6[%add3A_43, %dma_wait3A] : memref<40x128xi32, #tpu.memory_space<vmem>> -> memref<1x128xi32, #tpu.memory_space<vmem>>
      %dma_wait3A_53 = tpu.memref_squeeze %dma_wait3A_52 : memref<1x128xi32, #tpu.memory_space<vmem>> -> memref<128xi32, #tpu.memory_space<vmem>>
      %dma_wait3A_54 = arith.constant 0 : i32
      %dma_wait3A_55 = arith.constant 0 : i32
      %dma_wait3A_56 = tpu.memref_slice %arg2[%dma_wait3A_54, %dma_wait3A_55] : memref<10000x128xf32, #tpu.memory_space<hbm>> -> memref<10000x128xf32, #tpu.memory_space<hbm>>
      tpu.wait_indirect_dma semaphore(%arg11 : memref<!tpu.dma_semaphore, #tpu.memory_space<semaphore_mem>>) src(%dma_wait3A_56 : memref<10000x128xf32, #tpu.memory_space<hbm>>) dst(%arg8 : memref<128x128xf32, #tpu.memory_space<vmem>>)
      "tpu.region"() ({
        %run_scoped3A = tpu.sem_alloc : memref<!tpu.dma_semaphore, #tpu.memory_space<semaphore_mem>>
        %dma_start3A_71 = arith.constant 0 : i32
        %dma_start3A_72 = tpu.memref_slice %arg7[%add3A_43, %dma_start3A_71] : memref<40x128xi32, #tpu.memory_space<vmem>> -> memref<1x128xi32, #tpu.memory_space<vmem>>
        %dma_start3A_73 = tpu.memref_squeeze %dma_start3A_72 : memref<1x128xi32, #tpu.memory_space<vmem>> -> memref<128xi32, #tpu.memory_space<vmem>>
        %dma_start3A_74 = arith.constant 0 : i32
        %dma_start3A_75 = arith.constant 0 : i32
        %dma_start3A_76 = tpu.memref_slice %arg10[%dma_start3A_74, %dma_start3A_75] : memref<10512x128xf32, #tpu.memory_space<vmem_shared>> -> memref<10512x128xf32, #tpu.memory_space<vmem_shared>>
        tpu.enqueue_indirect_dma source(%arg8 : memref<128x128xf32, #tpu.memory_space<vmem>>) target(%dma_start3A_76 : memref<10512x128xf32, #tpu.memory_space<vmem_shared>>) offsets(%dma_start3A_73 : memref<128xi32, #tpu.memory_space<vmem>>) semaphore(%run_scoped3A : memref<!tpu.dma_semaphore, #tpu.memory_space<semaphore_mem>>) {add = true}
        %dma_wait3A_77 = arith.constant 0 : i32
        %dma_wait3A_78 = tpu.memref_slice %arg7[%add3A_43, %dma_wait3A_77] : memref<40x128xi32, #tpu.memory_space<vmem>> -> memref<1x128xi32, #tpu.memory_space<vmem>>
        %dma_wait3A_79 = tpu.memref_squeeze %dma_wait3A_78 : memref<1x128xi32, #tpu.memory_space<vmem>> -> memref<128xi32, #tpu.memory_space<vmem>>
        %dma_wait3A_80 = arith.constant 0 : i32
        %dma_wait3A_81 = arith.constant 0 : i32
        %dma_wait3A_82 = tpu.memref_slice %arg10[%dma_wait3A_80, %dma_wait3A_81] : memref<10512x128xf32, #tpu.memory_space<vmem_shared>> -> memref<10512x128xf32, #tpu.memory_space<vmem_shared>>
        tpu.wait_indirect_dma semaphore(%run_scoped3A : memref<!tpu.dma_semaphore, #tpu.memory_space<semaphore_mem>>) src(%arg8 : memref<128x128xf32, #tpu.memory_space<vmem>>) dst(%dma_wait3A_82 : memref<10512x128xf32, #tpu.memory_space<vmem_shared>>)
        tpu.yield
      }) : () -> ()
      %lt3A = arith.constant 38 : i32
      %lt3A_57 = arith.cmpi slt, %add3A_43, %lt3A : i32
      %convert_element_type3A_58 = arith.extui %lt3A_57 : i1 to i32
      %cond3A_59 = arith.constant 0 : i32
      %cond3A_60 = arith.cmpi ne, %convert_element_type3A_58, %cond3A_59 : i32
      scf.if %cond3A_60 {
        %add3A_71 = arith.constant 2 : i32
        %add3A_72 = arith.addi %add3A_43, %add3A_71 : i32
        %dma_start3A_73 = arith.constant 0 : i32
        %dma_start3A_74 = tpu.memref_slice %arg6[%add3A_72, %dma_start3A_73] : memref<40x128xi32, #tpu.memory_space<vmem>> -> memref<1x128xi32, #tpu.memory_space<vmem>>
        %dma_start3A_75 = tpu.memref_squeeze %dma_start3A_74 : memref<1x128xi32, #tpu.memory_space<vmem>> -> memref<128xi32, #tpu.memory_space<vmem>>
        %dma_start3A_76 = arith.constant 0 : i32
        %dma_start3A_77 = arith.constant 0 : i32
        %dma_start3A_78 = tpu.memref_slice %arg2[%dma_start3A_76, %dma_start3A_77] : memref<10000x128xf32, #tpu.memory_space<hbm>> -> memref<10000x128xf32, #tpu.memory_space<hbm>>
        tpu.enqueue_indirect_dma source(%dma_start3A_78 : memref<10000x128xf32, #tpu.memory_space<hbm>>) target(%arg8 : memref<128x128xf32, #tpu.memory_space<vmem>>) offsets(%dma_start3A_75 : memref<128xi32, #tpu.memory_space<vmem>>) semaphore(%arg11 : memref<!tpu.dma_semaphore, #tpu.memory_space<semaphore_mem>>)
      } else {
      }
      %add3A_61 = arith.constant 1 : i32
      %add3A_62 = arith.addi %add3A_43, %add3A_61 : i32
      %dma_wait3A_63 = arith.constant 0 : i32
      %dma_wait3A_64 = tpu.memref_slice %arg6[%add3A_62, %dma_wait3A_63] : memref<40x128xi32, #tpu.memory_space<vmem>> -> memref<1x128xi32, #tpu.memory_space<vmem>>
      %dma_wait3A_65 = tpu.memref_squeeze %dma_wait3A_64 : memref<1x128xi32, #tpu.memory_space<vmem>> -> memref<128xi32, #tpu.memory_space<vmem>>
      %dma_wait3A_66 = arith.constant 0 : i32
      %dma_wait3A_67 = arith.constant 0 : i32
      %dma_wait3A_68 = tpu.memref_slice %arg2[%dma_wait3A_66, %dma_wait3A_67] : memref<10000x128xf32, #tpu.memory_space<hbm>> -> memref<10000x128xf32, #tpu.memory_space<hbm>>
      tpu.wait_indirect_dma semaphore(%arg12 : memref<!tpu.dma_semaphore, #tpu.memory_space<semaphore_mem>>) src(%dma_wait3A_68 : memref<10000x128xf32, #tpu.memory_space<hbm>>) dst(%arg9 : memref<128x128xf32, #tpu.memory_space<vmem>>)
      %add3A_69 = arith.constant 1 : i32
      %add3A_70 = arith.addi %add3A_43, %add3A_69 : i32
      "tpu.region"() ({
        %run_scoped3A = tpu.sem_alloc : memref<!tpu.dma_semaphore, #tpu.memory_space<semaphore_mem>>
        %dma_start3A_71 = arith.constant 0 : i32
        %dma_start3A_72 = tpu.memref_slice %arg7[%add3A_70, %dma_start3A_71] : memref<40x128xi32, #tpu.memory_space<vmem>> -> memref<1x128xi32, #tpu.memory_space<vmem>>
        %dma_start3A_73 = tpu.memref_squeeze %dma_start3A_72 : memref<1x128xi32, #tpu.memory_space<vmem>> -> memref<128xi32, #tpu.memory_space<vmem>>
        %dma_start3A_74 = arith.constant 0 : i32
        %dma_start3A_75 = arith.constant 0 : i32
        %dma_start3A_76 = tpu.memref_slice %arg10[%dma_start3A_74, %dma_start3A_75] : memref<10512x128xf32, #tpu.memory_space<vmem_shared>> -> memref<10512x128xf32, #tpu.memory_space<vmem_shared>>
        tpu.enqueue_indirect_dma source(%arg9 : memref<128x128xf32, #tpu.memory_space<vmem>>) target(%dma_start3A_76 : memref<10512x128xf32, #tpu.memory_space<vmem_shared>>) offsets(%dma_start3A_73 : memref<128xi32, #tpu.memory_space<vmem>>) semaphore(%run_scoped3A : memref<!tpu.dma_semaphore, #tpu.memory_space<semaphore_mem>>) {add = true}
        %dma_wait3A_77 = arith.constant 0 : i32
        %dma_wait3A_78 = tpu.memref_slice %arg7[%add3A_70, %dma_wait3A_77] : memref<40x128xi32, #tpu.memory_space<vmem>> -> memref<1x128xi32, #tpu.memory_space<vmem>>
        %dma_wait3A_79 = tpu.memref_squeeze %dma_wait3A_78 : memref<1x128xi32, #tpu.memory_space<vmem>> -> memref<128xi32, #tpu.memory_space<vmem>>
        %dma_wait3A_80 = arith.constant 0 : i32
        %dma_wait3A_81 = arith.constant 0 : i32
        %dma_wait3A_82 = tpu.memref_slice %arg10[%dma_wait3A_80, %dma_wait3A_81] : memref<10512x128xf32, #tpu.memory_space<vmem_shared>> -> memref<10512x128xf32, #tpu.memory_space<vmem_shared>>
        tpu.wait_indirect_dma semaphore(%run_scoped3A : memref<!tpu.dma_semaphore, #tpu.memory_space<semaphore_mem>>) src(%arg9 : memref<128x128xf32, #tpu.memory_space<vmem>>) dst(%dma_wait3A_82 : memref<10512x128xf32, #tpu.memory_space<vmem_shared>>)
        tpu.yield
      }) : () -> ()
    }
    %scan3A_35 = arith.constant 20 : i32
    %barrier3A_36 = arith.constant 0 : index
    tpu.barrier barrier_id(%barrier3A_36)
    "tpu.region"() ({
      %run_scoped3A = tpu.sem_alloc : memref<!tpu.dma_semaphore, #tpu.memory_space<semaphore_mem>>
      %dma_start3A_39 = arith.constant 0 : i32
      %dma_start3A_40 = tpu.memref_slice %arg5[%arg0, %mul3A_7, %dma_start3A_39] : memref<2x10000x128xf32, #tpu.memory_space<hbm>> -> memref<1x624x128xf32, #tpu.memory_space<hbm>>
      %dma_start3A_41 = tpu.memref_squeeze %dma_start3A_40 : memref<1x624x128xf32, #tpu.memory_space<hbm>> -> memref<624x128xf32, #tpu.memory_space<hbm>>
      %dma_start3A_42 = arith.constant 0 : i32
      %dma_start3A_43 = tpu.memref_slice %arg10[%mul3A_7, %dma_start3A_42] : memref<10512x128xf32, #tpu.memory_space<vmem_shared>> -> memref<624x128xf32, #tpu.memory_space<vmem_shared>>
      tpu.enqueue_dma source(%dma_start3A_43 : memref<624x128xf32, #tpu.memory_space<vmem_shared>>) target(%dma_start3A_41 : memref<624x128xf32, #tpu.memory_space<hbm>>) target_semaphore(%run_scoped3A : memref<!tpu.dma_semaphore, #tpu.memory_space<semaphore_mem>>)
      %dma_wait3A = arith.constant 0 : i32
      %dma_wait3A_44 = tpu.memref_slice %arg5[%arg0, %mul3A_7, %dma_wait3A] : memref<2x10000x128xf32, #tpu.memory_space<hbm>> -> memref<1x624x128xf32, #tpu.memory_space<hbm>>
      %dma_wait3A_45 = tpu.memref_squeeze %dma_wait3A_44 : memref<1x624x128xf32, #tpu.memory_space<hbm>> -> memref<624x128xf32, #tpu.memory_space<hbm>>
      %dma_wait3A_46 = arith.constant 0 : i32
      %dma_wait3A_47 = tpu.memref_slice %arg10[%mul3A_7, %dma_wait3A_46] : memref<10512x128xf32, #tpu.memory_space<vmem_shared>> -> memref<624x128xf32, #tpu.memory_space<vmem_shared>>
      tpu.wait_dma2 semaphore(%run_scoped3A : memref<!tpu.dma_semaphore, #tpu.memory_space<semaphore_mem>>) src(%dma_wait3A_47 : memref<624x128xf32, #tpu.memory_space<vmem_shared>>) dst(%dma_wait3A_45 : memref<624x128xf32, #tpu.memory_space<hbm>>)
      tpu.yield
    }) : () -> ()
    %eq3A = arith.constant 15 : i32
    %eq3A_37 = arith.cmpi eq, %arg1, %eq3A : i32
    %convert_element_type3A = arith.extui %eq3A_37 : i1 to i32
    %cond3A = arith.constant 0 : i32
    %cond3A_38 = arith.cmpi ne, %convert_element_type3A, %cond3A : i32
    scf.if %cond3A_38 {
      "tpu.region"() ({
        %run_scoped3A = tpu.sem_alloc : memref<!tpu.dma_semaphore, #tpu.memory_space<semaphore_mem>>
        %dma_start3A_39 = arith.constant 9984 : i32
        %dma_start3A_40 = arith.constant 0 : i32
        %dma_start3A_41 = tpu.memref_slice %arg5[%arg0, %dma_start3A_39, %dma_start3A_40] : memref<2x10000x128xf32, #tpu.memory_space<hbm>> -> memref<1x16x128xf32, #tpu.memory_space<hbm>>
        %dma_start3A_42 = tpu.memref_squeeze %dma_start3A_41 : memref<1x16x128xf32, #tpu.memory_space<hbm>> -> memref<16x128xf32, #tpu.memory_space<hbm>>
        %dma_start3A_43 = arith.constant 9984 : i32
        %dma_start3A_44 = arith.constant 0 : i32
        %dma_start3A_45 = tpu.memref_slice %arg10[%dma_start3A_43, %dma_start3A_44] : memref<10512x128xf32, #tpu.memory_space<vmem_shared>> -> memref<16x128xf32, #tpu.memory_space<vmem_shared>>
        tpu.enqueue_dma source(%dma_start3A_45 : memref<16x128xf32, #tpu.memory_space<vmem_shared>>) target(%dma_start3A_42 : memref<16x128xf32, #tpu.memory_space<hbm>>) target_semaphore(%run_scoped3A : memref<!tpu.dma_semaphore, #tpu.memory_space<semaphore_mem>>)
        %dma_wait3A = arith.constant 9984 : i32
        %dma_wait3A_46 = arith.constant 0 : i32
        %dma_wait3A_47 = tpu.memref_slice %arg5[%arg0, %dma_wait3A, %dma_wait3A_46] : memref<2x10000x128xf32, #tpu.memory_space<hbm>> -> memref<1x16x128xf32, #tpu.memory_space<hbm>>
        %dma_wait3A_48 = tpu.memref_squeeze %dma_wait3A_47 : memref<1x16x128xf32, #tpu.memory_space<hbm>> -> memref<16x128xf32, #tpu.memory_space<hbm>>
        %dma_wait3A_49 = arith.constant 9984 : i32
        %dma_wait3A_50 = arith.constant 0 : i32
        %dma_wait3A_51 = tpu.memref_slice %arg10[%dma_wait3A_49, %dma_wait3A_50] : memref<10512x128xf32, #tpu.memory_space<vmem_shared>> -> memref<16x128xf32, #tpu.memory_space<vmem_shared>>
        tpu.wait_dma2 semaphore(%run_scoped3A : memref<!tpu.dma_semaphore, #tpu.memory_space<semaphore_mem>>) src(%dma_wait3A_51 : memref<16x128xf32, #tpu.memory_space<vmem_shared>>) dst(%dma_wait3A_48 : memref<16x128xf32, #tpu.memory_space<hbm>>)
        tpu.yield
      }) : () -> ()
    } else {
    }
    return
  }
}

module attributes {stable_mosaic.version = 14 : i64} {
  func.func @body(%arg0: i32, %arg1: memref<2x2x2000x16xf32, #tpu.memory_space<vmem>>, %arg2: memref<2000x128xf32, #tpu.memory_space<vmem>>, %arg3: memref<2000x128xf32, #tpu.memory_space<vmem>>, %arg4: memref<2000x1xf32, #tpu.memory_space<vmem>>, %arg5: memref<2000x1xf32, #tpu.memory_space<vmem>>) attributes {dimension_semantics = [#tpu.dimension_semantics<arbitrary>], iteration_bounds = array<i64: 5>, scalar_prefetch = 0 : i64, scratch_operands = 0 : i64, tpu.core_type = #tpu.core_type<tc>, window_params = [{transform_indices = @transform_0, window_bounds = array<i64: 2, 2, 2000, 16>}, {transform_indices = @transform_1, window_bounds = array<i64: 2000, 128>}, {transform_indices = @transform_2, window_bounds = array<i64: 2000, 128>}, {transform_indices = @transform_3, window_bounds = array<i64: 2000, 1>}, {transform_indices = @transform_4, window_bounds = array<i64: 2000, 1>}]} {
    %get3A = arith.constant 0 : index
    %get3A_0 = arith.constant 0 : index
    %get3A_1 = arith.constant 0 : index
    %get3A_2 = arith.constant 0 : index
    %get3A_3 = vector.load %arg1[%get3A, %get3A_0, %get3A_1, %get3A_2] : memref<2x2x2000x16xf32, #tpu.memory_space<vmem>>, vector<2x2x2000x16xf32>
    %slice3A = vector.extract_strided_slice %get3A_3 {offsets = [0, 0, 0, 0], sizes = [1, 1, 2000, 1], strides = [1, 1, 1, 1]} : vector<2x2x2000x16xf32> to vector<1x1x2000x1xf32>
    %squeeze3A = vector.shape_cast %slice3A : vector<1x1x2000x1xf32> to vector<2000x1xf32>
    %slice3A_4 = vector.extract_strided_slice %get3A_3 {offsets = [1, 0, 0, 0], sizes = [1, 1, 2000, 1], strides = [1, 1, 1, 1]} : vector<2x2x2000x16xf32> to vector<1x1x2000x1xf32>
    %squeeze3A_5 = vector.shape_cast %slice3A_4 : vector<1x1x2000x1xf32> to vector<2000x1xf32>
    %add3A = arith.addf %squeeze3A, %squeeze3A_5 : vector<2000x1xf32>
    %slice3A_6 = vector.extract_strided_slice %get3A_3 {offsets = [0, 1, 0, 0], sizes = [1, 1, 2000, 1], strides = [1, 1, 1, 1]} : vector<2x2x2000x16xf32> to vector<1x1x2000x1xf32>
    %squeeze3A_7 = vector.shape_cast %slice3A_6 : vector<1x1x2000x1xf32> to vector<2000x1xf32>
    %slice3A_8 = vector.extract_strided_slice %get3A_3 {offsets = [1, 1, 0, 0], sizes = [1, 1, 2000, 1], strides = [1, 1, 1, 1]} : vector<2x2x2000x16xf32> to vector<1x1x2000x1xf32>
    %squeeze3A_9 = vector.shape_cast %slice3A_8 : vector<1x1x2000x1xf32> to vector<2000x1xf32>
    %add3A_10 = arith.addf %squeeze3A_7, %squeeze3A_9 : vector<2000x1xf32>
    %max3A = arith.constant 1.000000e+00 : f32
    %max3A_11 = vector.broadcast %max3A : f32 to vector<2000x1xf32>
    %max3A_12 = arith.maximumf %add3A, %max3A_11 : vector<2000x1xf32>
    %rsqrt3A = math.rsqrt %max3A_12 : vector<2000x1xf32>
    %max3A_13 = arith.constant 1.000000e+00 : f32
    %max3A_14 = vector.broadcast %max3A_13 : f32 to vector<2000x1xf32>
    %max3A_15 = arith.maximumf %add3A_10, %max3A_14 : vector<2000x1xf32>
    %rsqrt3A_16 = math.rsqrt %max3A_15 : vector<2000x1xf32>
    %get3A_17 = arith.constant 0 : index
    %get3A_18 = arith.constant 0 : index
    %get3A_19 = vector.load %arg2[%get3A_17, %get3A_18] : memref<2000x128xf32, #tpu.memory_space<vmem>>, vector<2000x128xf32>
    %mul3A = vector.broadcast %rsqrt3A : vector<2000x1xf32> to vector<2000x128xf32>
    %mul3A_20 = arith.mulf %get3A_19, %mul3A : vector<2000x128xf32>
    %swap3A = arith.constant 0 : index
    %swap3A_21 = arith.constant 0 : index
    %swap3A_22 = vector.load %arg3[%swap3A, %swap3A_21] : memref<2000x128xf32, #tpu.memory_space<vmem>>, vector<2000x128xf32>
    tpu.vector_store %arg3[%swap3A, %swap3A_21], %mul3A_20 {strides = array<i32>} : memref<2000x128xf32, #tpu.memory_space<vmem>>, vector<2000x128xf32>,
    %swap3A_23 = arith.constant 0 : index
    %swap3A_24 = arith.constant 0 : index
    %swap3A_25 = vector.load %arg4[%swap3A_23, %swap3A_24] : memref<2000x1xf32, #tpu.memory_space<vmem>>, vector<2000x1xf32>
    tpu.vector_store %arg4[%swap3A_23, %swap3A_24], %rsqrt3A {strides = array<i32>} : memref<2000x1xf32, #tpu.memory_space<vmem>>, vector<2000x1xf32>,
    %swap3A_26 = arith.constant 0 : index
    %swap3A_27 = arith.constant 0 : index
    %swap3A_28 = vector.load %arg5[%swap3A_26, %swap3A_27] : memref<2000x1xf32, #tpu.memory_space<vmem>>, vector<2000x1xf32>
    tpu.vector_store %arg5[%swap3A_26, %swap3A_27], %rsqrt3A_16 {strides = array<i32>} : memref<2000x1xf32, #tpu.memory_space<vmem>>, vector<2000x1xf32>,
    return
  }
  func.func @transform_0(%arg0: i32) -> (i32, i32, i32, i32) {
    %c0_i32 = arith.constant 0 : i32
    %c0_i32_0 = arith.constant 0 : i32
    %c0_i32_1 = arith.constant 0 : i32
    %c0_i32_2 = arith.constant 0 : i32
    return %c0_i32, %c0_i32_0, %arg0, %c0_i32_1 : i32, i32, i32, i32
  }
  func.func @transform_1(%arg0: i32) -> (i32, i32) {
    %c0_i32 = arith.constant 0 : i32
    %c0_i32_0 = arith.constant 0 : i32
    return %arg0, %c0_i32 : i32, i32
  }
  func.func @transform_2(%arg0: i32) -> (i32, i32) {
    %c0_i32 = arith.constant 0 : i32
    %c0_i32_0 = arith.constant 0 : i32
    return %arg0, %c0_i32 : i32, i32
  }
  func.func @transform_3(%arg0: i32) -> (i32, i32) {
    %c0_i32 = arith.constant 0 : i32
    %c0_i32_0 = arith.constant 0 : i32
    return %arg0, %c0_i32 : i32, i32
  }
  func.func @transform_4(%arg0: i32) -> (i32, i32) {
    %c0_i32 = arith.constant 0 : i32
    %c0_i32_0 = arith.constant 0 : i32
    return %arg0, %c0_i32 : i32, i32
  }
}

module attributes {stable_mosaic.version = 14 : i64} {
  func.func @body(%arg0: i32, %arg1: memref<2x2000x128xf32, #tpu.memory_space<vmem>>, %arg2: memref<2000x1xf32, #tpu.memory_space<vmem>>, %arg3: memref<2000x1xf32, #tpu.memory_space<vmem>>, %arg4: memref<128x128xf32, #tpu.memory_space<vmem>>, %arg5: memref<1x128xf32, #tpu.memory_space<vmem>>, %arg6: memref<128x128xf32, #tpu.memory_space<vmem>>, %arg7: memref<1x128xf32, #tpu.memory_space<vmem>>, %arg8: memref<128x64xf32, #tpu.memory_space<vmem>>, %arg9: memref<128x64xf32, #tpu.memory_space<vmem>>, %arg10: memref<2000x128xf32, #tpu.memory_space<vmem>>) attributes {dimension_semantics = [#tpu.dimension_semantics<arbitrary>], iteration_bounds = array<i64: 5>, scalar_prefetch = 0 : i64, scratch_operands = 0 : i64, tpu.core_type = #tpu.core_type<tc>, window_params = [{transform_indices = @transform_0, window_bounds = array<i64: 2, 2000, 128>}, {transform_indices = @transform_1, window_bounds = array<i64: 2000, 1>}, {transform_indices = @transform_2, window_bounds = array<i64: 2000, 1>}, {pipeline_mode = #tpu.pipeline_mode<synchronous>, transform_indices = @transform_3, window_bounds = array<i64: 128, 128>}, {pipeline_mode = #tpu.pipeline_mode<synchronous>, transform_indices = @transform_4, window_bounds = array<i64: 1, 128>}, {pipeline_mode = #tpu.pipeline_mode<synchronous>, transform_indices = @transform_5, window_bounds = array<i64: 128, 128>}, {pipeline_mode = #tpu.pipeline_mode<synchronous>, transform_indices = @transform_6, window_bounds = array<i64: 1, 128>}, {pipeline_mode = #tpu.pipeline_mode<synchronous>, transform_indices = @transform_7, window_bounds = array<i64: 128, 64>}, {pipeline_mode = #tpu.pipeline_mode<synchronous>, transform_indices = @transform_8, window_bounds = array<i64: 128, 64>}, {transform_indices = @transform_9, window_bounds = array<i64: 2000, 128>}]} {
    %get3A = arith.constant 0 : index
    %get3A_0 = arith.constant 0 : index
    %get3A_1 = arith.constant 0 : index
    %get3A_2 = vector.load %arg1[%get3A, %get3A_0, %get3A_1] : memref<2x2000x128xf32, #tpu.memory_space<vmem>>, vector<1x2000x128xf32>
    %get3A_3 = vector.shape_cast %get3A_2 : vector<1x2000x128xf32> to vector<2000x128xf32>
    %get3A_4 = arith.constant 1 : index
    %get3A_5 = arith.constant 0 : index
    %get3A_6 = arith.constant 0 : index
    %get3A_7 = vector.load %arg1[%get3A_4, %get3A_5, %get3A_6] : memref<2x2000x128xf32, #tpu.memory_space<vmem>>, vector<1x2000x128xf32>
    %get3A_8 = vector.shape_cast %get3A_7 : vector<1x2000x128xf32> to vector<2000x128xf32>
    %add3A = arith.addf %get3A_3, %get3A_8 : vector<2000x128xf32>
    %get3A_9 = arith.constant 0 : index
    %get3A_10 = arith.constant 0 : index
    %get3A_11 = vector.load %arg2[%get3A_9, %get3A_10] : memref<2000x1xf32, #tpu.memory_space<vmem>>, vector<2000x1xf32>
    %mul3A = vector.broadcast %get3A_11 : vector<2000x1xf32> to vector<2000x128xf32>
    %mul3A_12 = arith.mulf %add3A, %mul3A : vector<2000x128xf32>
    %get3A_13 = arith.constant 0 : index
    %get3A_14 = arith.constant 0 : index
    %get3A_15 = vector.load %arg4[%get3A_13, %get3A_14] : memref<128x128xf32, #tpu.memory_space<vmem>>, vector<128x128xf32>
    %dot_general3A = arith.constant dense<0.000000e+00> : vector<2000x128xf32>
    %dot_general3A_16 = tpu.matmul %mul3A_12, %get3A_15, %dot_general3A {dimension_numbers = #tpu.dot_dimension_numbers<[1], [0], [0], [1], [0, 0, 1, 1], [], []>, transpose_lhs_hint = false} : vector<2000x128xf32>, vector<128x128xf32>, vector<2000x128xf32> -> vector<2000x128xf32>
    %get3A_17 = arith.constant 0 : index
    %get3A_18 = arith.constant 0 : index
    %get3A_19 = vector.load %arg5[%get3A_17, %get3A_18] : memref<1x128xf32, #tpu.memory_space<vmem>>, vector<1x128xf32>
    %add3A_20 = vector.broadcast %get3A_19 : vector<1x128xf32> to vector<2000x128xf32>
    %add3A_21 = arith.addf %dot_general3A_16, %add3A_20 : vector<2000x128xf32>
    %max3A = arith.constant 0.000000e+00 : f32
    %max3A_22 = vector.broadcast %max3A : f32 to vector<2000x128xf32>
    %max3A_23 = arith.maximumf %add3A_21, %max3A_22 : vector<2000x128xf32>
    %get3A_24 = arith.constant 0 : index
    %get3A_25 = arith.constant 0 : index
    %get3A_26 = vector.load %arg6[%get3A_24, %get3A_25] : memref<128x128xf32, #tpu.memory_space<vmem>>, vector<128x128xf32>
    %dot_general3A_27 = arith.constant dense<0.000000e+00> : vector<2000x128xf32>
    %dot_general3A_28 = tpu.matmul %mul3A_12, %get3A_26, %dot_general3A_27 {dimension_numbers = #tpu.dot_dimension_numbers<[1], [0], [0], [1], [0, 0, 1, 1], [], []>, transpose_lhs_hint = false} : vector<2000x128xf32>, vector<128x128xf32>, vector<2000x128xf32> -> vector<2000x128xf32>
    %get3A_29 = arith.constant 0 : index
    %get3A_30 = arith.constant 0 : index
    %get3A_31 = vector.load %arg7[%get3A_29, %get3A_30] : memref<1x128xf32, #tpu.memory_space<vmem>>, vector<1x128xf32>
    %add3A_32 = vector.broadcast %get3A_31 : vector<1x128xf32> to vector<2000x128xf32>
    %add3A_33 = arith.addf %dot_general3A_28, %add3A_32 : vector<2000x128xf32>
    %max3A_34 = arith.constant 0.000000e+00 : f32
    %max3A_35 = vector.broadcast %max3A_34 : f32 to vector<2000x128xf32>
    %max3A_36 = arith.maximumf %add3A_33, %max3A_35 : vector<2000x128xf32>
    %get3A_37 = arith.constant 0 : index
    %get3A_38 = arith.constant 0 : index
    %get3A_39 = vector.load %arg8[%get3A_37, %get3A_38] : memref<128x64xf32, #tpu.memory_space<vmem>>, vector<128x64xf32>
    %dot_general3A_40 = arith.constant dense<0.000000e+00> : vector<2000x64xf32>
    %dot_general3A_41 = tpu.matmul %max3A_23, %get3A_39, %dot_general3A_40 {dimension_numbers = #tpu.dot_dimension_numbers<[1], [0], [0], [1], [0, 0, 1, 1], [], []>, transpose_lhs_hint = false} : vector<2000x128xf32>, vector<128x64xf32>, vector<2000x64xf32> -> vector<2000x64xf32>
    %get3A_42 = arith.constant 0 : index
    %get3A_43 = arith.constant 0 : index
    %get3A_44 = vector.load %arg9[%get3A_42, %get3A_43] : memref<128x64xf32, #tpu.memory_space<vmem>>, vector<128x64xf32>
    %dot_general3A_45 = arith.constant dense<0.000000e+00> : vector<2000x64xf32>
    %dot_general3A_46 = tpu.matmul %max3A_36, %get3A_44, %dot_general3A_45 {dimension_numbers = #tpu.dot_dimension_numbers<[1], [0], [0], [1], [0, 0, 1, 1], [], []>, transpose_lhs_hint = false} : vector<2000x128xf32>, vector<128x64xf32>, vector<2000x64xf32> -> vector<2000x64xf32>
    %concatenate3A = tpu.concatenate %dot_general3A_41, %dot_general3A_46 in 1 : vector<2000x64xf32>, vector<2000x64xf32> -> vector<2000x128xf32>
    %get3A_47 = arith.constant 0 : index
    %get3A_48 = arith.constant 0 : index
    %get3A_49 = vector.load %arg3[%get3A_47, %get3A_48] : memref<2000x1xf32, #tpu.memory_space<vmem>>, vector<2000x1xf32>
    %mul3A_50 = vector.broadcast %get3A_49 : vector<2000x1xf32> to vector<2000x128xf32>
    %mul3A_51 = arith.mulf %concatenate3A, %mul3A_50 : vector<2000x128xf32>
    %swap3A = arith.constant 0 : index
    %swap3A_52 = arith.constant 0 : index
    %swap3A_53 = vector.load %arg10[%swap3A, %swap3A_52] : memref<2000x128xf32, #tpu.memory_space<vmem>>, vector<2000x128xf32>
    tpu.vector_store %arg10[%swap3A, %swap3A_52], %mul3A_51 {strides = array<i32>} : memref<2000x128xf32, #tpu.memory_space<vmem>>, vector<2000x128xf32>,
    return
  }
  func.func @transform_0(%arg0: i32) -> (i32, i32, i32) {
    %c0_i32 = arith.constant 0 : i32
    %c0_i32_0 = arith.constant 0 : i32
    %c0_i32_1 = arith.constant 0 : i32
    return %c0_i32, %arg0, %c0_i32_0 : i32, i32, i32
  }
  func.func @transform_1(%arg0: i32) -> (i32, i32) {
    %c0_i32 = arith.constant 0 : i32
    %c0_i32_0 = arith.constant 0 : i32
    return %arg0, %c0_i32 : i32, i32
  }
  func.func @transform_2(%arg0: i32) -> (i32, i32) {
    %c0_i32 = arith.constant 0 : i32
    %c0_i32_0 = arith.constant 0 : i32
    return %arg0, %c0_i32 : i32, i32
  }
  func.func @transform_3(%arg0: i32) -> (i32, i32) {
    %c0_i32 = arith.constant 0 : i32
    %c0_i32_0 = arith.constant 0 : i32
    %c0_i32_1 = arith.constant 0 : i32
    return %c0_i32, %c0_i32_0 : i32, i32
  }
  func.func @transform_4(%arg0: i32) -> (i32, i32) {
    %c0_i32 = arith.constant 0 : i32
    %c0_i32_0 = arith.constant 0 : i32
    %c0_i32_1 = arith.constant 0 : i32
    return %c0_i32, %c0_i32_0 : i32, i32
  }
  func.func @transform_5(%arg0: i32) -> (i32, i32) {
    %c0_i32 = arith.constant 0 : i32
    %c0_i32_0 = arith.constant 0 : i32
    %c0_i32_1 = arith.constant 0 : i32
    return %c0_i32, %c0_i32_0 : i32, i32
  }
  func.func @transform_6(%arg0: i32) -> (i32, i32) {
    %c0_i32 = arith.constant 0 : i32
    %c0_i32_0 = arith.constant 0 : i32
    %c0_i32_1 = arith.constant 0 : i32
    return %c0_i32, %c0_i32_0 : i32, i32
  }
  func.func @transform_7(%arg0: i32) -> (i32, i32) {
    %c0_i32 = arith.constant 0 : i32
    %c0_i32_0 = arith.constant 0 : i32
    %c0_i32_1 = arith.constant 0 : i32
    return %c0_i32, %c0_i32_0 : i32, i32
  }
  func.func @transform_8(%arg0: i32) -> (i32, i32) {
    %c0_i32 = arith.constant 0 : i32
    %c0_i32_0 = arith.constant 0 : i32
    %c0_i32_1 = arith.constant 0 : i32
    return %c0_i32, %c0_i32_0 : i32, i32
  }
  func.func @transform_9(%arg0: i32) -> (i32, i32) {
    %c0_i32 = arith.constant 0 : i32
    %c0_i32_0 = arith.constant 0 : i32
    return %arg0, %c0_i32 : i32, i32
  }
}

module attributes {stable_mosaic.version = 14 : i64} {
  func.func @body(%arg0: i32, %arg1: memref<2x2000x128xf32, #tpu.memory_space<vmem>>, %arg2: memref<2000x1xf32, #tpu.memory_space<vmem>>, %arg3: memref<2000x128xf32, #tpu.memory_space<vmem>>, %arg4: memref<1x128xf32, #tpu.memory_space<vmem>>, %arg5: memref<1x128xf32, #tpu.memory_space<vmem>>, %arg6: memref<1x128xf32, #tpu.memory_space<vmem>>, %arg7: memref<128x128xf32, #tpu.memory_space<vmem>>, %arg8: memref<1x128xf32, #tpu.memory_space<vmem>>, %arg9: memref<128x128xf32, #tpu.memory_space<vmem>>, %arg10: memref<1x128xf32, #tpu.memory_space<vmem>>, %arg11: memref<2000x128xf32, #tpu.memory_space<vmem>>) attributes {dimension_semantics = [#tpu.dimension_semantics<arbitrary>], iteration_bounds = array<i64: 5>, scalar_prefetch = 0 : i64, scratch_operands = 0 : i64, tpu.core_type = #tpu.core_type<tc>, window_params = [{transform_indices = @transform_0, window_bounds = array<i64: 2, 2000, 128>}, {transform_indices = @transform_1, window_bounds = array<i64: 2000, 1>}, {transform_indices = @transform_2, window_bounds = array<i64: 2000, 128>}, {pipeline_mode = #tpu.pipeline_mode<synchronous>, transform_indices = @transform_3, window_bounds = array<i64: 1, 128>}, {pipeline_mode = #tpu.pipeline_mode<synchronous>, transform_indices = @transform_4, window_bounds = array<i64: 1, 128>}, {pipeline_mode = #tpu.pipeline_mode<synchronous>, transform_indices = @transform_5, window_bounds = array<i64: 1, 128>}, {pipeline_mode = #tpu.pipeline_mode<synchronous>, transform_indices = @transform_6, window_bounds = array<i64: 128, 128>}, {pipeline_mode = #tpu.pipeline_mode<synchronous>, transform_indices = @transform_7, window_bounds = array<i64: 1, 128>}, {pipeline_mode = #tpu.pipeline_mode<synchronous>, transform_indices = @transform_8, window_bounds = array<i64: 128, 128>}, {pipeline_mode = #tpu.pipeline_mode<synchronous>, transform_indices = @transform_9, window_bounds = array<i64: 1, 128>}, {transform_indices = @transform_10, window_bounds = array<i64: 2000, 128>}]} {
    %get3A = arith.constant 0 : index
    %get3A_0 = arith.constant 0 : index
    %get3A_1 = arith.constant 0 : index
    %get3A_2 = vector.load %arg1[%get3A, %get3A_0, %get3A_1] : memref<2x2000x128xf32, #tpu.memory_space<vmem>>, vector<1x2000x128xf32>
    %get3A_3 = vector.shape_cast %get3A_2 : vector<1x2000x128xf32> to vector<2000x128xf32>
    %get3A_4 = arith.constant 1 : index
    %get3A_5 = arith.constant 0 : index
    %get3A_6 = arith.constant 0 : index
    %get3A_7 = vector.load %arg1[%get3A_4, %get3A_5, %get3A_6] : memref<2x2000x128xf32, #tpu.memory_space<vmem>>, vector<1x2000x128xf32>
    %get3A_8 = vector.shape_cast %get3A_7 : vector<1x2000x128xf32> to vector<2000x128xf32>
    %add3A = arith.addf %get3A_3, %get3A_8 : vector<2000x128xf32>
    %get3A_9 = arith.constant 0 : index
    %get3A_10 = arith.constant 0 : index
    %get3A_11 = vector.load %arg2[%get3A_9, %get3A_10] : memref<2000x1xf32, #tpu.memory_space<vmem>>, vector<2000x1xf32>
    %mul3A = vector.broadcast %get3A_11 : vector<2000x1xf32> to vector<2000x128xf32>
    %mul3A_12 = arith.mulf %add3A, %mul3A : vector<2000x128xf32>
    %get3A_13 = arith.constant 0 : index
    %get3A_14 = arith.constant 0 : index
    %get3A_15 = vector.load %arg4[%get3A_13, %get3A_14] : memref<1x128xf32, #tpu.memory_space<vmem>>, vector<1x128xf32>
    %add3A_16 = vector.broadcast %get3A_15 : vector<1x128xf32> to vector<2000x128xf32>
    %add3A_17 = arith.addf %mul3A_12, %add3A_16 : vector<2000x128xf32>
    %reduce_sum3A = arith.constant dense<0.000000e+00> : vector<2000xf32>
    %reduce_sum3A_18 = vector.multi_reduction <add>, %add3A_17, %reduce_sum3A [1] : vector<2000x128xf32> to vector<2000xf32>
    %broadcast_in_dim3A = vector.shape_cast %reduce_sum3A_18 : vector<2000xf32> to vector<2000x1xf32>
    %div3A = arith.constant 1.280000e+02 : f32
    %div3A_19 = vector.broadcast %div3A : f32 to vector<2000x1xf32>
    %div3A_20 = arith.divf %broadcast_in_dim3A, %div3A_19 : vector<2000x1xf32>
    %sub3A = vector.broadcast %div3A_20 : vector<2000x1xf32> to vector<2000x128xf32>
    %sub3A_21 = arith.subf %add3A_17, %sub3A : vector<2000x128xf32>
    %mul3A_22 = arith.mulf %sub3A_21, %sub3A_21 : vector<2000x128xf32>
    %reduce_sum3A_23 = arith.constant dense<0.000000e+00> : vector<2000xf32>
    %reduce_sum3A_24 = vector.multi_reduction <add>, %mul3A_22, %reduce_sum3A_23 [1] : vector<2000x128xf32> to vector<2000xf32>
    %broadcast_in_dim3A_25 = vector.shape_cast %reduce_sum3A_24 : vector<2000xf32> to vector<2000x1xf32>
    %div3A_26 = arith.constant 1.280000e+02 : f32
    %div3A_27 = vector.broadcast %div3A_26 : f32 to vector<2000x1xf32>
    %div3A_28 = arith.divf %broadcast_in_dim3A_25, %div3A_27 : vector<2000x1xf32>
    %add3A_29 = arith.constant 9.99999974E-6 : f32
    %add3A_30 = vector.broadcast %add3A_29 : f32 to vector<2000x1xf32>
    %add3A_31 = arith.addf %div3A_28, %add3A_30 : vector<2000x1xf32>
    %rsqrt3A = math.rsqrt %add3A_31 : vector<2000x1xf32>
    %mul3A_32 = vector.broadcast %rsqrt3A : vector<2000x1xf32> to vector<2000x128xf32>
    %mul3A_33 = arith.mulf %sub3A_21, %mul3A_32 : vector<2000x128xf32>
    %get3A_34 = arith.constant 0 : index
    %get3A_35 = arith.constant 0 : index
    %get3A_36 = vector.load %arg5[%get3A_34, %get3A_35] : memref<1x128xf32, #tpu.memory_space<vmem>>, vector<1x128xf32>
    %mul3A_37 = vector.broadcast %get3A_36 : vector<1x128xf32> to vector<2000x128xf32>
    %mul3A_38 = arith.mulf %mul3A_33, %mul3A_37 : vector<2000x128xf32>
    %get3A_39 = arith.constant 0 : index
    %get3A_40 = arith.constant 0 : index
    %get3A_41 = vector.load %arg6[%get3A_39, %get3A_40] : memref<1x128xf32, #tpu.memory_space<vmem>>, vector<1x128xf32>
    %add3A_42 = vector.broadcast %get3A_41 : vector<1x128xf32> to vector<2000x128xf32>
    %add3A_43 = arith.addf %mul3A_38, %add3A_42 : vector<2000x128xf32>
    %get3A_44 = arith.constant 0 : index
    %get3A_45 = arith.constant 0 : index
    %get3A_46 = vector.load %arg3[%get3A_44, %get3A_45] : memref<2000x128xf32, #tpu.memory_space<vmem>>, vector<2000x128xf32>
    %add3A_47 = arith.addf %get3A_46, %add3A_43 : vector<2000x128xf32>
    %get3A_48 = arith.constant 0 : index
    %get3A_49 = arith.constant 0 : index
    %get3A_50 = vector.load %arg7[%get3A_48, %get3A_49] : memref<128x128xf32, #tpu.memory_space<vmem>>, vector<128x128xf32>
    %dot_general3A = arith.constant dense<0.000000e+00> : vector<2000x128xf32>
    %dot_general3A_51 = tpu.matmul %add3A_47, %get3A_50, %dot_general3A {dimension_numbers = #tpu.dot_dimension_numbers<[1], [0], [0], [1], [0, 0, 1, 1], [], []>, transpose_lhs_hint = false} : vector<2000x128xf32>, vector<128x128xf32>, vector<2000x128xf32> -> vector<2000x128xf32>
    %get3A_52 = arith.constant 0 : index
    %get3A_53 = arith.constant 0 : index
    %get3A_54 = vector.load %arg8[%get3A_52, %get3A_53] : memref<1x128xf32, #tpu.memory_space<vmem>>, vector<1x128xf32>
    %add3A_55 = vector.broadcast %get3A_54 : vector<1x128xf32> to vector<2000x128xf32>
    %add3A_56 = arith.addf %dot_general3A_51, %add3A_55 : vector<2000x128xf32>
    %max3A = arith.constant 0.000000e+00 : f32
    %max3A_57 = vector.broadcast %max3A : f32 to vector<2000x128xf32>
    %max3A_58 = arith.maximumf %add3A_56, %max3A_57 : vector<2000x128xf32>
    %get3A_59 = arith.constant 0 : index
    %get3A_60 = arith.constant 0 : index
    %get3A_61 = vector.load %arg9[%get3A_59, %get3A_60] : memref<128x128xf32, #tpu.memory_space<vmem>>, vector<128x128xf32>
    %dot_general3A_62 = arith.constant dense<0.000000e+00> : vector<2000x128xf32>
    %dot_general3A_63 = tpu.matmul %max3A_58, %get3A_61, %dot_general3A_62 {dimension_numbers = #tpu.dot_dimension_numbers<[1], [0], [0], [1], [0, 0, 1, 1], [], []>, transpose_lhs_hint = false} : vector<2000x128xf32>, vector<128x128xf32>, vector<2000x128xf32> -> vector<2000x128xf32>
    %get3A_64 = arith.constant 0 : index
    %get3A_65 = arith.constant 0 : index
    %get3A_66 = vector.load %arg10[%get3A_64, %get3A_65] : memref<1x128xf32, #tpu.memory_space<vmem>>, vector<1x128xf32>
    %add3A_67 = vector.broadcast %get3A_66 : vector<1x128xf32> to vector<2000x128xf32>
    %add3A_68 = arith.addf %dot_general3A_63, %add3A_67 : vector<2000x128xf32>
    %add3A_69 = arith.addf %add3A_47, %add3A_68 : vector<2000x128xf32>
    %swap3A = arith.constant 0 : index
    %swap3A_70 = arith.constant 0 : index
    %swap3A_71 = vector.load %arg11[%swap3A, %swap3A_70] : memref<2000x128xf32, #tpu.memory_space<vmem>>, vector<2000x128xf32>
    tpu.vector_store %arg11[%swap3A, %swap3A_70], %add3A_69 {strides = array<i32>} : memref<2000x128xf32, #tpu.memory_space<vmem>>, vector<2000x128xf32>,
    return
  }
  func.func @transform_0(%arg0: i32) -> (i32, i32, i32) {
    %c0_i32 = arith.constant 0 : i32
    %c0_i32_0 = arith.constant 0 : i32
    %c0_i32_1 = arith.constant 0 : i32
    return %c0_i32, %arg0, %c0_i32_0 : i32, i32, i32
  }
  func.func @transform_1(%arg0: i32) -> (i32, i32) {
    %c0_i32 = arith.constant 0 : i32
    %c0_i32_0 = arith.constant 0 : i32
    return %arg0, %c0_i32 : i32, i32
  }
  func.func @transform_2(%arg0: i32) -> (i32, i32) {
    %c0_i32 = arith.constant 0 : i32
    %c0_i32_0 = arith.constant 0 : i32
    return %arg0, %c0_i32 : i32, i32
  }
  func.func @transform_3(%arg0: i32) -> (i32, i32) {
    %c0_i32 = arith.constant 0 : i32
    %c0_i32_0 = arith.constant 0 : i32
    %c0_i32_1 = arith.constant 0 : i32
    return %c0_i32, %c0_i32_0 : i32, i32
  }
  func.func @transform_4(%arg0: i32) -> (i32, i32) {
    %c0_i32 = arith.constant 0 : i32
    %c0_i32_0 = arith.constant 0 : i32
    %c0_i32_1 = arith.constant 0 : i32
    return %c0_i32, %c0_i32_0 : i32, i32
  }
  func.func @transform_5(%arg0: i32) -> (i32, i32) {
    %c0_i32 = arith.constant 0 : i32
    %c0_i32_0 = arith.constant 0 : i32
    %c0_i32_1 = arith.constant 0 : i32
    return %c0_i32, %c0_i32_0 : i32, i32
  }
  func.func @transform_6(%arg0: i32) -> (i32, i32) {
    %c0_i32 = arith.constant 0 : i32
    %c0_i32_0 = arith.constant 0 : i32
    %c0_i32_1 = arith.constant 0 : i32
    return %c0_i32, %c0_i32_0 : i32, i32
  }
  func.func @transform_7(%arg0: i32) -> (i32, i32) {
    %c0_i32 = arith.constant 0 : i32
    %c0_i32_0 = arith.constant 0 : i32
    %c0_i32_1 = arith.constant 0 : i32
    return %c0_i32, %c0_i32_0 : i32, i32
  }
  func.func @transform_8(%arg0: i32) -> (i32, i32) {
    %c0_i32 = arith.constant 0 : i32
    %c0_i32_0 = arith.constant 0 : i32
    %c0_i32_1 = arith.constant 0 : i32
    return %c0_i32, %c0_i32_0 : i32, i32
  }
  func.func @transform_9(%arg0: i32) -> (i32, i32) {
    %c0_i32 = arith.constant 0 : i32
    %c0_i32_0 = arith.constant 0 : i32
    %c0_i32_1 = arith.constant 0 : i32
    return %c0_i32, %c0_i32_0 : i32, i32
  }
  func.func @transform_10(%arg0: i32) -> (i32, i32) {
    %c0_i32 = arith.constant 0 : i32
    %c0_i32_0 = arith.constant 0 : i32
    return %arg0, %c0_i32 : i32, i32
  }
}

</mosaic_0001>

<sc_bundles>
// kernel: kernel.11.cloned.1.call-start
scs
__scs_entry_jumppad:
0x0: {  	(pc) =	sbr.rel $0x88, $3  }
0x1: {  	(tag) =	ssettag $0x0;
	lr =	simm.s32 $0x1  }
0x2: {  	[smem:$0x3F91] =	sst lr;
	_ =	strace $0xD0000000  }
0x3: {  	_ = 	snop  }
0x4: {  	_ = 	snop  }
0x5: {  	_ = 	snop  }
0x6: {  	_ = 	snop  }
0x7: {  	_ = 	snop  }
__scs_overlays_trampoline_lowered:
0x8: {  	[smem:$0x3FA0] =	sst s0  }
0x9: {  	[smem:$0x3FA1] =	sst s1  }
0xa: {  	[smem:$0x3FA2] =	sst s2  }
0xb: {  	[smem:$0x3FA3] =	sst s3  }
0xc: {  	[smem:$0x3FA4] =	sst s4  }
0xd: {  	[smem:$0x3FA5] =	sst s5  }
0xe: {  	[smem:$0x3FA6] =	sst s6  }
0xf: {  	[smem:$0x3FA7] =	sst s7  }
0x10: {  	[smem:$0x3FA8] =	sst s8  }
0x11: {  	[smem:$0x3FA9] =	sst s9;
	s0 =	simm.s32 @!p0 $0x0  }
0x12: {  	s1 =	sld [smem:$0x3F8F];
	s0 =	simm.s32 @p0 $0x1  }
0x13: {  	[smem:$0x3FAA] =	sst s0;
	s0 =	simm.s32 @!p1 $0x0  }
0x14: {  	s2 =	sld [smem:$0x3F8E];
	s0 =	simm.s32 @p1 $0x1  }
0x15: {  	[smem:$0x3FAB] =	sst s0;
	s0 =	simm.s32 @!p2 $0x0  }
0x16: {  	s3 =	sld [smem:$0x3FDB];
	s0 =	simm.s32 @p2 $0x1  }
0x17: {  	s4 =	simm.s32 $0x1BF5;
	[smem:$0x3FAD] =	sst s0  }
0x18: {  	s0 =	sld [smem:$0x3F90];
	_ =	swait.ge [sflag:s4], $0x0  }
0x19: {  	s7 =	sld [smem:$0x3F91]  }
0x1a: {  	s8 =	sadd.s32 $0xFFFFE003, lr  }
0x1b: {  	s9 =	sadd.s32 $0xFFFFFEF7, lr;
	s5 =	simm.s32 $0xFFFFFFFF;
	p2 =	slt.u32 s8, $0xFFFFF086  }
0x1c: {  	p1 =	slt.u32 s9, $0xF7A;
	s5 =	simm.s32 @!p2 $0x0  }
0x1d: {  	s5 =	simm.s32 @p1 $0x1;
	p0 =	seq.s32 s7, s2  }
0x1e: {  	s7 =	smul.u32 @!p0 $0xF7A, s2;
	p2 =	seq.s32 @!p0 s5, $0x0  }
0x1f: {  	s9 =	smul.u32 $0xF7A, s1;
	s8 =	simm.s32 @!p0 $0x1BF5;
	p2 =	por !p2, p0  }
0x20: {  	[sflag:s8] =	ssyncset.s32 @!p0 $0xFFFFF086;
	s6 =	sadd.s32 @!p0 s3, s7;
	s7 =	simm.s32 @!p0 $0x108  }
0x21: {  	s3 =	sadd.s32 s3, s9;
	s6 =	sadd.s32 @!p0 $0x88, s6;
	s7 =	simm.s32 @p2 $0x1082  }
0x22: {  	[simem:s7], [sflag:s8] =	dma.local @!p0 [hbm:s6], $0xF7A  }
0x23: {  	s9 =	sor.u32 $0xD0000000, s2;
	s6 =	simm.s32 $0x108;
	_ =	swait.ge @!p0 [sflag:s8], $0x0  }
0x24: {  	s3 =	sadd.s32 $0x88, s3;
	s6 =	simm.s32 @!p1 $0x1082;
	[sflag:s4] =	ssyncset.s32 $0xFFFFF086  }
0x25: {  	[simem:s6], [sflag:s4] =	dma.local [hbm:s3], $0xF7A  }
0x26: {  	[smem:$0x3F91] =	sst s1;
	(tag) =	ssettag s2;
	_ =	strace s9  }
0x27: {  	s1 =	sld [smem:$0x3FA1]  }
0x28: {  	s2 =	sld [smem:$0x3FA2]  }
0x29: {  	s4 =	sld [smem:$0x3FA4]  }
0x2a: {  	p0 =	seq.s32 s5, $0x0;
	s5 =	sld [smem:$0x3FA5]  }
0x2b: {  	s6 =	sld [smem:$0x3FA6]  }
0x2c: {  	s7 =	sld [smem:$0x3FA7]  }
0x2d: {  	s3 =	simm.s32 $0x108;
	s8 =	sld [smem:$0x3FA8]  }
0x2e: {  	s3 =	simm.s32 @!p0 $0x1082;
	s9 =	sld [smem:$0x3FA9]  }
0x2f: {  	lr =	sadd.s32 s0, s3;
	s0 =	sld [smem:$0x3FA0]  }
0x30: {  	s3 =	sld [smem:$0x3FA3]  }
0x31: {  	[smem:$0x3FAC] =	sst s10  }
0x32: {  	s10 =	sld [smem:$0x3FAA];
	_ =	sdelay $0x3  }
0x33: {  	p0 =	seq.s32 s10, $0x1;
	s10 =	sld [smem:$0x3FAC];
	_ =	sdelay $0x3  }
0x34: {  	[smem:$0x3FAC] =	sst s10  }
0x35: {  	s10 =	sld [smem:$0x3FAB];
	_ =	sdelay $0x3  }
0x36: {  	p1 =	seq.s32 s10, $0x1;
	s10 =	sld [smem:$0x3FAC];
	_ =	sdelay $0x3  }
0x37: {  	[smem:$0x3FAC] =	sst s10  }
0x38: {  	s10 =	sld [smem:$0x3FAD]  }
0x39: {  	_ = 	snop;
	(pc) =	sbr.ind lr, $3  }
0x3a: {  	_ = 	snop  }
0x3b: {  	_ = 	snop  }
0x3c: {  	p2 =	seq.s32 s10, $0x1;
	s10 =	sld [smem:$0x3FAC]  }
0x3d: {  	_ =	shalt  }
0x3e: {  	_ =	shalt  }
0x3f: {  	_ =	shalt  }
0x40: {  	_ =	shalt  }
0x41: {  	_ =	shalt  }
0x42: {  	_ =	shalt  }
0x43: {  	_ =	shalt  }
0x44: {  	_ =	shalt  }
0x45: {  	_ =	shalt  }
0x46: {  	_ =	shalt  }
0x47: {  	_ =	shalt  }
0x48: {  	_ =	shalt  }
0x49: {  	_ =	shalt  }
0x4a: {  	_ =	shalt  }
0x4b: {  	_ =	shalt  }
0x4c: {  	_ =	shalt  }
0x4d: {  	_ =	shalt  }
0x4e: {  	_ =	shalt  }
0x4f: {  	_ =	shalt  }
0x50: {  	_ =	shalt  }
0x51: {  	_ =	shalt  }
0x52: {  	_ =	shalt  }
0x53: {  	_ =	shalt  }
0x54: {  	_ =	shalt  }
0x55: {  	_ =	shalt  }
0x56: {  	_ =	shalt  }
0x57: {  	_ =	shalt  }
0x58: {  	_ =	shalt  }
0x59: {  	_ =	shalt  }
0x5a: {  	_ =	shalt  }
0x5b: {  	_ =	shalt  }
0x5c: {  	_ =	shalt  }
0x5d: {  	_ =	shalt  }
0x5e: {  	_ =	shalt  }
0x5f: {  	_ =	shalt  }
0x60: {  	_ =	shalt  }
0x61: {  	_ =	shalt  }
0x62: {  	_ =	shalt  }
0x63: {  	_ =	shalt  }
0x64: {  	_ =	shalt  }
0x65: {  	_ =	shalt  }
0x66: {  	_ =	shalt  }
0x67: {  	_ =	shalt  }
0x68: {  	_ =	shalt  }
0x69: {  	_ =	shalt  }
0x6a: {  	_ =	shalt  }
0x6b: {  	_ =	shalt  }
0x6c: {  	_ =	shalt  }
0x6d: {  	_ =	shalt  }
0x6e: {  	_ =	shalt  }
0x6f: {  	_ =	shalt  }
0x70: {  	_ =	shalt  }
0x71: {  	_ =	shalt  }
0x72: {  	_ =	shalt  }
0x73: {  	_ =	shalt  }
0x74: {  	_ =	shalt  }
0x75: {  	_ =	shalt  }
0x76: {  	_ =	shalt  }
0x77: {  	_ =	shalt  }
0x78: {  	_ =	shalt  }
0x79: {  	_ =	shalt  }
0x7a: {  	_ =	shalt  }
0x7b: {  	_ =	shalt  }
0x7c: {  	_ =	shalt  }
0x7d: {  	_ =	shalt  }
0x7e: {  	_ =	shalt  }
0x7f: {  	_ =	shalt  }
0x80: {  	_ =	shalt  }
0x81: {  	_ =	shalt  }
0x82: {  	_ =	shalt  }
0x83: {  	_ =	shalt  }
0x84: {  	_ =	shalt  }
0x85: {  	_ =	shalt  }
0x86: {  	_ =	shalt  }
0x87: {  	_ =	shalt  }
.Lfunc_end0:
.L_simem_size_0:
called_computation.1_lowered:
.L_overlay_start_0:
0x88: {  	s2 =	sld [smem:$0x3FD9]  }
0x89: {  	s3 =	sld [smem:$0x3FFE];
	_ =	sdelay $0x1  }
0x8a: {  	s1 =	srdreg.scid  }
0x8b: {  	s0 =	sand.u32 $0x1, s1  }
0x8c: {  	s17 =	sshll.u32 s0, $0xA;
	s2 =	sadd.s32 s3, s2  }
0x8d: {  	s2 =	sadd.s32 s2, s17  }
0x8e: {  	[smem:$0x3FB8] =	sst s2  }
0x8f: {  	_ = 	snop  }
0x90: {  	s2 =	sld [smem:$0x3FD0];
	(tm) =	ssettm $0x1  }
0x91: {  	s18 =	sld [smem:$0x3FFB];
	_ =	sdelay $0x3  }
0x92: {  	_ =	strace s18  }
0x93: {  	s3 =	sld [smem:$0x3FFC];
	_ =	sdelay $0x3  }
0x94: {  	_ =	strace s3  }
0x95: {  	s3 =	sld [smem:$0x3FFD];
	_ =	sdelay $0x3  }
0x96: {  	_ =	strace s3  }
0x97: {  	_ =	strace $0x8FFFFFFF  }
0x98: {  	s19 =	sld [smem:$0x3FDB];
	_ =	sdelay $0x1  }
0x99: {  	s4 =	simm.s32 $_scs_section_size  }
0x9a: {  	s5 =	simm.s32 $_size__tile_overlayer_lowered;
	s6 =	simm.s32 $_tile_overlayer_lowered  }
0x9b: {  	s22 =	simm.s32 $0x1BFF;
	s21 =	sshll.u32 s6, $0x1;
	s3 =	sadd.s32 s4, s19  }
0x9c: {  	s7 =	simm.s32 $0x0;
	s20 =	sshll.u32 s5, $0x1;
	s5 =	sadd.s32 s21, s3  }
0x9d: {  	[timem:s7], [sflag:s22] =	dma.local [hbm:s5], s20  }
0x9e: {  	_ =	swait.ge [sflag:s22], s20  }
0x9f: {  	s4 =	ssub.s32 $0x0, s20;
	[sflag:s22] =	ssyncset.done $0x0  }
0xa0: {  	[sflag:s22] =	ssyncadd.s32 s4;
	_ =	sdelay $0x1  }
0xa1: {  	s23 =	simm.s32 $0x1B8B  }
0xa2: {  	_ =	swait.ge [sflag:s23], $0x1  }
0xa3: {  	[sflag:s23] =	ssyncset.done $0x0  }
0xa4: {  	s25 =	simm.s32 $0x1B8E;
	s24 =	sld [smem:$0x3FFE];
	[sflag:s23] =	ssyncadd.s32 $0xFFFFFFFF  }
0xa5: {  	s26 =	simm.s32 $execute0_lowered;
	[smem:$0x3FD2] =	sst s25  }
0xa6: {  	s5 =	sshll.u32 s26, $0x1;
	_ =	strace $0x80000049;
	[dreg:$0x1] =	wrdreg $0xFFFFFFFF  }
0xa7: {  	s28 =	simm.s32 $_size_execute0_lowered;
	s3 =	sadd.s32 s3, s5;
	[dreg:$0x0] =	wrdreg $0x0  }
0xa8: {  	s5 =	sshll.u32 s28, $0x1;
	[dreg:$0x2] =	wrdreg s3  }
0xa9: {  	[dreg:$0x3] =	wrdreg s5  }
0xaa: {  	[dreg:$0x4] =	wrdreg $0xC0  }
0xab: {  	_ =	task [dreg:s7], $0x5FFFF  }
0xac: {  	[dreg:$0x1] =	wrdreg $0xFFFFFFFF  }
0xad: {  	[dreg:$0x0] =	wrdreg $0x60  }
0xae: {  	[dreg:$0x2] =	wrdreg s2  }
0xaf: {  	[dreg:$0x3] =	wrdreg s24  }
0xb0: {  	[dreg:$0x4] =	wrdreg $0xA8000  }
0xb1: {  	[dreg:$0x5] =	wrdreg $0x9  }
0xb2: {  	_ =	task.clear_ibuf [dreg:s7], $0x6FFFF;
	_ =	strace $0x90000049  }
0xb3: {  	s29 =	simm.s32 $0x9;
	_ =	strace $0x8000004B  }
0xb4: {  	_ =	swait.ge [sflag:s29], $0x1  }
0xb5: {  	[sflag:s29] =	ssyncadd.s32 $0xFFFFFFFF  }
0xb6: {  	_ =	strace $0x9000004B  }
0xb7: {  	_ =	sfence  }
0xb8: {  	s30 =	sld [smem:$0x0];
	_ =	sdelay $0x2  }
0xb9: {  	s31 =	sshll.u32 s1, $0xD;
	s1 =	sshrl.u32 s1, $0x2  }
0xba: {  	s3 =	sand.u32 $0x4000, s31;
	s1 =	sadd.s32 s1, s30  }
0xbb: {  	s0 =	sor.u32 s3, s0;
	s1 =	sshll.u32 s1, $0x11  }
0xbc: {  	s0 =	sor.u32 s1, s0  }
0xbd: {  	s0 =	sadd.s32 $0x8F2B, s0  }
0xbe: {  	[sflag:s0] =	ssyncadd.remote.s32 $0x1  }
0xbf: {  	_ =	sfence.sel $0xFFFF  }
0xc0: {  	[dreg:$0x0] =	wrdreg $0xFFFFFFFF;
	(pc) =	sbr.abs _section_cstart, $3  }
0xc1: {  	[dreg:$0x1] =	wrdreg $0xFFFFFFFF  }
0xc2: {  	_ =	task.clear_ibuf [dreg:s7], $0x2FFFF;
	_ =	strace $0x9FFFFFFF  }
0xc3: {  	(tm) =	ssettm $0x7FFFFFFF  }
tec
execute0_lowered:
.L_overlay_start_1:
0x0: {  	(tag) =	ssettag $0x1  }
0x1: {  	s1 =	rddreg [dreg:$0x0]  }
0x2: {  	s0 =	rddreg [dreg:$0x1]  }
0x3: {  	s2 =	rddreg [dreg:$0x2]  }
0x4: {  	s4 =	simm.s32 $0x0;
	s3 =	srdreg.scid;
	s24 =	stileid.u32  }
0x5: {  	s28 =	simm.s32 $0x6800;
	s29 =	simm.s32 $0x1;
	s30 =	simm.s32 $0x2  }
0x6: {  	s31 =	simm.s32 $0x1380;
	[smem:$0x7FF] =	sst s4;
	s3 =	sand.u32 $0x1, s3  }
0x7: {  	s5 =	sshll.u32 s24, $0x1;
	s6 =	sadd.s32 $0x17200, s0;
	s7 =	smul.u32 $0x4E000, s24  }
0x8: {  	s9 =	sadd.s32 $0x21200, s0;
	s0 =	sadd.s32 $0x2B200, s0;
	s12 =	smul.u32 $0x13800, s24  }
0x9: {  	p0 =	sne.s32 s24, $0xF;
	s24 =	simm.s32 $0x1400;
	_ =	strace $0x8000004A  }
0xa: {  	s5 =	sor.u32 s3, s5;
	s8 =	ssub.s32 $0x2, s3;
	s3 =	smul.u32 $0x138800, s3  }
0xb: {  	s5 =	smul.u32 $0x2800, s5;
	s10 =	sshrl.u32 s8, $0x1;
	s7 =	sshrl.u32 s7, $0x2  }
0xc: {  	s13 =	ssub.s32 s8, s10;
	s25 =	sadd.s32 s12, s3;
	s3 =	sshrl.u32 s3, $0x3  }
0xd: {  	s11 =	sshrl.u32 s5, $0x3;
	s5 =	sadd.s32 s7, s2;
	s26 =	sshrl.u32 s25, $0x3  }
0xe: {  	s12 =	smax.u32 s13, $0x1;
	s21 =	sadd.s32 s6, s11;
	s22 =	sadd.s32 s9, s11  }
0xf: {  	s23 =	sadd.s32 $0x280, s11;
	s13 =	sadd.s32 $0x2000, s5;
	s14 =	sadd.s32 $0x4000, s5  }
0x10: {  	s15 =	sadd.s32 $0x6000, s5;
	s16 =	sadd.s32 $0x8000, s5;
	s17 =	sadd.s32 $0xA000, s5  }
0x11: {  	s18 =	sadd.s32 $0xC000, s5;
	s19 =	sadd.s32 $0xE000, s5;
	[dreg:$0x4] =	wrdreg s21  }
0x12: {  	s20 =	sadd.s32 $0x10000, s5;
	[dreg:$0x5] =	wrdreg s22;
	s6 =	sadd.s32 s6, s23  }
0x13: {  	s7 =	sadd.s32 s9, s23;
	s21 =	sadd.s32 $0x12000, s5;
	[dreg:$0x6] =	wrdreg s6  }
0x14: {  	s22 =	simm.s32 $0x2800;
	s23 =	simm.s32 $0x3;
	[dreg:$0x7] =	wrdreg s7  }
0x15: {  	s6 =	sadd.s32 s0, s26;
	s0 =	sadd.s32 s0, s3;
	s26 =	simm.s32 $0x80  }
0x16: {  	s3 =	simm.s32 $0x2780;
	s11 =	sadd.s32 $0x27000, s0;
	s0 =	sadd.s32 $0x138000, s2  }
0x17: {  	v0 =	vimm.f32 $0.0e+00;
	[dreg:$0x8] =	wrdreg s6;
	s25 =	sshrl.u32 @!p0 s0, $0x3;
	s0 =	simm.s32 $0x2700  }
.LBB2_1:
0x18: {  	s6 =	simm.s32 $0x0;
	s7 =	simm.s32 $0x200  }
.LBB2_2:
0x19: {  	p1 =	sne.s32 s7, $0x7E00;
	[tilespmem:s6+$0x2870] =	vst v0  }
0x1a: {  	[tilespmem:s6+$0x2800] =	vst v0  }
0x1b: {  	[tilespmem:s6+$0x2810] =	vst v0  }
.Ltmp0:
0x1c: {  	[tilespmem:s6+$0x2820] =	vst v0;
	(pc) =	sbr.rel @p1 .LBB2_2-.Ltmp0, $4  }
0x1d: {  	[tilespmem:s6+$0x2830] =	vst v0  }
0x1e: {  	[tilespmem:s6+$0x2840] =	vst v0  }
0x1f: {  	[tilespmem:s6+$0x2850] =	vst v0  }
0x20: {  	[tilespmem:s6+$0x2860] =	vst v0;
	s6 =	sshra.s32 s7, $0x2;
	s7 =	sadd.s32 $0x200, s7  }
0x21: {  	[tilespmem:s6+$0x2870] =	vst v0  }
0x22: {  	[tilespmem:s6+$0x2800] =	vst v0  }
0x23: {  	[tilespmem:s6+$0x2810] =	vst v0  }
0x24: {  	[tilespmem:s6+$0x2820] =	vst v0  }
0x25: {  	[tilespmem:s6+$0x2830] =	vst v0  }
0x26: {  	[tilespmem:s6+$0x2840] =	vst v0  }
0x27: {  	[tilespmem:s6+$0x2850] =	vst v0  }
0x28: {  	[tilespmem:s6+$0x2860] =	vst v0  }
0x29: {  	[spmem:s5] =	stream.linear.scatter [tilespmem:s22], [sflag:$0x3], $0x2000, $0x38;
	[tilespmem:$0x1F080] =	vst v63  }
0x2a: {  	_ =	swait.ge [sflag:s23], $0x2000  }
0x2b: {  	[sflag:s23] =	ssyncset.done $0x0  }
0x2c: {  	[sflag:s23] =	ssyncadd.s32 $0xFFFFE000  }
0x2d: {  	[spmem:s13] =	stream.linear.scatter [tilespmem:s22], [sflag:$0x3], $0x2000, $0x38;
	[tilespmem:$0x1F080] =	vst v63  }
0x2e: {  	_ =	swait.ge [sflag:s23], $0x2000  }
0x2f: {  	[sflag:s23] =	ssyncset.done $0x0  }
0x30: {  	[sflag:s23] =	ssyncadd.s32 $0xFFFFE000  }
0x31: {  	[spmem:s14] =	stream.linear.scatter [tilespmem:s22], [sflag:$0x3], $0x2000, $0x38;
	[tilespmem:$0x1F080] =	vst v63  }
0x32: {  	_ =	swait.ge [sflag:s23], $0x2000  }
0x33: {  	[sflag:s23] =	ssyncset.done $0x0  }
0x34: {  	[sflag:s23] =	ssyncadd.s32 $0xFFFFE000  }
0x35: {  	[spmem:s15] =	stream.linear.scatter [tilespmem:s22], [sflag:$0x3], $0x2000, $0x38;
	[tilespmem:$0x1F080] =	vst v63  }
0x36: {  	_ =	swait.ge [sflag:s23], $0x2000  }
0x37: {  	[sflag:s23] =	ssyncset.done $0x0  }
0x38: {  	[sflag:s23] =	ssyncadd.s32 $0xFFFFE000  }
0x39: {  	[spmem:s16] =	stream.linear.scatter [tilespmem:s22], [sflag:$0x3], $0x2000, $0x38;
	[tilespmem:$0x1F080] =	vst v63  }
0x3a: {  	_ =	swait.ge [sflag:s23], $0x2000  }
0x3b: {  	[sflag:s23] =	ssyncset.done $0x0  }
0x3c: {  	[sflag:s23] =	ssyncadd.s32 $0xFFFFE000  }
0x3d: {  	[spmem:s17] =	stream.linear.scatter [tilespmem:s22], [sflag:$0x3], $0x2000, $0x38;
	[tilespmem:$0x1F080] =	vst v63  }
0x3e: {  	_ =	swait.ge [sflag:s23], $0x2000  }
0x3f: {  	[sflag:s23] =	ssyncset.done $0x0  }
0x40: {  	[sflag:s23] =	ssyncadd.s32 $0xFFFFE000  }
0x41: {  	[spmem:s18] =	stream.linear.scatter [tilespmem:s22], [sflag:$0x3], $0x2000, $0x38;
	[tilespmem:$0x1F080] =	vst v63  }
0x42: {  	_ =	swait.ge [sflag:s23], $0x2000  }
0x43: {  	[sflag:s23] =	ssyncset.done $0x0  }
0x44: {  	[sflag:s23] =	ssyncadd.s32 $0xFFFFE000  }
0x45: {  	[spmem:s19] =	stream.linear.scatter [tilespmem:s22], [sflag:$0x3], $0x2000, $0x38;
	[tilespmem:$0x1F080] =	vst v63  }
0x46: {  	_ =	swait.ge [sflag:s23], $0x2000  }
0x47: {  	[sflag:s23] =	ssyncset.done $0x0  }
0x48: {  	[sflag:s23] =	ssyncadd.s32 $0xFFFFE000  }
0x49: {  	[spmem:s20] =	stream.linear.scatter [tilespmem:s22], [sflag:$0x3], $0x2000, $0x38;
	[tilespmem:$0x1F080] =	vst v63  }
0x4a: {  	_ =	swait.ge [sflag:s23], $0x2000  }
0x4b: {  	[sflag:s23] =	ssyncset.done $0x0  }
0x4c: {  	[sflag:s23] =	ssyncadd.s32 $0xFFFFE000  }
0x4d: {  	[spmem:s21] =	stream.linear.scatter [tilespmem:s22], [sflag:$0x3], $0x2000, $0x38;
	[tilespmem:$0x1F080] =	vst v63  }
0x4e: {  	_ =	swait.ge [sflag:s23], $0x2000  }
0x4f: {  	[sflag:s23] =	ssyncset.done $0x0  }
0x50: {  	[sflag:s23] =	ssyncadd.s32 $0xFFFFE000  }
0x51: {  	[bflag:$0x0] =	sbarrier.arrive $0xFFFF  }
0x52: {  	s9 =	simm.s32 $0x0;
	s7 =	rddreg [dreg:$0x4]  }
0x53: {  	[tilespmem:s9], [sflag:$0x3] =	stream.linear.gather [hbm4b:s7+s9], $0x1400, $0x38;
	[tilespmem:$0x1F080] =	vst v63  }
0x54: {  	_ =	swait.ge [sflag:s23], $0x1400  }
0x55: {  	[sflag:s23] =	ssyncset.done $0x0  }
0x56: {  	s10 =	rddreg [dreg:$0x5];
	[sflag:s23] =	ssyncadd.s32 $0xFFFFEC00  }
0x57: {  	[tilespmem:s24], [sflag:$0x3] =	stream.linear.gather [hbm4b:s10+s9], $0x1400, $0x38;
	[tilespmem:$0x1F080] =	vst v63  }
0x58: {  	_ =	swait.ge [sflag:s23], $0x1400  }
0x59: {  	[sflag:s23] =	ssyncset.done $0x0  }
0x5a: {  	[sflag:s23] =	ssyncadd.s32 $0xFFFFEC00  }
0x5b: {  	[tilespmem:s22], [sflag:$0x1] =	stream.indirect.gather [hbm4b:s1+s26], $0x80, s9, s26, $0xb8;
	[tilespmem:$0x1F080] =	vst v63  }
0x5c: {  	s7 =	simm.s32 $0x80  }
0x5d: {  	[tilespmem:s28], [sflag:$0x2] =	stream.indirect.gather [hbm4b:s1+s26], $0x80, s7, s26, $0xb8;
	[tilespmem:$0x1F080] =	vst v63  }
0x5e: {  	_ =	swait.ge [sflag:s29], $0x4000  }
0x5f: {  	[sflag:s29] =	ssyncset.done $0x0  }
0x60: {  	s8 =	simm.s32 $0x1400;
	[sflag:s29] =	ssyncadd.s32 $0xFFFFC000  }
0x61: {  	[spmem:s2] =	stream.indirect.scatter.add.f32 [tilespmem:s22], [sflag:$0x3], $0x80, s8, s26, $0xb8;
	[tilespmem:$0x1F080] =	vst v63  }
0x62: {  	_ =	swait.ge [sflag:s23], $0x4000  }
0x63: {  	[sflag:s23] =	ssyncset.done $0x0  }
0x64: {  	s9 =	simm.s32 $0x100;
	[sflag:s23] =	ssyncadd.s32 $0xFFFFC000  }
0x65: {  	[tilespmem:s22], [sflag:$0x1] =	stream.indirect.gather [hbm4b:s1+s26], $0x80, s9, s26, $0xb8;
	[tilespmem:$0x1F080] =	vst v63  }
0x66: {  	_ =	swait.ge [sflag:s30], $0x4000  }
0x67: {  	[sflag:s30] =	ssyncset.done $0x0  }
0x68: {  	s10 =	simm.s32 $0x1480;
	[sflag:s30] =	ssyncadd.s32 $0xFFFFC000  }
0x69: {  	[spmem:s2] =	stream.indirect.scatter.add.f32 [tilespmem:s28], [sflag:$0x3], $0x80, s10, s26, $0xb8;
	[tilespmem:$0x1F080] =	vst v63  }
0x6a: {  	_ =	swait.ge [sflag:s23], $0x4000  }
0x6b: {  	s6 =	simm.s32 $0x100;
	s7 =	simm.s32 $0x800;
	[sflag:s23] =	ssyncset.done $0x0  }
.LBB2_4:
0x6c: {  	s8 =	sadd.s32 $0x80, s6  }
0x6d: {  	[sflag:s23] =	ssyncadd.s32 $0xFFFFC000;
	s9 =	smov.u32 s7;
	s10 =	sadd.s32 $0x400, s7  }
0x6e: {  	[tilespmem:s28], [sflag:$0x2] =	stream.indirect.gather [hbm4b:s1+s26], $0x80, s8, s26, $0xb8;
	[tilespmem:$0x1F080] =	vst v63  }
0x6f: {  	p1 =	sne.s32 s7, $0x4800;
	_ =	swait.ge [sflag:s29], $0x4000  }
0x70: {  	[sflag:s29] =	ssyncset.done $0x0  }
0x71: {  	s7 =	sadd.s32 $0x1400, s6;
	[sflag:s29] =	ssyncadd.s32 $0xFFFFC000  }
0x72: {  	[spmem:s2] =	stream.indirect.scatter.add.f32 [tilespmem:s22], [sflag:$0x3], $0x80, s7, s26, $0xb8;
	[tilespmem:$0x1F080] =	vst v63  }
0x73: {  	_ =	swait.ge [sflag:s23], $0x4000  }
0x74: {  	[sflag:s23] =	ssyncset.done $0x0  }
0x75: {  	s7 =	sadd.s32 $0x100, s6;
	[sflag:s23] =	ssyncadd.s32 $0xFFFFC000  }
0x76: {  	[tilespmem:s22], [sflag:$0x1] =	stream.indirect.gather [hbm4b:s1+s26], $0x80, s7, s26, $0xb8;
	[tilespmem:$0x1F080] =	vst v63  }
0x77: {  	_ =	swait.ge [sflag:s30], $0x4000  }
.Ltmp1:
0x78: {  	[sflag:s30] =	ssyncset.done $0x0;
	(pc) =	sbr.rel @p1 .LBB2_4-.Ltmp1, $4  }
0x79: {  	s6 =	sadd.s32 $0x1480, s6;
	[sflag:s30] =	ssyncadd.s32 $0xFFFFC000  }
0x7a: {  	[spmem:s2] =	stream.indirect.scatter.add.f32 [tilespmem:s28], [sflag:$0x3], $0x80, s6, s26, $0xb8;
	[tilespmem:$0x1F080] =	vst v63  }
0x7b: {  	_ =	swait.ge [sflag:s23], $0x4000  }
0x7c: {  	s7 =	smov.u32 s10;
	s6 =	sshra.s32 s9, $0x2;
	[sflag:s23] =	ssyncset.done $0x0  }
0x7d: {  	s7 =	sadd.s32 $0x80, s6;
	[sflag:s23] =	ssyncadd.s32 $0xFFFFC000  }
0x7e: {  	[tilespmem:s28], [sflag:$0x2] =	stream.indirect.gather [hbm4b:s1+s26], $0x80, s7, s26, $0xb8;
	[tilespmem:$0x1F080] =	vst v63  }
0x7f: {  	_ =	swait.ge [sflag:s29], $0x4000  }
0x80: {  	[sflag:s29] =	ssyncset.done $0x0  }
0x81: {  	s9 =	sadd.s32 $0x1400, s6;
	[sflag:s29] =	ssyncadd.s32 $0xFFFFC000  }
0x82: {  	[spmem:s2] =	stream.indirect.scatter.add.f32 [tilespmem:s22], [sflag:$0x3], $0x80, s9, s26, $0xb8;
	[tilespmem:$0x1F080] =	vst v63  }
0x83: {  	_ =	swait.ge [sflag:s23], $0x4000  }
0x84: {  	[sflag:s23] =	ssyncset.done $0x0  }
0x85: {  	s10 =	sadd.s32 $0x100, s6;
	[sflag:s23] =	ssyncadd.s32 $0xFFFFC000  }
0x86: {  	[tilespmem:s22], [sflag:$0x1] =	stream.indirect.gather [hbm4b:s1+s26], $0x80, s10, s26, $0xb8;
	[tilespmem:$0x1F080] =	vst v63  }
0x87: {  	_ =	swait.ge [sflag:s30], $0x4000  }
0x88: {  	[sflag:s30] =	ssyncset.done $0x0  }
0x89: {  	s7 =	sadd.s32 $0x1480, s6;
	[sflag:s30] =	ssyncadd.s32 $0xFFFFC000  }
0x8a: {  	[spmem:s2] =	stream.indirect.scatter.add.f32 [tilespmem:s28], [sflag:$0x3], $0x80, s7, s26, $0xb8;
	[tilespmem:$0x1F080] =	vst v63  }
0x8b: {  	_ =	swait.ge [sflag:s23], $0x4000  }
0x8c: {  	[sflag:s23] =	ssyncset.done $0x0  }
0x8d: {  	[sflag:s23] =	ssyncadd.s32 $0xFFFFC000  }
0x8e: {  	[tilespmem:s28], [sflag:$0x2] =	stream.indirect.gather [hbm4b:s1+s26], $0x80, s31, s26, $0xb8;
	[tilespmem:$0x1F080] =	vst v63  }
0x8f: {  	_ =	swait.ge [sflag:s29], $0x4000  }
0x90: {  	[sflag:s29] =	ssyncset.done $0x0  }
0x91: {  	[sflag:s29] =	ssyncadd.s32 $0xFFFFC000  }
0x92: {  	[spmem:s2] =	stream.indirect.scatter.add.f32 [tilespmem:s22], [sflag:$0x3], $0x80, s0, s26, $0xb8;
	[tilespmem:$0x1F080] =	vst v63  }
0x93: {  	_ =	swait.ge [sflag:s23], $0x4000  }
0x94: {  	[sflag:s23] =	ssyncset.done $0x0  }
0x95: {  	[sflag:s23] =	ssyncadd.s32 $0xFFFFC000  }
0x96: {  	_ =	swait.ge [sflag:s30], $0x4000  }
0x97: {  	[sflag:s30] =	ssyncset.done $0x0  }
0x98: {  	[sflag:s30] =	ssyncadd.s32 $0xFFFFC000  }
0x99: {  	[spmem:s2] =	stream.indirect.scatter.add.f32 [tilespmem:s28], [sflag:$0x3], $0x80, s3, s26, $0xb8;
	[tilespmem:$0x1F080] =	vst v63  }
0x9a: {  	_ =	swait.ge [sflag:s23], $0x4000  }
0x9b: {  	[sflag:s23] =	ssyncset.done $0x0  }
0x9c: {  	s8 =	simm.s32 $0x0;
	s9 =	rddreg [dreg:$0x6];
	[sflag:s23] =	ssyncadd.s32 $0xFFFFC000  }
0x9d: {  	[tilespmem:s8], [sflag:$0x3] =	stream.linear.gather [hbm4b:s9+s8], $0x1400, $0x38;
	[tilespmem:$0x1F080] =	vst v63  }
0x9e: {  	_ =	swait.ge [sflag:s23], $0x1400  }
0x9f: {  	[sflag:s23] =	ssyncset.done $0x0  }
0xa0: {  	s10 =	rddreg [dreg:$0x7];
	[sflag:s23] =	ssyncadd.s32 $0xFFFFEC00  }
0xa1: {  	[tilespmem:s24], [sflag:$0x3] =	stream.linear.gather [hbm4b:s10+s8], $0x1400, $0x38;
	[tilespmem:$0x1F080] =	vst v63  }
0xa2: {  	_ =	swait.ge [sflag:s23], $0x1400  }
0xa3: {  	[sflag:s23] =	ssyncset.done $0x0  }
0xa4: {  	[sflag:s23] =	ssyncadd.s32 $0xFFFFEC00  }
0xa5: {  	[tilespmem:s22], [sflag:$0x1] =	stream.indirect.gather [hbm4b:s1+s26], $0x80, s8, s26, $0xb8;
	[tilespmem:$0x1F080] =	vst v63  }
0xa6: {  	s7 =	simm.s32 $0x80  }
0xa7: {  	[tilespmem:s28], [sflag:$0x2] =	stream.indirect.gather [hbm4b:s1+s26], $0x80, s7, s26, $0xb8;
	[tilespmem:$0x1F080] =	vst v63  }
0xa8: {  	_ =	swait.ge [sflag:s29], $0x4000  }
0xa9: {  	[sflag:s29] =	ssyncset.done $0x0  }
0xaa: {  	s8 =	simm.s32 $0x1400;
	[sflag:s29] =	ssyncadd.s32 $0xFFFFC000  }
0xab: {  	[spmem:s2] =	stream.indirect.scatter.add.f32 [tilespmem:s22], [sflag:$0x3], $0x80, s8, s26, $0xb8;
	[tilespmem:$0x1F080] =	vst v63  }
0xac: {  	_ =	swait.ge [sflag:s23], $0x4000  }
0xad: {  	[sflag:s23] =	ssyncset.done $0x0  }
0xae: {  	s9 =	simm.s32 $0x100;
	[sflag:s23] =	ssyncadd.s32 $0xFFFFC000  }
0xaf: {  	[tilespmem:s22], [sflag:$0x1] =	stream.indirect.gather [hbm4b:s1+s26], $0x80, s9, s26, $0xb8;
	[tilespmem:$0x1F080] =	vst v63  }
0xb0: {  	_ =	swait.ge [sflag:s30], $0x4000  }
0xb1: {  	[sflag:s30] =	ssyncset.done $0x0  }
0xb2: {  	s10 =	simm.s32 $0x1480;
	[sflag:s30] =	ssyncadd.s32 $0xFFFFC000  }
0xb3: {  	[spmem:s2] =	stream.indirect.scatter.add.f32 [tilespmem:s28], [sflag:$0x3], $0x80, s10, s26, $0xb8;
	[tilespmem:$0x1F080] =	vst v63  }
0xb4: {  	_ =	swait.ge [sflag:s23], $0x4000  }
0xb5: {  	s6 =	simm.s32 $0x100;
	s7 =	simm.s32 $0x800;
	[sflag:s23] =	ssyncset.done $0x0  }
.LBB2_6:
0xb6: {  	s8 =	sadd.s32 $0x80, s6  }
0xb7: {  	[sflag:s23] =	ssyncadd.s32 $0xFFFFC000;
	s9 =	smov.u32 s7;
	s10 =	sadd.s32 $0x400, s7  }
0xb8: {  	[tilespmem:s28], [sflag:$0x2] =	stream.indirect.gather [hbm4b:s1+s26], $0x80, s8, s26, $0xb8;
	[tilespmem:$0x1F080] =	vst v63  }
0xb9: {  	p1 =	sne.s32 s7, $0x4800;
	_ =	swait.ge [sflag:s29], $0x4000  }
0xba: {  	[sflag:s29] =	ssyncset.done $0x0  }
0xbb: {  	s7 =	sadd.s32 $0x1400, s6;
	[sflag:s29] =	ssyncadd.s32 $0xFFFFC000  }
0xbc: {  	[spmem:s2] =	stream.indirect.scatter.add.f32 [tilespmem:s22], [sflag:$0x3], $0x80, s7, s26, $0xb8;
	[tilespmem:$0x1F080] =	vst v63  }
0xbd: {  	_ =	swait.ge [sflag:s23], $0x4000  }
0xbe: {  	[sflag:s23] =	ssyncset.done $0x0  }
0xbf: {  	s7 =	sadd.s32 $0x100, s6;
	[sflag:s23] =	ssyncadd.s32 $0xFFFFC000  }
0xc0: {  	[tilespmem:s22], [sflag:$0x1] =	stream.indirect.gather [hbm4b:s1+s26], $0x80, s7, s26, $0xb8;
	[tilespmem:$0x1F080] =	vst v63  }
0xc1: {  	_ =	swait.ge [sflag:s30], $0x4000  }
.Ltmp2:
0xc2: {  	[sflag:s30] =	ssyncset.done $0x0;
	(pc) =	sbr.rel @p1 .LBB2_6-.Ltmp2, $4  }
0xc3: {  	s6 =	sadd.s32 $0x1480, s6;
	[sflag:s30] =	ssyncadd.s32 $0xFFFFC000  }
0xc4: {  	[spmem:s2] =	stream.indirect.scatter.add.f32 [tilespmem:s28], [sflag:$0x3], $0x80, s6, s26, $0xb8;
	[tilespmem:$0x1F080] =	vst v63  }
0xc5: {  	_ =	swait.ge [sflag:s23], $0x4000  }
0xc6: {  	s7 =	smov.u32 s10;
	s6 =	sshra.s32 s9, $0x2;
	[sflag:s23] =	ssyncset.done $0x0  }
0xc7: {  	s7 =	sadd.s32 $0x80, s6;
	[sflag:s23] =	ssyncadd.s32 $0xFFFFC000  }
0xc8: {  	[tilespmem:s28], [sflag:$0x2] =	stream.indirect.gather [hbm4b:s1+s26], $0x80, s7, s26, $0xb8;
	[tilespmem:$0x1F080] =	vst v63  }
0xc9: {  	_ =	swait.ge [sflag:s29], $0x4000  }
0xca: {  	[sflag:s29] =	ssyncset.done $0x0  }
0xcb: {  	s9 =	sadd.s32 $0x1400, s6;
	[sflag:s29] =	ssyncadd.s32 $0xFFFFC000  }
0xcc: {  	[spmem:s2] =	stream.indirect.scatter.add.f32 [tilespmem:s22], [sflag:$0x3], $0x80, s9, s26, $0xb8;
	[tilespmem:$0x1F080] =	vst v63  }
0xcd: {  	_ =	swait.ge [sflag:s23], $0x4000  }
0xce: {  	[sflag:s23] =	ssyncset.done $0x0  }
0xcf: {  	s10 =	sadd.s32 $0x100, s6;
	[sflag:s23] =	ssyncadd.s32 $0xFFFFC000  }
0xd0: {  	[tilespmem:s22], [sflag:$0x1] =	stream.indirect.gather [hbm4b:s1+s26], $0x80, s10, s26, $0xb8;
	[tilespmem:$0x1F080] =	vst v63  }
0xd1: {  	_ =	swait.ge [sflag:s30], $0x4000  }
0xd2: {  	[sflag:s30] =	ssyncset.done $0x0  }
0xd3: {  	s8 =	sadd.s32 $0x1480, s6;
	[sflag:s30] =	ssyncadd.s32 $0xFFFFC000  }
0xd4: {  	[spmem:s2] =	stream.indirect.scatter.add.f32 [tilespmem:s28], [sflag:$0x3], $0x80, s8, s26, $0xb8;
	[tilespmem:$0x1F080] =	vst v63  }
0xd5: {  	_ =	swait.ge [sflag:s23], $0x4000  }
0xd6: {  	[sflag:s23] =	ssyncset.done $0x0  }
0xd7: {  	[sflag:s23] =	ssyncadd.s32 $0xFFFFC000  }
0xd8: {  	[tilespmem:s28], [sflag:$0x2] =	stream.indirect.gather [hbm4b:s1+s26], $0x80, s31, s26, $0xb8;
	[tilespmem:$0x1F080] =	vst v63  }
0xd9: {  	_ =	swait.ge [sflag:s29], $0x4000  }
0xda: {  	[sflag:s29] =	ssyncset.done $0x0  }
0xdb: {  	[sflag:s29] =	ssyncadd.s32 $0xFFFFC000  }
0xdc: {  	[spmem:s2] =	stream.indirect.scatter.add.f32 [tilespmem:s22], [sflag:$0x3], $0x80, s0, s26, $0xb8;
	[tilespmem:$0x1F080] =	vst v63  }
0xdd: {  	_ =	swait.ge [sflag:s23], $0x4000  }
0xde: {  	[sflag:s23] =	ssyncset.done $0x0  }
0xdf: {  	[sflag:s23] =	ssyncadd.s32 $0xFFFFC000  }
0xe0: {  	_ =	swait.ge [sflag:s30], $0x4000  }
0xe1: {  	[sflag:s30] =	ssyncset.done $0x0  }
0xe2: {  	[sflag:s30] =	ssyncadd.s32 $0xFFFFC000  }
0xe3: {  	[spmem:s2] =	stream.indirect.scatter.add.f32 [tilespmem:s28], [sflag:$0x3], $0x80, s3, s26, $0xb8;
	[tilespmem:$0x1F080] =	vst v63  }
0xe4: {  	_ =	swait.ge [sflag:s23], $0x4000  }
0xe5: {  	[sflag:s23] =	ssyncset.done $0x0  }
0xe6: {  	s9 =	stileid.u32;
	[sflag:s23] =	ssyncadd.s32 $0xFFFFC000  }
0xe7: {  	s6 =	sshll.u32 s9, $0x6;
	[bflag:$0x0] =	sbarrier.arrive $0xFFFF  }
0xe8: {  	s6 =	sor.u32 $0x1C03, s6;
	s10 =	sshrl.u32 s5, $0x3;
	s8 =	rddreg [dreg:$0x8]  }
0xe9: {  	[hbm:s8], [sflag:s6] =	dma.local [spmem:s10], $0x2700  }
0xea: {  	_ =	swait.ge [sflag:s23], $0x2700  }
0xeb: {  	s4 =	sadd.s32 $0x1, s4;
	[sflag:s23] =	ssyncset.done $0x0  }
0xec: {  	p1 =	sne.s32 s4, s12;
	[sflag:s23] =	ssyncadd.s32 $0xFFFFD900  }
0xed: {  	[hbm:s11], [sflag:s6] =	dma.local @!p0 [spmem:s25], $0x100  }
.Ltmp3:
0xee: {  	_ = 	snop;
	(pc) =	sbr.rel @p1 .LBB2_1-.Ltmp3, $4  }
0xef: {  	s6 =	simm.s32 @!p0 $0x3  }
0xf0: {  	_ =	swait.ge @!p0 [sflag:s6], $0x100  }
0xf1: {  	[sflag:s6] =	ssyncset.done @!p0 $0x0  }
0xf2: {  	[sflag:s6] =	ssyncadd.s32 @!p0 $0xFFFFFF00  }
0xf3: {  	_ =	sfence.sel $0x180000  }
0xf4: {  	[bflag:$0x0] =	sbarrier.arrive $0xFFFF  }
0xf5: {  	_ =	strace $0x9000004A  }
0xf6: {  	s0 =	stileid.u32;
	[bflag:$0x2] =	sbarrier.arrive $0xFFFF  }
0xf7: {  	p0 =	sne.s32 s0, $0x0;
	s0 =	rddreg [dreg:$0x3]  }
0xf8: {  	s0 =	sadd.s32 @!p0 $0x100000, s0  }
0xf9: {  	[sflag:s0] =	ssyncadd.tile.s32 @!p0 $0x1;
	_ =	shalt  }
.Lfunc_end2:
_tile_overlayer_lowered:
.L_overlay_start_2:
0xfa: {  	(tag) =	ssettag $0x2  }
0xfb: {  	s0 =	rddreg [dreg:$0x0];
	s2 =	stileid.u32  }
0xfc: {  	s1 =	rddreg [dreg:$0x1];
	p0 =	sne.s32 s2, $0x0  }
0xfd: {  	s3 =	rddreg [dreg:$0x2];
	[bflag:$0x3] =	sbarrier.arrive $0xFFFF;
	s2 =	simm.s32 @!p0 $0x1C03  }
0xfe: {  	[timem:s3], [sflag:s2] =	dma.local @!p0 [hbm:s0], s1  }
0xff: {  	s0 =	simm.s32 @!p0 $0x3  }
0x100: {  	_ =	swait.ge @!p0 [sflag:s0], s1  }
0x101: {  	s1 =	ssub.s32 @!p0 $0x0, s1;
	[sflag:s0] =	ssyncset.done @!p0 $0x0  }
0x102: {  	[sflag:s0] =	ssyncadd.s32 @!p0 s1  }
0x103: {  	[bflag:$0x3] =	sbarrier.arrive $0xFFFF  }
0x104: {  	_ =	shalt  }

// kernel: kernel.14.cloned.1.call-start
scs
__scs_entry_jumppad:
0x0: {  	(pc) =	sbr.rel $0x88, $3  }
0x1: {  	(tag) =	ssettag $0x0;
	lr =	simm.s32 $0x1  }
0x2: {  	[smem:$0x3F91] =	sst lr;
	_ =	strace $0xD0000000  }
0x3: {  	_ = 	snop  }
0x4: {  	_ = 	snop  }
0x5: {  	_ = 	snop  }
0x6: {  	_ = 	snop  }
0x7: {  	_ = 	snop  }
__scs_overlays_trampoline_lowered:
0x8: {  	[smem:$0x3FA0] =	sst s0  }
0x9: {  	[smem:$0x3FA1] =	sst s1  }
0xa: {  	[smem:$0x3FA2] =	sst s2  }
0xb: {  	[smem:$0x3FA3] =	sst s3  }
0xc: {  	[smem:$0x3FA4] =	sst s4  }
0xd: {  	[smem:$0x3FA5] =	sst s5  }
0xe: {  	[smem:$0x3FA6] =	sst s6  }
0xf: {  	[smem:$0x3FA7] =	sst s7  }
0x10: {  	[smem:$0x3FA8] =	sst s8  }
0x11: {  	[smem:$0x3FA9] =	sst s9;
	s0 =	simm.s32 @!p0 $0x0  }
0x12: {  	s1 =	sld [smem:$0x3F8F];
	s0 =	simm.s32 @p0 $0x1  }
0x13: {  	[smem:$0x3FAA] =	sst s0;
	s0 =	simm.s32 @!p1 $0x0  }
0x14: {  	s2 =	sld [smem:$0x3F8E];
	s0 =	simm.s32 @p1 $0x1  }
0x15: {  	[smem:$0x3FAB] =	sst s0;
	s0 =	simm.s32 @!p2 $0x0  }
0x16: {  	s3 =	sld [smem:$0x3FDB];
	s0 =	simm.s32 @p2 $0x1  }
0x17: {  	s4 =	simm.s32 $0x1BF5;
	[smem:$0x3FAD] =	sst s0  }
0x18: {  	s0 =	sld [smem:$0x3F90];
	_ =	swait.ge [sflag:s4], $0x0  }
0x19: {  	s7 =	sld [smem:$0x3F91]  }
0x1a: {  	s8 =	sadd.s32 $0xFFFFE003, lr  }
0x1b: {  	s9 =	sadd.s32 $0xFFFFFEF7, lr;
	s5 =	simm.s32 $0xFFFFFFFF;
	p2 =	slt.u32 s8, $0xFFFFF086  }
0x1c: {  	p1 =	slt.u32 s9, $0xF7A;
	s5 =	simm.s32 @!p2 $0x0  }
0x1d: {  	s5 =	simm.s32 @p1 $0x1;
	p0 =	seq.s32 s7, s2  }
0x1e: {  	s7 =	smul.u32 @!p0 $0xF7A, s2;
	p2 =	seq.s32 @!p0 s5, $0x0  }
0x1f: {  	s9 =	smul.u32 $0xF7A, s1;
	s8 =	simm.s32 @!p0 $0x1BF5;
	p2 =	por !p2, p0  }
0x20: {  	[sflag:s8] =	ssyncset.s32 @!p0 $0xFFFFF086;
	s6 =	sadd.s32 @!p0 s3, s7;
	s7 =	simm.s32 @!p0 $0x108  }
0x21: {  	s3 =	sadd.s32 s3, s9;
	s6 =	sadd.s32 @!p0 $0x88, s6;
	s7 =	simm.s32 @p2 $0x1082  }
0x22: {  	[simem:s7], [sflag:s8] =	dma.local @!p0 [hbm:s6], $0xF7A  }
0x23: {  	s9 =	sor.u32 $0xD0000000, s2;
	s6 =	simm.s32 $0x108;
	_ =	swait.ge @!p0 [sflag:s8], $0x0  }
0x24: {  	s3 =	sadd.s32 $0x88, s3;
	s6 =	simm.s32 @!p1 $0x1082;
	[sflag:s4] =	ssyncset.s32 $0xFFFFF086  }
0x25: {  	[simem:s6], [sflag:s4] =	dma.local [hbm:s3], $0xF7A  }
0x26: {  	[smem:$0x3F91] =	sst s1;
	(tag) =	ssettag s2;
	_ =	strace s9  }
0x27: {  	s1 =	sld [smem:$0x3FA1]  }
0x28: {  	s2 =	sld [smem:$0x3FA2]  }
0x29: {  	s4 =	sld [smem:$0x3FA4]  }
0x2a: {  	p0 =	seq.s32 s5, $0x0;
	s5 =	sld [smem:$0x3FA5]  }
0x2b: {  	s6 =	sld [smem:$0x3FA6]  }
0x2c: {  	s7 =	sld [smem:$0x3FA7]  }
0x2d: {  	s3 =	simm.s32 $0x108;
	s8 =	sld [smem:$0x3FA8]  }
0x2e: {  	s3 =	simm.s32 @!p0 $0x1082;
	s9 =	sld [smem:$0x3FA9]  }
0x2f: {  	lr =	sadd.s32 s0, s3;
	s0 =	sld [smem:$0x3FA0]  }
0x30: {  	s3 =	sld [smem:$0x3FA3]  }
0x31: {  	[smem:$0x3FAC] =	sst s10  }
0x32: {  	s10 =	sld [smem:$0x3FAA];
	_ =	sdelay $0x3  }
0x33: {  	p0 =	seq.s32 s10, $0x1;
	s10 =	sld [smem:$0x3FAC];
	_ =	sdelay $0x3  }
0x34: {  	[smem:$0x3FAC] =	sst s10  }
0x35: {  	s10 =	sld [smem:$0x3FAB];
	_ =	sdelay $0x3  }
0x36: {  	p1 =	seq.s32 s10, $0x1;
	s10 =	sld [smem:$0x3FAC];
	_ =	sdelay $0x3  }
0x37: {  	[smem:$0x3FAC] =	sst s10  }
0x38: {  	s10 =	sld [smem:$0x3FAD]  }
0x39: {  	_ = 	snop;
	(pc) =	sbr.ind lr, $3  }
0x3a: {  	_ = 	snop  }
0x3b: {  	_ = 	snop  }
0x3c: {  	p2 =	seq.s32 s10, $0x1;
	s10 =	sld [smem:$0x3FAC]  }
0x3d: {  	_ =	shalt  }
0x3e: {  	_ =	shalt  }
0x3f: {  	_ =	shalt  }
0x40: {  	_ =	shalt  }
0x41: {  	_ =	shalt  }
0x42: {  	_ =	shalt  }
0x43: {  	_ =	shalt  }
0x44: {  	_ =	shalt  }
0x45: {  	_ =	shalt  }
0x46: {  	_ =	shalt  }
0x47: {  	_ =	shalt  }
0x48: {  	_ =	shalt  }
0x49: {  	_ =	shalt  }
0x4a: {  	_ =	shalt  }
0x4b: {  	_ =	shalt  }
0x4c: {  	_ =	shalt  }
0x4d: {  	_ =	shalt  }
0x4e: {  	_ =	shalt  }
0x4f: {  	_ =	shalt  }
0x50: {  	_ =	shalt  }
0x51: {  	_ =	shalt  }
0x52: {  	_ =	shalt  }
0x53: {  	_ =	shalt  }
0x54: {  	_ =	shalt  }
0x55: {  	_ =	shalt  }
0x56: {  	_ =	shalt  }
0x57: {  	_ =	shalt  }
0x58: {  	_ =	shalt  }
0x59: {  	_ =	shalt  }
0x5a: {  	_ =	shalt  }
0x5b: {  	_ =	shalt  }
0x5c: {  	_ =	shalt  }
0x5d: {  	_ =	shalt  }
0x5e: {  	_ =	shalt  }
0x5f: {  	_ =	shalt  }
0x60: {  	_ =	shalt  }
0x61: {  	_ =	shalt  }
0x62: {  	_ =	shalt  }
0x63: {  	_ =	shalt  }
0x64: {  	_ =	shalt  }
0x65: {  	_ =	shalt  }
0x66: {  	_ =	shalt  }
0x67: {  	_ =	shalt  }
0x68: {  	_ =	shalt  }
0x69: {  	_ =	shalt  }
0x6a: {  	_ =	shalt  }
0x6b: {  	_ =	shalt  }
0x6c: {  	_ =	shalt  }
0x6d: {  	_ =	shalt  }
0x6e: {  	_ =	shalt  }
0x6f: {  	_ =	shalt  }
0x70: {  	_ =	shalt  }
0x71: {  	_ =	shalt  }
0x72: {  	_ =	shalt  }
0x73: {  	_ =	shalt  }
0x74: {  	_ =	shalt  }
0x75: {  	_ =	shalt  }
0x76: {  	_ =	shalt  }
0x77: {  	_ =	shalt  }
0x78: {  	_ =	shalt  }
0x79: {  	_ =	shalt  }
0x7a: {  	_ =	shalt  }
0x7b: {  	_ =	shalt  }
0x7c: {  	_ =	shalt  }
0x7d: {  	_ =	shalt  }
0x7e: {  	_ =	shalt  }
0x7f: {  	_ =	shalt  }
0x80: {  	_ =	shalt  }
0x81: {  	_ =	shalt  }
0x82: {  	_ =	shalt  }
0x83: {  	_ =	shalt  }
0x84: {  	_ =	shalt  }
0x85: {  	_ =	shalt  }
0x86: {  	_ =	shalt  }
0x87: {  	_ =	shalt  }
.Lfunc_end0:
.L_simem_size_0:
called_computation.2_lowered:
.L_overlay_start_0:
0x88: {  	s2 =	sld [smem:$0x3FD9]  }
0x89: {  	s3 =	sld [smem:$0x3FFE];
	_ =	sdelay $0x1  }
0x8a: {  	s1 =	srdreg.scid  }
0x8b: {  	s0 =	sand.u32 $0x1, s1  }
0x8c: {  	s17 =	sshll.u32 s0, $0xA;
	s2 =	sadd.s32 s3, s2  }
0x8d: {  	s2 =	sadd.s32 s2, s17  }
0x8e: {  	[smem:$0x3FB8] =	sst s2  }
0x8f: {  	_ = 	snop  }
0x90: {  	s2 =	sld [smem:$0x3FD0];
	(tm) =	ssettm $0x1  }
0x91: {  	s18 =	sld [smem:$0x3FFB];
	_ =	sdelay $0x3  }
0x92: {  	_ =	strace s18  }
0x93: {  	s3 =	sld [smem:$0x3FFC];
	_ =	sdelay $0x3  }
0x94: {  	_ =	strace s3  }
0x95: {  	s3 =	sld [smem:$0x3FFD];
	_ =	sdelay $0x3  }
0x96: {  	_ =	strace s3  }
0x97: {  	_ =	strace $0x8FFFFFFF  }
0x98: {  	s19 =	sld [smem:$0x3FDB];
	_ =	sdelay $0x1  }
0x99: {  	s4 =	simm.s32 $_scs_section_size  }
0x9a: {  	s5 =	simm.s32 $_size__tile_overlayer_lowered;
	s6 =	simm.s32 $_tile_overlayer_lowered  }
0x9b: {  	s22 =	simm.s32 $0x1BFF;
	s21 =	sshll.u32 s6, $0x1;
	s3 =	sadd.s32 s4, s19  }
0x9c: {  	s7 =	simm.s32 $0x0;
	s20 =	sshll.u32 s5, $0x1;
	s5 =	sadd.s32 s21, s3  }
0x9d: {  	[timem:s7], [sflag:s22] =	dma.local [hbm:s5], s20  }
0x9e: {  	_ =	swait.ge [sflag:s22], s20  }
0x9f: {  	s4 =	ssub.s32 $0x0, s20;
	[sflag:s22] =	ssyncset.done $0x0  }
0xa0: {  	[sflag:s22] =	ssyncadd.s32 s4;
	_ =	sdelay $0x1  }
0xa1: {  	s23 =	simm.s32 $0x1B8B  }
0xa2: {  	_ =	swait.ge [sflag:s23], $0x1  }
0xa3: {  	[sflag:s23] =	ssyncset.done $0x0  }
0xa4: {  	s25 =	simm.s32 $0x1B8E;
	s24 =	sld [smem:$0x3FFE];
	[sflag:s23] =	ssyncadd.s32 $0xFFFFFFFF  }
0xa5: {  	s26 =	simm.s32 $execute0_lowered;
	[smem:$0x3FD2] =	sst s25  }
0xa6: {  	s5 =	sshll.u32 s26, $0x1;
	_ =	strace $0x8000004C;
	[dreg:$0x1] =	wrdreg $0xFFFFFFFF  }
0xa7: {  	s28 =	simm.s32 $_size_execute0_lowered;
	s3 =	sadd.s32 s3, s5;
	[dreg:$0x0] =	wrdreg $0x0  }
0xa8: {  	s5 =	sshll.u32 s28, $0x1;
	[dreg:$0x2] =	wrdreg s3  }
0xa9: {  	[dreg:$0x3] =	wrdreg s5  }
0xaa: {  	[dreg:$0x4] =	wrdreg $0xC0  }
0xab: {  	_ =	task [dreg:s7], $0x5FFFF  }
0xac: {  	[dreg:$0x1] =	wrdreg $0xFFFFFFFF  }
0xad: {  	[dreg:$0x0] =	wrdreg $0x60  }
0xae: {  	[dreg:$0x2] =	wrdreg s2  }
0xaf: {  	[dreg:$0x3] =	wrdreg s24  }
0xb0: {  	[dreg:$0x4] =	wrdreg $0xA8000  }
0xb1: {  	[dreg:$0x5] =	wrdreg $0x9  }
0xb2: {  	_ =	task.clear_ibuf [dreg:s7], $0x6FFFF;
	_ =	strace $0x9000004C  }
0xb3: {  	s29 =	simm.s32 $0x9;
	_ =	strace $0x8000004E  }
0xb4: {  	_ =	swait.ge [sflag:s29], $0x1  }
0xb5: {  	[sflag:s29] =	ssyncadd.s32 $0xFFFFFFFF  }
0xb6: {  	_ =	strace $0x9000004E  }
0xb7: {  	_ =	sfence  }
0xb8: {  	s30 =	sld [smem:$0x0];
	_ =	sdelay $0x2  }
0xb9: {  	s31 =	sshll.u32 s1, $0xD;
	s1 =	sshrl.u32 s1, $0x2  }
0xba: {  	s3 =	sand.u32 $0x4000, s31;
	s1 =	sadd.s32 s1, s30  }
0xbb: {  	s0 =	sor.u32 s3, s0;
	s1 =	sshll.u32 s1, $0x11  }
0xbc: {  	s0 =	sor.u32 s1, s0  }
0xbd: {  	s0 =	sadd.s32 $0x8F2B, s0  }
0xbe: {  	[sflag:s0] =	ssyncadd.remote.s32 $0x1  }
0xbf: {  	_ =	sfence.sel $0xFFFF  }
0xc0: {  	[dreg:$0x0] =	wrdreg $0xFFFFFFFF;
	(pc) =	sbr.abs _section_cstart, $3  }
0xc1: {  	[dreg:$0x1] =	wrdreg $0xFFFFFFFF  }
0xc2: {  	_ =	task.clear_ibuf [dreg:s7], $0x2FFFF;
	_ =	strace $0x9FFFFFFF  }
0xc3: {  	(tm) =	ssettm $0x7FFFFFFF  }
tec
execute0_lowered:
.L_overlay_start_1:
0x0: {  	(tag) =	ssettag $0x1  }
0x1: {  	s1 =	rddreg [dreg:$0x0]  }
0x2: {  	s0 =	rddreg [dreg:$0x1]  }
0x3: {  	s2 =	rddreg [dreg:$0x2]  }
0x4: {  	s4 =	simm.s32 $0x0;
	s3 =	srdreg.scid;
	s24 =	stileid.u32  }
0x5: {  	s28 =	simm.s32 $0x6800;
	s29 =	simm.s32 $0x1;
	s30 =	simm.s32 $0x2  }
0x6: {  	s31 =	simm.s32 $0x1380;
	[smem:$0x7FF] =	sst s4;
	s3 =	sand.u32 $0x1, s3  }
0x7: {  	s5 =	sshll.u32 s24, $0x1;
	s6 =	sadd.s32 $0x17200, s0;
	s7 =	smul.u32 $0x4E000, s24  }
0x8: {  	s9 =	sadd.s32 $0x21200, s0;
	s0 =	sadd.s32 $0x2B200, s0;
	s12 =	smul.u32 $0x13800, s24  }
0x9: {  	p0 =	sne.s32 s24, $0xF;
	s24 =	simm.s32 $0x1400;
	_ =	strace $0x8000004D  }
0xa: {  	s5 =	sor.u32 s3, s5;
	s8 =	ssub.s32 $0x2, s3;
	s3 =	smul.u32 $0x138800, s3  }
0xb: {  	s5 =	smul.u32 $0x2800, s5;
	s10 =	sshrl.u32 s8, $0x1;
	s7 =	sshrl.u32 s7, $0x2  }
0xc: {  	s13 =	ssub.s32 s8, s10;
	s25 =	sadd.s32 s12, s3;
	s3 =	sshrl.u32 s3, $0x3  }
0xd: {  	s11 =	sshrl.u32 s5, $0x3;
	s5 =	sadd.s32 s7, s2;
	s26 =	sshrl.u32 s25, $0x3  }
0xe: {  	s12 =	smax.u32 s13, $0x1;
	s21 =	sadd.s32 s6, s11;
	s22 =	sadd.s32 s9, s11  }
0xf: {  	s23 =	sadd.s32 $0x280, s11;
	s13 =	sadd.s32 $0x2000, s5;
	s14 =	sadd.s32 $0x4000, s5  }
0x10: {  	s15 =	sadd.s32 $0x6000, s5;
	s16 =	sadd.s32 $0x8000, s5;
	s17 =	sadd.s32 $0xA000, s5  }
0x11: {  	s18 =	sadd.s32 $0xC000, s5;
	s19 =	sadd.s32 $0xE000, s5;
	[dreg:$0x4] =	wrdreg s21  }
0x12: {  	s20 =	sadd.s32 $0x10000, s5;
	[dreg:$0x5] =	wrdreg s22;
	s6 =	sadd.s32 s6, s23  }
0x13: {  	s7 =	sadd.s32 s9, s23;
	s21 =	sadd.s32 $0x12000, s5;
	[dreg:$0x6] =	wrdreg s6  }
0x14: {  	s22 =	simm.s32 $0x2800;
	s23 =	simm.s32 $0x3;
	[dreg:$0x7] =	wrdreg s7  }
0x15: {  	s6 =	sadd.s32 s0, s26;
	s0 =	sadd.s32 s0, s3;
	s26 =	simm.s32 $0x80  }
0x16: {  	s3 =	simm.s32 $0x2780;
	s11 =	sadd.s32 $0x27000, s0;
	s0 =	sadd.s32 $0x138000, s2  }
0x17: {  	v0 =	vimm.f32 $0.0e+00;
	[dreg:$0x8] =	wrdreg s6;
	s25 =	sshrl.u32 @!p0 s0, $0x3;
	s0 =	simm.s32 $0x2700  }
.LBB2_1:
0x18: {  	s6 =	simm.s32 $0x0;
	s7 =	simm.s32 $0x200  }
.LBB2_2:
0x19: {  	p1 =	sne.s32 s7, $0x7E00;
	[tilespmem:s6+$0x2870] =	vst v0  }
0x1a: {  	[tilespmem:s6+$0x2800] =	vst v0  }
0x1b: {  	[tilespmem:s6+$0x2810] =	vst v0  }
.Ltmp0:
0x1c: {  	[tilespmem:s6+$0x2820] =	vst v0;
	(pc) =	sbr.rel @p1 .LBB2_2-.Ltmp0, $4  }
0x1d: {  	[tilespmem:s6+$0x2830] =	vst v0  }
0x1e: {  	[tilespmem:s6+$0x2840] =	vst v0  }
0x1f: {  	[tilespmem:s6+$0x2850] =	vst v0  }
0x20: {  	[tilespmem:s6+$0x2860] =	vst v0;
	s6 =	sshra.s32 s7, $0x2;
	s7 =	sadd.s32 $0x200, s7  }
0x21: {  	[tilespmem:s6+$0x2870] =	vst v0  }
0x22: {  	[tilespmem:s6+$0x2800] =	vst v0  }
0x23: {  	[tilespmem:s6+$0x2810] =	vst v0  }
0x24: {  	[tilespmem:s6+$0x2820] =	vst v0  }
0x25: {  	[tilespmem:s6+$0x2830] =	vst v0  }
0x26: {  	[tilespmem:s6+$0x2840] =	vst v0  }
0x27: {  	[tilespmem:s6+$0x2850] =	vst v0  }
0x28: {  	[tilespmem:s6+$0x2860] =	vst v0  }
0x29: {  	[spmem:s5] =	stream.linear.scatter [tilespmem:s22], [sflag:$0x3], $0x2000, $0x38;
	[tilespmem:$0x1F080] =	vst v63  }
0x2a: {  	_ =	swait.ge [sflag:s23], $0x2000  }
0x2b: {  	[sflag:s23] =	ssyncset.done $0x0  }
0x2c: {  	[sflag:s23] =	ssyncadd.s32 $0xFFFFE000  }
0x2d: {  	[spmem:s13] =	stream.linear.scatter [tilespmem:s22], [sflag:$0x3], $0x2000, $0x38;
	[tilespmem:$0x1F080] =	vst v63  }
0x2e: {  	_ =	swait.ge [sflag:s23], $0x2000  }
0x2f: {  	[sflag:s23] =	ssyncset.done $0x0  }
0x30: {  	[sflag:s23] =	ssyncadd.s32 $0xFFFFE000  }
0x31: {  	[spmem:s14] =	stream.linear.scatter [tilespmem:s22], [sflag:$0x3], $0x2000, $0x38;
	[tilespmem:$0x1F080] =	vst v63  }
0x32: {  	_ =	swait.ge [sflag:s23], $0x2000  }
0x33: {  	[sflag:s23] =	ssyncset.done $0x0  }
0x34: {  	[sflag:s23] =	ssyncadd.s32 $0xFFFFE000  }
0x35: {  	[spmem:s15] =	stream.linear.scatter [tilespmem:s22], [sflag:$0x3], $0x2000, $0x38;
	[tilespmem:$0x1F080] =	vst v63  }
0x36: {  	_ =	swait.ge [sflag:s23], $0x2000  }
0x37: {  	[sflag:s23] =	ssyncset.done $0x0  }
0x38: {  	[sflag:s23] =	ssyncadd.s32 $0xFFFFE000  }
0x39: {  	[spmem:s16] =	stream.linear.scatter [tilespmem:s22], [sflag:$0x3], $0x2000, $0x38;
	[tilespmem:$0x1F080] =	vst v63  }
0x3a: {  	_ =	swait.ge [sflag:s23], $0x2000  }
0x3b: {  	[sflag:s23] =	ssyncset.done $0x0  }
0x3c: {  	[sflag:s23] =	ssyncadd.s32 $0xFFFFE000  }
0x3d: {  	[spmem:s17] =	stream.linear.scatter [tilespmem:s22], [sflag:$0x3], $0x2000, $0x38;
	[tilespmem:$0x1F080] =	vst v63  }
0x3e: {  	_ =	swait.ge [sflag:s23], $0x2000  }
0x3f: {  	[sflag:s23] =	ssyncset.done $0x0  }
0x40: {  	[sflag:s23] =	ssyncadd.s32 $0xFFFFE000  }
0x41: {  	[spmem:s18] =	stream.linear.scatter [tilespmem:s22], [sflag:$0x3], $0x2000, $0x38;
	[tilespmem:$0x1F080] =	vst v63  }
0x42: {  	_ =	swait.ge [sflag:s23], $0x2000  }
0x43: {  	[sflag:s23] =	ssyncset.done $0x0  }
0x44: {  	[sflag:s23] =	ssyncadd.s32 $0xFFFFE000  }
0x45: {  	[spmem:s19] =	stream.linear.scatter [tilespmem:s22], [sflag:$0x3], $0x2000, $0x38;
	[tilespmem:$0x1F080] =	vst v63  }
0x46: {  	_ =	swait.ge [sflag:s23], $0x2000  }
0x47: {  	[sflag:s23] =	ssyncset.done $0x0  }
0x48: {  	[sflag:s23] =	ssyncadd.s32 $0xFFFFE000  }
0x49: {  	[spmem:s20] =	stream.linear.scatter [tilespmem:s22], [sflag:$0x3], $0x2000, $0x38;
	[tilespmem:$0x1F080] =	vst v63  }
0x4a: {  	_ =	swait.ge [sflag:s23], $0x2000  }
0x4b: {  	[sflag:s23] =	ssyncset.done $0x0  }
0x4c: {  	[sflag:s23] =	ssyncadd.s32 $0xFFFFE000  }
0x4d: {  	[spmem:s21] =	stream.linear.scatter [tilespmem:s22], [sflag:$0x3], $0x2000, $0x38;
	[tilespmem:$0x1F080] =	vst v63  }
0x4e: {  	_ =	swait.ge [sflag:s23], $0x2000  }
0x4f: {  	[sflag:s23] =	ssyncset.done $0x0  }
0x50: {  	[sflag:s23] =	ssyncadd.s32 $0xFFFFE000  }
0x51: {  	[bflag:$0x0] =	sbarrier.arrive $0xFFFF  }
0x52: {  	s9 =	simm.s32 $0x0;
	s7 =	rddreg [dreg:$0x4]  }
0x53: {  	[tilespmem:s9], [sflag:$0x3] =	stream.linear.gather [hbm4b:s7+s9], $0x1400, $0x38;
	[tilespmem:$0x1F080] =	vst v63  }
0x54: {  	_ =	swait.ge [sflag:s23], $0x1400  }
0x55: {  	[sflag:s23] =	ssyncset.done $0x0  }
0x56: {  	s10 =	rddreg [dreg:$0x5];
	[sflag:s23] =	ssyncadd.s32 $0xFFFFEC00  }
0x57: {  	[tilespmem:s24], [sflag:$0x3] =	stream.linear.gather [hbm4b:s10+s9], $0x1400, $0x38;
	[tilespmem:$0x1F080] =	vst v63  }
0x58: {  	_ =	swait.ge [sflag:s23], $0x1400  }
0x59: {  	[sflag:s23] =	ssyncset.done $0x0  }
0x5a: {  	[sflag:s23] =	ssyncadd.s32 $0xFFFFEC00  }
0x5b: {  	[tilespmem:s22], [sflag:$0x1] =	stream.indirect.gather [hbm4b:s1+s26], $0x80, s9, s26, $0xb8;
	[tilespmem:$0x1F080] =	vst v63  }
0x5c: {  	s7 =	simm.s32 $0x80  }
0x5d: {  	[tilespmem:s28], [sflag:$0x2] =	stream.indirect.gather [hbm4b:s1+s26], $0x80, s7, s26, $0xb8;
	[tilespmem:$0x1F080] =	vst v63  }
0x5e: {  	_ =	swait.ge [sflag:s29], $0x4000  }
0x5f: {  	[sflag:s29] =	ssyncset.done $0x0  }
0x60: {  	s8 =	simm.s32 $0x1400;
	[sflag:s29] =	ssyncadd.s32 $0xFFFFC000  }
0x61: {  	[spmem:s2] =	stream.indirect.scatter.add.f32 [tilespmem:s22], [sflag:$0x3], $0x80, s8, s26, $0xb8;
	[tilespmem:$0x1F080] =	vst v63  }
0x62: {  	_ =	swait.ge [sflag:s23], $0x4000  }
0x63: {  	[sflag:s23] =	ssyncset.done $0x0  }
0x64: {  	s9 =	simm.s32 $0x100;
	[sflag:s23] =	ssyncadd.s32 $0xFFFFC000  }
0x65: {  	[tilespmem:s22], [sflag:$0x1] =	stream.indirect.gather [hbm4b:s1+s26], $0x80, s9, s26, $0xb8;
	[tilespmem:$0x1F080] =	vst v63  }
0x66: {  	_ =	swait.ge [sflag:s30], $0x4000  }
0x67: {  	[sflag:s30] =	ssyncset.done $0x0  }
0x68: {  	s10 =	simm.s32 $0x1480;
	[sflag:s30] =	ssyncadd.s32 $0xFFFFC000  }
0x69: {  	[spmem:s2] =	stream.indirect.scatter.add.f32 [tilespmem:s28], [sflag:$0x3], $0x80, s10, s26, $0xb8;
	[tilespmem:$0x1F080] =	vst v63  }
0x6a: {  	_ =	swait.ge [sflag:s23], $0x4000  }
0x6b: {  	s6 =	simm.s32 $0x100;
	s7 =	simm.s32 $0x800;
	[sflag:s23] =	ssyncset.done $0x0  }
.LBB2_4:
0x6c: {  	s8 =	sadd.s32 $0x80, s6  }
0x6d: {  	[sflag:s23] =	ssyncadd.s32 $0xFFFFC000;
	s9 =	smov.u32 s7;
	s10 =	sadd.s32 $0x400, s7  }
0x6e: {  	[tilespmem:s28], [sflag:$0x2] =	stream.indirect.gather [hbm4b:s1+s26], $0x80, s8, s26, $0xb8;
	[tilespmem:$0x1F080] =	vst v63  }
0x6f: {  	p1 =	sne.s32 s7, $0x4800;
	_ =	swait.ge [sflag:s29], $0x4000  }
0x70: {  	[sflag:s29] =	ssyncset.done $0x0  }
0x71: {  	s7 =	sadd.s32 $0x1400, s6;
	[sflag:s29] =	ssyncadd.s32 $0xFFFFC000  }
0x72: {  	[spmem:s2] =	stream.indirect.scatter.add.f32 [tilespmem:s22], [sflag:$0x3], $0x80, s7, s26, $0xb8;
	[tilespmem:$0x1F080] =	vst v63  }
0x73: {  	_ =	swait.ge [sflag:s23], $0x4000  }
0x74: {  	[sflag:s23] =	ssyncset.done $0x0  }
0x75: {  	s7 =	sadd.s32 $0x100, s6;
	[sflag:s23] =	ssyncadd.s32 $0xFFFFC000  }
0x76: {  	[tilespmem:s22], [sflag:$0x1] =	stream.indirect.gather [hbm4b:s1+s26], $0x80, s7, s26, $0xb8;
	[tilespmem:$0x1F080] =	vst v63  }
0x77: {  	_ =	swait.ge [sflag:s30], $0x4000  }
.Ltmp1:
0x78: {  	[sflag:s30] =	ssyncset.done $0x0;
	(pc) =	sbr.rel @p1 .LBB2_4-.Ltmp1, $4  }
0x79: {  	s6 =	sadd.s32 $0x1480, s6;
	[sflag:s30] =	ssyncadd.s32 $0xFFFFC000  }
0x7a: {  	[spmem:s2] =	stream.indirect.scatter.add.f32 [tilespmem:s28], [sflag:$0x3], $0x80, s6, s26, $0xb8;
	[tilespmem:$0x1F080] =	vst v63  }
0x7b: {  	_ =	swait.ge [sflag:s23], $0x4000  }
0x7c: {  	s7 =	smov.u32 s10;
	s6 =	sshra.s32 s9, $0x2;
	[sflag:s23] =	ssyncset.done $0x0  }
0x7d: {  	s7 =	sadd.s32 $0x80, s6;
	[sflag:s23] =	ssyncadd.s32 $0xFFFFC000  }
0x7e: {  	[tilespmem:s28], [sflag:$0x2] =	stream.indirect.gather [hbm4b:s1+s26], $0x80, s7, s26, $0xb8;
	[tilespmem:$0x1F080] =	vst v63  }
0x7f: {  	_ =	swait.ge [sflag:s29], $0x4000  }
0x80: {  	[sflag:s29] =	ssyncset.done $0x0  }
0x81: {  	s9 =	sadd.s32 $0x1400, s6;
	[sflag:s29] =	ssyncadd.s32 $0xFFFFC000  }
0x82: {  	[spmem:s2] =	stream.indirect.scatter.add.f32 [tilespmem:s22], [sflag:$0x3], $0x80, s9, s26, $0xb8;
	[tilespmem:$0x1F080] =	vst v63  }
0x83: {  	_ =	swait.ge [sflag:s23], $0x4000  }
0x84: {  	[sflag:s23] =	ssyncset.done $0x0  }
0x85: {  	s10 =	sadd.s32 $0x100, s6;
	[sflag:s23] =	ssyncadd.s32 $0xFFFFC000  }
0x86: {  	[tilespmem:s22], [sflag:$0x1] =	stream.indirect.gather [hbm4b:s1+s26], $0x80, s10, s26, $0xb8;
	[tilespmem:$0x1F080] =	vst v63  }
0x87: {  	_ =	swait.ge [sflag:s30], $0x4000  }
0x88: {  	[sflag:s30] =	ssyncset.done $0x0  }
0x89: {  	s7 =	sadd.s32 $0x1480, s6;
	[sflag:s30] =	ssyncadd.s32 $0xFFFFC000  }
0x8a: {  	[spmem:s2] =	stream.indirect.scatter.add.f32 [tilespmem:s28], [sflag:$0x3], $0x80, s7, s26, $0xb8;
	[tilespmem:$0x1F080] =	vst v63  }
0x8b: {  	_ =	swait.ge [sflag:s23], $0x4000  }
0x8c: {  	[sflag:s23] =	ssyncset.done $0x0  }
0x8d: {  	[sflag:s23] =	ssyncadd.s32 $0xFFFFC000  }
0x8e: {  	[tilespmem:s28], [sflag:$0x2] =	stream.indirect.gather [hbm4b:s1+s26], $0x80, s31, s26, $0xb8;
	[tilespmem:$0x1F080] =	vst v63  }
0x8f: {  	_ =	swait.ge [sflag:s29], $0x4000  }
0x90: {  	[sflag:s29] =	ssyncset.done $0x0  }
0x91: {  	[sflag:s29] =	ssyncadd.s32 $0xFFFFC000  }
0x92: {  	[spmem:s2] =	stream.indirect.scatter.add.f32 [tilespmem:s22], [sflag:$0x3], $0x80, s0, s26, $0xb8;
	[tilespmem:$0x1F080] =	vst v63  }
0x93: {  	_ =	swait.ge [sflag:s23], $0x4000  }
0x94: {  	[sflag:s23] =	ssyncset.done $0x0  }
0x95: {  	[sflag:s23] =	ssyncadd.s32 $0xFFFFC000  }
0x96: {  	_ =	swait.ge [sflag:s30], $0x4000  }
0x97: {  	[sflag:s30] =	ssyncset.done $0x0  }
0x98: {  	[sflag:s30] =	ssyncadd.s32 $0xFFFFC000  }
0x99: {  	[spmem:s2] =	stream.indirect.scatter.add.f32 [tilespmem:s28], [sflag:$0x3], $0x80, s3, s26, $0xb8;
	[tilespmem:$0x1F080] =	vst v63  }
0x9a: {  	_ =	swait.ge [sflag:s23], $0x4000  }
0x9b: {  	[sflag:s23] =	ssyncset.done $0x0  }
0x9c: {  	s8 =	simm.s32 $0x0;
	s9 =	rddreg [dreg:$0x6];
	[sflag:s23] =	ssyncadd.s32 $0xFFFFC000  }
0x9d: {  	[tilespmem:s8], [sflag:$0x3] =	stream.linear.gather [hbm4b:s9+s8], $0x1400, $0x38;
	[tilespmem:$0x1F080] =	vst v63  }
0x9e: {  	_ =	swait.ge [sflag:s23], $0x1400  }
0x9f: {  	[sflag:s23] =	ssyncset.done $0x0  }
0xa0: {  	s10 =	rddreg [dreg:$0x7];
	[sflag:s23] =	ssyncadd.s32 $0xFFFFEC00  }
0xa1: {  	[tilespmem:s24], [sflag:$0x3] =	stream.linear.gather [hbm4b:s10+s8], $0x1400, $0x38;
	[tilespmem:$0x1F080] =	vst v63  }
0xa2: {  	_ =	swait.ge [sflag:s23], $0x1400  }
0xa3: {  	[sflag:s23] =	ssyncset.done $0x0  }
0xa4: {  	[sflag:s23] =	ssyncadd.s32 $0xFFFFEC00  }
0xa5: {  	[tilespmem:s22], [sflag:$0x1] =	stream.indirect.gather [hbm4b:s1+s26], $0x80, s8, s26, $0xb8;
	[tilespmem:$0x1F080] =	vst v63  }
0xa6: {  	s7 =	simm.s32 $0x80  }
0xa7: {  	[tilespmem:s28], [sflag:$0x2] =	stream.indirect.gather [hbm4b:s1+s26], $0x80, s7, s26, $0xb8;
	[tilespmem:$0x1F080] =	vst v63  }
0xa8: {  	_ =	swait.ge [sflag:s29], $0x4000  }
0xa9: {  	[sflag:s29] =	ssyncset.done $0x0  }
0xaa: {  	s8 =	simm.s32 $0x1400;
	[sflag:s29] =	ssyncadd.s32 $0xFFFFC000  }
0xab: {  	[spmem:s2] =	stream.indirect.scatter.add.f32 [tilespmem:s22], [sflag:$0x3], $0x80, s8, s26, $0xb8;
	[tilespmem:$0x1F080] =	vst v63  }
0xac: {  	_ =	swait.ge [sflag:s23], $0x4000  }
0xad: {  	[sflag:s23] =	ssyncset.done $0x0  }
0xae: {  	s9 =	simm.s32 $0x100;
	[sflag:s23] =	ssyncadd.s32 $0xFFFFC000  }
0xaf: {  	[tilespmem:s22], [sflag:$0x1] =	stream.indirect.gather [hbm4b:s1+s26], $0x80, s9, s26, $0xb8;
	[tilespmem:$0x1F080] =	vst v63  }
0xb0: {  	_ =	swait.ge [sflag:s30], $0x4000  }
0xb1: {  	[sflag:s30] =	ssyncset.done $0x0  }
0xb2: {  	s10 =	simm.s32 $0x1480;
	[sflag:s30] =	ssyncadd.s32 $0xFFFFC000  }
0xb3: {  	[spmem:s2] =	stream.indirect.scatter.add.f32 [tilespmem:s28], [sflag:$0x3], $0x80, s10, s26, $0xb8;
	[tilespmem:$0x1F080] =	vst v63  }
0xb4: {  	_ =	swait.ge [sflag:s23], $0x4000  }
0xb5: {  	s6 =	simm.s32 $0x100;
	s7 =	simm.s32 $0x800;
	[sflag:s23] =	ssyncset.done $0x0  }
.LBB2_6:
0xb6: {  	s8 =	sadd.s32 $0x80, s6  }
0xb7: {  	[sflag:s23] =	ssyncadd.s32 $0xFFFFC000;
	s9 =	smov.u32 s7;
	s10 =	sadd.s32 $0x400, s7  }
0xb8: {  	[tilespmem:s28], [sflag:$0x2] =	stream.indirect.gather [hbm4b:s1+s26], $0x80, s8, s26, $0xb8;
	[tilespmem:$0x1F080] =	vst v63  }
0xb9: {  	p1 =	sne.s32 s7, $0x4800;
	_ =	swait.ge [sflag:s29], $0x4000  }
0xba: {  	[sflag:s29] =	ssyncset.done $0x0  }
0xbb: {  	s7 =	sadd.s32 $0x1400, s6;
	[sflag:s29] =	ssyncadd.s32 $0xFFFFC000  }
0xbc: {  	[spmem:s2] =	stream.indirect.scatter.add.f32 [tilespmem:s22], [sflag:$0x3], $0x80, s7, s26, $0xb8;
	[tilespmem:$0x1F080] =	vst v63  }
0xbd: {  	_ =	swait.ge [sflag:s23], $0x4000  }
0xbe: {  	[sflag:s23] =	ssyncset.done $0x0  }
0xbf: {  	s7 =	sadd.s32 $0x100, s6;
	[sflag:s23] =	ssyncadd.s32 $0xFFFFC000  }
0xc0: {  	[tilespmem:s22], [sflag:$0x1] =	stream.indirect.gather [hbm4b:s1+s26], $0x80, s7, s26, $0xb8;
	[tilespmem:$0x1F080] =	vst v63  }
0xc1: {  	_ =	swait.ge [sflag:s30], $0x4000  }
.Ltmp2:
0xc2: {  	[sflag:s30] =	ssyncset.done $0x0;
	(pc) =	sbr.rel @p1 .LBB2_6-.Ltmp2, $4  }
0xc3: {  	s6 =	sadd.s32 $0x1480, s6;
	[sflag:s30] =	ssyncadd.s32 $0xFFFFC000  }
0xc4: {  	[spmem:s2] =	stream.indirect.scatter.add.f32 [tilespmem:s28], [sflag:$0x3], $0x80, s6, s26, $0xb8;
	[tilespmem:$0x1F080] =	vst v63  }
0xc5: {  	_ =	swait.ge [sflag:s23], $0x4000  }
0xc6: {  	s7 =	smov.u32 s10;
	s6 =	sshra.s32 s9, $0x2;
	[sflag:s23] =	ssyncset.done $0x0  }
0xc7: {  	s7 =	sadd.s32 $0x80, s6;
	[sflag:s23] =	ssyncadd.s32 $0xFFFFC000  }
0xc8: {  	[tilespmem:s28], [sflag:$0x2] =	stream.indirect.gather [hbm4b:s1+s26], $0x80, s7, s26, $0xb8;
	[tilespmem:$0x1F080] =	vst v63  }
0xc9: {  	_ =	swait.ge [sflag:s29], $0x4000  }
0xca: {  	[sflag:s29] =	ssyncset.done $0x0  }
0xcb: {  	s9 =	sadd.s32 $0x1400, s6;
	[sflag:s29] =	ssyncadd.s32 $0xFFFFC000  }
0xcc: {  	[spmem:s2] =	stream.indirect.scatter.add.f32 [tilespmem:s22], [sflag:$0x3], $0x80, s9, s26, $0xb8;
	[tilespmem:$0x1F080] =	vst v63  }
0xcd: {  	_ =	swait.ge [sflag:s23], $0x4000  }
0xce: {  	[sflag:s23] =	ssyncset.done $0x0  }
0xcf: {  	s10 =	sadd.s32 $0x100, s6;
	[sflag:s23] =	ssyncadd.s32 $0xFFFFC000  }
0xd0: {  	[tilespmem:s22], [sflag:$0x1] =	stream.indirect.gather [hbm4b:s1+s26], $0x80, s10, s26, $0xb8;
	[tilespmem:$0x1F080] =	vst v63  }
0xd1: {  	_ =	swait.ge [sflag:s30], $0x4000  }
0xd2: {  	[sflag:s30] =	ssyncset.done $0x0  }
0xd3: {  	s8 =	sadd.s32 $0x1480, s6;
	[sflag:s30] =	ssyncadd.s32 $0xFFFFC000  }
0xd4: {  	[spmem:s2] =	stream.indirect.scatter.add.f32 [tilespmem:s28], [sflag:$0x3], $0x80, s8, s26, $0xb8;
	[tilespmem:$0x1F080] =	vst v63  }
0xd5: {  	_ =	swait.ge [sflag:s23], $0x4000  }
0xd6: {  	[sflag:s23] =	ssyncset.done $0x0  }
0xd7: {  	[sflag:s23] =	ssyncadd.s32 $0xFFFFC000  }
0xd8: {  	[tilespmem:s28], [sflag:$0x2] =	stream.indirect.gather [hbm4b:s1+s26], $0x80, s31, s26, $0xb8;
	[tilespmem:$0x1F080] =	vst v63  }
0xd9: {  	_ =	swait.ge [sflag:s29], $0x4000  }
0xda: {  	[sflag:s29] =	ssyncset.done $0x0  }
0xdb: {  	[sflag:s29] =	ssyncadd.s32 $0xFFFFC000  }
0xdc: {  	[spmem:s2] =	stream.indirect.scatter.add.f32 [tilespmem:s22], [sflag:$0x3], $0x80, s0, s26, $0xb8;
	[tilespmem:$0x1F080] =	vst v63  }
0xdd: {  	_ =	swait.ge [sflag:s23], $0x4000  }
0xde: {  	[sflag:s23] =	ssyncset.done $0x0  }
0xdf: {  	[sflag:s23] =	ssyncadd.s32 $0xFFFFC000  }
0xe0: {  	_ =	swait.ge [sflag:s30], $0x4000  }
0xe1: {  	[sflag:s30] =	ssyncset.done $0x0  }
0xe2: {  	[sflag:s30] =	ssyncadd.s32 $0xFFFFC000  }
0xe3: {  	[spmem:s2] =	stream.indirect.scatter.add.f32 [tilespmem:s28], [sflag:$0x3], $0x80, s3, s26, $0xb8;
	[tilespmem:$0x1F080] =	vst v63  }
0xe4: {  	_ =	swait.ge [sflag:s23], $0x4000  }
0xe5: {  	[sflag:s23] =	ssyncset.done $0x0  }
0xe6: {  	s9 =	stileid.u32;
	[sflag:s23] =	ssyncadd.s32 $0xFFFFC000  }
0xe7: {  	s6 =	sshll.u32 s9, $0x6;
	[bflag:$0x0] =	sbarrier.arrive $0xFFFF  }
0xe8: {  	s6 =	sor.u32 $0x1C03, s6;
	s10 =	sshrl.u32 s5, $0x3;
	s8 =	rddreg [dreg:$0x8]  }
0xe9: {  	[hbm:s8], [sflag:s6] =	dma.local [spmem:s10], $0x2700  }
0xea: {  	_ =	swait.ge [sflag:s23], $0x2700  }
0xeb: {  	s4 =	sadd.s32 $0x1, s4;
	[sflag:s23] =	ssyncset.done $0x0  }
0xec: {  	p1 =	sne.s32 s4, s12;
	[sflag:s23] =	ssyncadd.s32 $0xFFFFD900  }
0xed: {  	[hbm:s11], [sflag:s6] =	dma.local @!p0 [spmem:s25], $0x100  }
.Ltmp3:
0xee: {  	_ = 	snop;
	(pc) =	sbr.rel @p1 .LBB2_1-.Ltmp3, $4  }
0xef: {  	s6 =	simm.s32 @!p0 $0x3  }
0xf0: {  	_ =	swait.ge @!p0 [sflag:s6], $0x100  }
0xf1: {  	[sflag:s6] =	ssyncset.done @!p0 $0x0  }
0xf2: {  	[sflag:s6] =	ssyncadd.s32 @!p0 $0xFFFFFF00  }
0xf3: {  	_ =	sfence.sel $0x180000  }
0xf4: {  	[bflag:$0x0] =	sbarrier.arrive $0xFFFF  }
0xf5: {  	_ =	strace $0x9000004D  }
0xf6: {  	s0 =	stileid.u32;
	[bflag:$0x2] =	sbarrier.arrive $0xFFFF  }
0xf7: {  	p0 =	sne.s32 s0, $0x0;
	s0 =	rddreg [dreg:$0x3]  }
0xf8: {  	s0 =	sadd.s32 @!p0 $0x100000, s0  }
0xf9: {  	[sflag:s0] =	ssyncadd.tile.s32 @!p0 $0x1;
	_ =	shalt  }
.Lfunc_end2:
_tile_overlayer_lowered:
.L_overlay_start_2:
0xfa: {  	(tag) =	ssettag $0x2  }
0xfb: {  	s0 =	rddreg [dreg:$0x0];
	s2 =	stileid.u32  }
0xfc: {  	s1 =	rddreg [dreg:$0x1];
	p0 =	sne.s32 s2, $0x0  }
0xfd: {  	s3 =	rddreg [dreg:$0x2];
	[bflag:$0x3] =	sbarrier.arrive $0xFFFF;
	s2 =	simm.s32 @!p0 $0x1C03  }
0xfe: {  	[timem:s3], [sflag:s2] =	dma.local @!p0 [hbm:s0], s1  }
0xff: {  	s0 =	simm.s32 @!p0 $0x3  }
0x100: {  	_ =	swait.ge @!p0 [sflag:s0], s1  }
0x101: {  	s1 =	ssub.s32 @!p0 $0x0, s1;
	[sflag:s0] =	ssyncset.done @!p0 $0x0  }
0x102: {  	[sflag:s0] =	ssyncadd.s32 @!p0 s1  }
0x103: {  	[bflag:$0x3] =	sbarrier.arrive $0xFFFF  }
0x104: {  	_ =	shalt  }

// kernel: kernel.8.cloned.1.call-start
scs
__scs_entry_jumppad:
0x0: {  	(pc) =	sbr.rel $0x88, $3  }
0x1: {  	(tag) =	ssettag $0x0;
	lr =	simm.s32 $0x1  }
0x2: {  	[smem:$0x3F91] =	sst lr;
	_ =	strace $0xD0000000  }
0x3: {  	_ = 	snop  }
0x4: {  	_ = 	snop  }
0x5: {  	_ = 	snop  }
0x6: {  	_ = 	snop  }
0x7: {  	_ = 	snop  }
__scs_overlays_trampoline_lowered:
0x8: {  	[smem:$0x3FA0] =	sst s0  }
0x9: {  	[smem:$0x3FA1] =	sst s1  }
0xa: {  	[smem:$0x3FA2] =	sst s2  }
0xb: {  	[smem:$0x3FA3] =	sst s3  }
0xc: {  	[smem:$0x3FA4] =	sst s4  }
0xd: {  	[smem:$0x3FA5] =	sst s5  }
0xe: {  	[smem:$0x3FA6] =	sst s6  }
0xf: {  	[smem:$0x3FA7] =	sst s7  }
0x10: {  	[smem:$0x3FA8] =	sst s8  }
0x11: {  	[smem:$0x3FA9] =	sst s9;
	s0 =	simm.s32 @!p0 $0x0  }
0x12: {  	s1 =	sld [smem:$0x3F8F];
	s0 =	simm.s32 @p0 $0x1  }
0x13: {  	[smem:$0x3FAA] =	sst s0;
	s0 =	simm.s32 @!p1 $0x0  }
0x14: {  	s2 =	sld [smem:$0x3F8E];
	s0 =	simm.s32 @p1 $0x1  }
0x15: {  	[smem:$0x3FAB] =	sst s0;
	s0 =	simm.s32 @!p2 $0x0  }
0x16: {  	s3 =	sld [smem:$0x3FDB];
	s0 =	simm.s32 @p2 $0x1  }
0x17: {  	s4 =	simm.s32 $0x1BF5;
	[smem:$0x3FAD] =	sst s0  }
0x18: {  	s0 =	sld [smem:$0x3F90];
	_ =	swait.ge [sflag:s4], $0x0  }
0x19: {  	s7 =	sld [smem:$0x3F91]  }
0x1a: {  	s8 =	sadd.s32 $0xFFFFE003, lr  }
0x1b: {  	s9 =	sadd.s32 $0xFFFFFEF7, lr;
	s5 =	simm.s32 $0xFFFFFFFF;
	p2 =	slt.u32 s8, $0xFFFFF086  }
0x1c: {  	p1 =	slt.u32 s9, $0xF7A;
	s5 =	simm.s32 @!p2 $0x0  }
0x1d: {  	s5 =	simm.s32 @p1 $0x1;
	p0 =	seq.s32 s7, s2  }
0x1e: {  	s7 =	smul.u32 @!p0 $0xF7A, s2;
	p2 =	seq.s32 @!p0 s5, $0x0  }
0x1f: {  	s9 =	smul.u32 $0xF7A, s1;
	s8 =	simm.s32 @!p0 $0x1BF5;
	p2 =	por !p2, p0  }
0x20: {  	[sflag:s8] =	ssyncset.s32 @!p0 $0xFFFFF086;
	s6 =	sadd.s32 @!p0 s3, s7;
	s7 =	simm.s32 @!p0 $0x108  }
0x21: {  	s3 =	sadd.s32 s3, s9;
	s6 =	sadd.s32 @!p0 $0x88, s6;
	s7 =	simm.s32 @p2 $0x1082  }
0x22: {  	[simem:s7], [sflag:s8] =	dma.local @!p0 [hbm:s6], $0xF7A  }
0x23: {  	s9 =	sor.u32 $0xD0000000, s2;
	s6 =	simm.s32 $0x108;
	_ =	swait.ge @!p0 [sflag:s8], $0x0  }
0x24: {  	s3 =	sadd.s32 $0x88, s3;
	s6 =	simm.s32 @!p1 $0x1082;
	[sflag:s4] =	ssyncset.s32 $0xFFFFF086  }
0x25: {  	[simem:s6], [sflag:s4] =	dma.local [hbm:s3], $0xF7A  }
0x26: {  	[smem:$0x3F91] =	sst s1;
	(tag) =	ssettag s2;
	_ =	strace s9  }
0x27: {  	s1 =	sld [smem:$0x3FA1]  }
0x28: {  	s2 =	sld [smem:$0x3FA2]  }
0x29: {  	s4 =	sld [smem:$0x3FA4]  }
0x2a: {  	p0 =	seq.s32 s5, $0x0;
	s5 =	sld [smem:$0x3FA5]  }
0x2b: {  	s6 =	sld [smem:$0x3FA6]  }
0x2c: {  	s7 =	sld [smem:$0x3FA7]  }
0x2d: {  	s3 =	simm.s32 $0x108;
	s8 =	sld [smem:$0x3FA8]  }
0x2e: {  	s3 =	simm.s32 @!p0 $0x1082;
	s9 =	sld [smem:$0x3FA9]  }
0x2f: {  	lr =	sadd.s32 s0, s3;
	s0 =	sld [smem:$0x3FA0]  }
0x30: {  	s3 =	sld [smem:$0x3FA3]  }
0x31: {  	[smem:$0x3FAC] =	sst s10  }
0x32: {  	s10 =	sld [smem:$0x3FAA];
	_ =	sdelay $0x3  }
0x33: {  	p0 =	seq.s32 s10, $0x1;
	s10 =	sld [smem:$0x3FAC];
	_ =	sdelay $0x3  }
0x34: {  	[smem:$0x3FAC] =	sst s10  }
0x35: {  	s10 =	sld [smem:$0x3FAB];
	_ =	sdelay $0x3  }
0x36: {  	p1 =	seq.s32 s10, $0x1;
	s10 =	sld [smem:$0x3FAC];
	_ =	sdelay $0x3  }
0x37: {  	[smem:$0x3FAC] =	sst s10  }
0x38: {  	s10 =	sld [smem:$0x3FAD]  }
0x39: {  	_ = 	snop;
	(pc) =	sbr.ind lr, $3  }
0x3a: {  	_ = 	snop  }
0x3b: {  	_ = 	snop  }
0x3c: {  	p2 =	seq.s32 s10, $0x1;
	s10 =	sld [smem:$0x3FAC]  }
0x3d: {  	_ =	shalt  }
0x3e: {  	_ =	shalt  }
0x3f: {  	_ =	shalt  }
0x40: {  	_ =	shalt  }
0x41: {  	_ =	shalt  }
0x42: {  	_ =	shalt  }
0x43: {  	_ =	shalt  }
0x44: {  	_ =	shalt  }
0x45: {  	_ =	shalt  }
0x46: {  	_ =	shalt  }
0x47: {  	_ =	shalt  }
0x48: {  	_ =	shalt  }
0x49: {  	_ =	shalt  }
0x4a: {  	_ =	shalt  }
0x4b: {  	_ =	shalt  }
0x4c: {  	_ =	shalt  }
0x4d: {  	_ =	shalt  }
0x4e: {  	_ =	shalt  }
0x4f: {  	_ =	shalt  }
0x50: {  	_ =	shalt  }
0x51: {  	_ =	shalt  }
0x52: {  	_ =	shalt  }
0x53: {  	_ =	shalt  }
0x54: {  	_ =	shalt  }
0x55: {  	_ =	shalt  }
0x56: {  	_ =	shalt  }
0x57: {  	_ =	shalt  }
0x58: {  	_ =	shalt  }
0x59: {  	_ =	shalt  }
0x5a: {  	_ =	shalt  }
0x5b: {  	_ =	shalt  }
0x5c: {  	_ =	shalt  }
0x5d: {  	_ =	shalt  }
0x5e: {  	_ =	shalt  }
0x5f: {  	_ =	shalt  }
0x60: {  	_ =	shalt  }
0x61: {  	_ =	shalt  }
0x62: {  	_ =	shalt  }
0x63: {  	_ =	shalt  }
0x64: {  	_ =	shalt  }
0x65: {  	_ =	shalt  }
0x66: {  	_ =	shalt  }
0x67: {  	_ =	shalt  }
0x68: {  	_ =	shalt  }
0x69: {  	_ =	shalt  }
0x6a: {  	_ =	shalt  }
0x6b: {  	_ =	shalt  }
0x6c: {  	_ =	shalt  }
0x6d: {  	_ =	shalt  }
0x6e: {  	_ =	shalt  }
0x6f: {  	_ =	shalt  }
0x70: {  	_ =	shalt  }
0x71: {  	_ =	shalt  }
0x72: {  	_ =	shalt  }
0x73: {  	_ =	shalt  }
0x74: {  	_ =	shalt  }
0x75: {  	_ =	shalt  }
0x76: {  	_ =	shalt  }
0x77: {  	_ =	shalt  }
0x78: {  	_ =	shalt  }
0x79: {  	_ =	shalt  }
0x7a: {  	_ =	shalt  }
0x7b: {  	_ =	shalt  }
0x7c: {  	_ =	shalt  }
0x7d: {  	_ =	shalt  }
0x7e: {  	_ =	shalt  }
0x7f: {  	_ =	shalt  }
0x80: {  	_ =	shalt  }
0x81: {  	_ =	shalt  }
0x82: {  	_ =	shalt  }
0x83: {  	_ =	shalt  }
0x84: {  	_ =	shalt  }
0x85: {  	_ =	shalt  }
0x86: {  	_ =	shalt  }
0x87: {  	_ =	shalt  }
.Lfunc_end0:
.L_simem_size_0:
called_computation_lowered:
.L_overlay_start_0:
0x88: {  	s2 =	sld [smem:$0x3FD9]  }
0x89: {  	s3 =	sld [smem:$0x3FFE];
	_ =	sdelay $0x1  }
0x8a: {  	s1 =	srdreg.scid  }
0x8b: {  	s0 =	sand.u32 $0x1, s1  }
0x8c: {  	s17 =	sshll.u32 s0, $0xA;
	s2 =	sadd.s32 s3, s2  }
0x8d: {  	s2 =	sadd.s32 s2, s17  }
0x8e: {  	[smem:$0x3FB8] =	sst s2  }
0x8f: {  	_ = 	snop  }
0x90: {  	s2 =	sld [smem:$0x3FD0];
	(tm) =	ssettm $0x1  }
0x91: {  	s18 =	sld [smem:$0x3FFB];
	_ =	sdelay $0x3  }
0x92: {  	_ =	strace s18  }
0x93: {  	s3 =	sld [smem:$0x3FFC];
	_ =	sdelay $0x3  }
0x94: {  	_ =	strace s3  }
0x95: {  	s3 =	sld [smem:$0x3FFD];
	_ =	sdelay $0x3  }
0x96: {  	_ =	strace s3  }
0x97: {  	_ =	strace $0x8FFFFFFF  }
0x98: {  	s19 =	sld [smem:$0x3FDB];
	_ =	sdelay $0x1  }
0x99: {  	s4 =	simm.s32 $_scs_section_size  }
0x9a: {  	s5 =	simm.s32 $_size__tile_overlayer_lowered;
	s6 =	simm.s32 $_tile_overlayer_lowered  }
0x9b: {  	s22 =	simm.s32 $0x1BFF;
	s21 =	sshll.u32 s6, $0x1;
	s3 =	sadd.s32 s4, s19  }
0x9c: {  	s7 =	simm.s32 $0x0;
	s20 =	sshll.u32 s5, $0x1;
	s5 =	sadd.s32 s21, s3  }
0x9d: {  	[timem:s7], [sflag:s22] =	dma.local [hbm:s5], s20  }
0x9e: {  	_ =	swait.ge [sflag:s22], s20  }
0x9f: {  	s4 =	ssub.s32 $0x0, s20;
	[sflag:s22] =	ssyncset.done $0x0  }
0xa0: {  	[sflag:s22] =	ssyncadd.s32 s4;
	_ =	sdelay $0x1  }
0xa1: {  	s23 =	simm.s32 $0x1B8B  }
0xa2: {  	_ =	swait.ge [sflag:s23], $0x1  }
0xa3: {  	[sflag:s23] =	ssyncset.done $0x0  }
0xa4: {  	s25 =	simm.s32 $0x1B8E;
	s24 =	sld [smem:$0x3FFE];
	[sflag:s23] =	ssyncadd.s32 $0xFFFFFFFF  }
0xa5: {  	s26 =	simm.s32 $execute0_lowered;
	[smem:$0x3FD2] =	sst s25  }
0xa6: {  	s5 =	sshll.u32 s26, $0x1;
	_ =	strace $0x80000046;
	[dreg:$0x1] =	wrdreg $0xFFFFFFFF  }
0xa7: {  	s28 =	simm.s32 $_size_execute0_lowered;
	s3 =	sadd.s32 s3, s5;
	[dreg:$0x0] =	wrdreg $0x0  }
0xa8: {  	s5 =	sshll.u32 s28, $0x1;
	[dreg:$0x2] =	wrdreg s3  }
0xa9: {  	[dreg:$0x3] =	wrdreg s5  }
0xaa: {  	[dreg:$0x4] =	wrdreg $0xC0  }
0xab: {  	_ =	task [dreg:s7], $0x5FFFF  }
0xac: {  	[dreg:$0x1] =	wrdreg $0xFFFFFFFF  }
0xad: {  	[dreg:$0x0] =	wrdreg $0x60  }
0xae: {  	[dreg:$0x2] =	wrdreg s24  }
0xaf: {  	[dreg:$0x3] =	wrdreg s2  }
0xb0: {  	[dreg:$0x4] =	wrdreg $0x8CA00  }
0xb1: {  	[dreg:$0x5] =	wrdreg $0xB3B00  }
0xb2: {  	[dreg:$0x6] =	wrdreg $0x9  }
0xb3: {  	_ =	task.clear_ibuf [dreg:s7], $0x7FFFF;
	_ =	strace $0x90000046  }
0xb4: {  	s29 =	simm.s32 $0x9;
	_ =	strace $0x80000048  }
0xb5: {  	_ =	swait.ge [sflag:s29], $0x1  }
0xb6: {  	[sflag:s29] =	ssyncadd.s32 $0xFFFFFFFF  }
0xb7: {  	_ =	strace $0x90000048  }
0xb8: {  	_ =	sfence  }
0xb9: {  	s30 =	sld [smem:$0x0];
	_ =	sdelay $0x2  }
0xba: {  	s31 =	sshll.u32 s1, $0xD;
	s1 =	sshrl.u32 s1, $0x2  }
0xbb: {  	s3 =	sand.u32 $0x4000, s31;
	s1 =	sadd.s32 s1, s30  }
0xbc: {  	s0 =	sor.u32 s3, s0;
	s1 =	sshll.u32 s1, $0x11  }
0xbd: {  	s0 =	sor.u32 s1, s0  }
0xbe: {  	s0 =	sadd.s32 $0x8F2B, s0  }
0xbf: {  	[sflag:s0] =	ssyncadd.remote.s32 $0x1  }
0xc0: {  	_ =	sfence.sel $0xFFFF  }
0xc1: {  	[dreg:$0x0] =	wrdreg $0xFFFFFFFF;
	(pc) =	sbr.abs _section_cstart, $3  }
0xc2: {  	[dreg:$0x1] =	wrdreg $0xFFFFFFFF  }
0xc3: {  	_ =	task.clear_ibuf [dreg:s7], $0x2FFFF;
	_ =	strace $0x9FFFFFFF  }
0xc4: {  	(tm) =	ssettm $0x7FFFFFFF  }
0xc5: {  	_ =	shalt  }
tec
execute0_lowered:
.L_overlay_start_1:
0x0: {  	(tag) =	ssettag $0x1  }
0x1: {  	s0 =	rddreg [dreg:$0x0]  }
0x2: {  	s1 =	rddreg [dreg:$0x1]  }
0x3: {  	s2 =	rddreg [dreg:$0x2]  }
0x4: {  	s3 =	rddreg [dreg:$0x3]  }
0x5: {  	s5 =	srdreg.scid;
	s12 =	stileid.u32;
	s4 =	simm.s32 $0x0  }
0x6: {  	s5 =	sand.u32 $0x1, s5;
	s6 =	sshll.u32 s12, $0x1;
	[smem:$0x7FF] =	sst s4  }
0x7: {  	s7 =	smul.u32 $0x2700, s12;
	s9 =	sadd.s32 $0xD400, s0;
	s0 =	sadd.s32 $0x3600, s0  }
0x8: {  	s6 =	sor.u32 s5, s6;
	s8 =	ssub.s32 $0x2, s5;
	s5 =	smul.u32 $0x4E200, s5  }
0x9: {  	p0 =	sne.s32 s12, $0xF;
	_ =	strace $0x80000047;
	s6 =	smul.u32 $0x2710, s6  }
0xa: {  	s10 =	sshrl.u32 s8, $0x1;
	s20 =	sadd.s32 $0x400, s7;
	s21 =	sadd.s32 $0x800, s7  }
0xb: {  	s25 =	sadd.s32 $0xC00, s7;
	s8 =	ssub.s32 s8, s10;
	s16 =	sadd.s32 s7, s5  }
0xc: {  	s5 =	sshrl.u32 s5, $0x3;
	s22 =	sadd.s32 s20, s2;
	s23 =	sadd.s32 s21, s2  }
0xd: {  	s24 =	sadd.s32 s21, s3;
	s21 =	sadd.s32 $0x1800, s7;
	[dreg:$0xa] =	wrdreg s22  }
0xe: {  	s6 =	sshrl.u32 s6, $0x3;
	s10 =	sshrl.u32 s16, $0x3;
	[dreg:$0xc] =	wrdreg s23  }
0xf: {  	s5 =	sadd.s32 s1, s5;
	s19 =	smax.u32 s8, $0x1;
	[dreg:$0xd] =	wrdreg s24  }
0x10: {  	s24 =	sadd.s32 s25, s3;
	s22 =	sadd.s32 $0x1C00, s7;
	s30 =	sadd.s32 s21, s2  }
0x11: {  	s31 =	sadd.s32 s21, s3;
	s15 =	sadd.s32 s9, s6;
	[dreg:$0x9] =	wrdreg s19  }
0x12: {  	s23 =	sadd.s32 $0x2000, s7;
	s11 =	sadd.s32 s0, s6;
	[dreg:$0x5] =	wrdreg s15  }
0x13: {  	s14 =	sadd.s32 s1, s10;
	s17 =	sadd.s32 $0x4E00, s5;
	[dreg:$0x6] =	wrdreg s11  }
0x14: {  	s18 =	sadd.s32 $0x9C20, s5;
	s1 =	sadd.s32 s20, s3;
	[dreg:$0x7] =	wrdreg s17  }
0x15: {  	s26 =	sadd.s32 $0xFA, s6;
	s19 =	sadd.s32 $0x1000, s7;
	[dreg:$0x8] =	wrdreg s18  }
0x16: {  	s20 =	sadd.s32 $0x1400, s7;
	s8 =	sadd.s32 s23, s2;
	[dreg:$0xb] =	wrdreg s1  }
0x17: {  	s10 =	sadd.s32 s9, s26;
	s5 =	sadd.s32 s0, s26;
	s11 =	sadd.s32 $0x1F4, s6  }
0x18: {  	s15 =	sadd.s32 $0x2EE, s6;
	s17 =	sadd.s32 $0x3E8, s6;
	s18 =	sadd.s32 s25, s2  }
0x19: {  	s25 =	sadd.s32 s19, s2;
	s26 =	sadd.s32 s19, s3;
	[dreg:$0xe] =	wrdreg s10  }
0x1a: {  	s28 =	sadd.s32 s20, s2;
	s29 =	sadd.s32 s20, s3;
	[dreg:$0xf] =	wrdreg s5  }
0x1b: {  	s1 =	sadd.s32 s22, s3;
	s13 =	sadd.s32 s9, s11;
	[dreg:$0x16] =	wrdreg s18  }
0x1c: {  	s19 =	simm.s32 $0x0;
	s5 =	sadd.s32 s0, s11;
	[dreg:$0x10] =	wrdreg s13  }
0x1d: {  	s16 =	sadd.s32 s9, s15;
	s6 =	sadd.s32 s9, s17;
	[dreg:$0x11] =	wrdreg s5  }
0x1e: {  	s9 =	sadd.s32 s23, s3;
	s18 =	simm.s32 $0x2;
	[dreg:$0x12] =	wrdreg s16  }
0x1f: {  	s5 =	sadd.s32 s0, s15;
	[dreg:$0x14] =	wrdreg s6;
	s0 =	sadd.s32 s0, s17  }
0x20: {  	s6 =	sadd.s32 s7, s3;
	s13 =	sadd.s32 $0x27000, s3;
	s15 =	simm.s32 $0x3  }
0x21: {  	s16 =	simm.s32 $0x7D0;
	s17 =	simm.s32 $0x1;
	[dreg:$0x13] =	wrdreg s5  }
0x22: {  	[dreg:$0x15] =	wrdreg s0;
	s0 =	sadd.s32 s22, s2;
	s5 =	sadd.s32 s7, s2  }
0x23: {  	s7 =	sadd.s32 $0x2400, s7;
	s13 =	sshrl.u32 @!p0 s13, $0x3;
	s22 =	smov.u32 s14  }
0x24: {  	s10 =	sadd.s32 s7, s2;
	s11 =	sadd.s32 s7, s3;
	s7 =	sadd.s32 $0x27000, s2  }
0x25: {  	v0 =	vimm.f32 $1.000000000e+00;
	v1 =	vimm.f32 $0.0e+00;
	s14 =	sadd.s32 $0x4E20, s14;
	s12 =	sshrl.u32 @!p0 s7, $0x3;
	s7 =	simm.s32 $0xFA0  }
.LBB2_1:
0x26: {  	s20 =	simm.s32 $0x0  }
.LBB2_2:
0x27: {  	p1 =	sne.s32 s20, $0x1F3C0  }
.Ltmp0:
0x28: {  	_ = 	snop;
	(pc) =	sbr.rel @p1 .LBB2_2-.Ltmp0, $3  }
0x29: {  	_ =	sdelay $0x1  }
0x2a: {  	s21 =	sshra.s32 s20, $0x2  }
0x2b: {  	s20 =	sadd.s32 $0x40, s20;
	[tilespmem:s21+$0xFA0] =	vst v0  }
0x2c: {  	s20 =	simm.s32 $0x40;
	s21 =	simm.s32 $0x0  }
.LBB2_4:
0x2d: {  	p1 =	sne.s32 s20, $0xFC0;
	[tilespmem:s21+$0xFA0] =	vst v1;
	s21 =	smov.u32 s20;
	s20 =	sadd.s32 $0x40, s20  }
.Ltmp1:
0x2e: {  	(pc) =	sbr.rel @p1 .LBB2_4-.Ltmp1, $2  }
0x2f: {  	_ =	sdelay $0x2  }
0x30: {  	s21 =	sshra.s32 s21, $0x2  }
0x31: {  	[tilespmem:s21+$0xFA0] =	vst v1  }
0x32: {  	[spmem:s5] =	stream.linear.scatter [tilespmem:s7], [sflag:$0x3], $0x400, $0x38;
	[tilespmem:$0xDAC0] =	vst v63  }
0x33: {  	_ =	swait.ge [sflag:s15], $0x400  }
0x34: {  	[sflag:s15] =	ssyncset.done $0x0  }
0x35: {  	[sflag:s15] =	ssyncadd.s32 $0xFFFFFC00  }
0x36: {  	[spmem:s6] =	stream.linear.scatter [tilespmem:s7], [sflag:$0x3], $0x400, $0x38;
	[tilespmem:$0xDAC0] =	vst v63  }
0x37: {  	_ =	swait.ge [sflag:s15], $0x400  }
0x38: {  	[sflag:s15] =	ssyncset.done $0x0  }
0x39: {  	s20 =	rddreg [dreg:$0xa];
	[sflag:s15] =	ssyncadd.s32 $0xFFFFFC00  }
0x3a: {  	[spmem:s20] =	stream.linear.scatter [tilespmem:s7], [sflag:$0x3], $0x400, $0x38;
	[tilespmem:$0xDAC0] =	vst v63  }
0x3b: {  	_ =	swait.ge [sflag:s15], $0x400  }
0x3c: {  	[sflag:s15] =	ssyncset.done $0x0  }
0x3d: {  	s21 =	rddreg [dreg:$0xb];
	[sflag:s15] =	ssyncadd.s32 $0xFFFFFC00  }
0x3e: {  	[spmem:s21] =	stream.linear.scatter [tilespmem:s7], [sflag:$0x3], $0x400, $0x38;
	[tilespmem:$0xDAC0] =	vst v63  }
0x3f: {  	_ =	swait.ge [sflag:s15], $0x400  }
0x40: {  	[sflag:s15] =	ssyncset.done $0x0  }
0x41: {  	s23 =	rddreg [dreg:$0xc];
	[sflag:s15] =	ssyncadd.s32 $0xFFFFFC00  }
0x42: {  	[spmem:s23] =	stream.linear.scatter [tilespmem:s7], [sflag:$0x3], $0x400, $0x38;
	[tilespmem:$0xDAC0] =	vst v63  }
0x43: {  	_ =	swait.ge [sflag:s15], $0x400  }
0x44: {  	[sflag:s15] =	ssyncset.done $0x0  }
0x45: {  	s21 =	rddreg [dreg:$0xd];
	[sflag:s15] =	ssyncadd.s32 $0xFFFFFC00  }
0x46: {  	[spmem:s21] =	stream.linear.scatter [tilespmem:s7], [sflag:$0x3], $0x400, $0x38;
	[tilespmem:$0xDAC0] =	vst v63  }
0x47: {  	_ =	swait.ge [sflag:s15], $0x400  }
0x48: {  	[sflag:s15] =	ssyncset.done $0x0  }
0x49: {  	s23 =	rddreg [dreg:$0x16];
	[sflag:s15] =	ssyncadd.s32 $0xFFFFFC00  }
0x4a: {  	[spmem:s23] =	stream.linear.scatter [tilespmem:s7], [sflag:$0x3], $0x400, $0x38;
	[tilespmem:$0xDAC0] =	vst v63  }
0x4b: {  	_ =	swait.ge [sflag:s15], $0x400  }
0x4c: {  	[sflag:s15] =	ssyncset.done $0x0  }
0x4d: {  	[sflag:s15] =	ssyncadd.s32 $0xFFFFFC00  }
0x4e: {  	[spmem:s24] =	stream.linear.scatter [tilespmem:s7], [sflag:$0x3], $0x400, $0x38;
	[tilespmem:$0xDAC0] =	vst v63  }
0x4f: {  	_ =	swait.ge [sflag:s15], $0x400  }
0x50: {  	[sflag:s15] =	ssyncset.done $0x0  }
0x51: {  	[sflag:s15] =	ssyncadd.s32 $0xFFFFFC00  }
0x52: {  	[spmem:s25] =	stream.linear.scatter [tilespmem:s7], [sflag:$0x3], $0x400, $0x38;
	[tilespmem:$0xDAC0] =	vst v63  }
0x53: {  	_ =	swait.ge [sflag:s15], $0x400  }
0x54: {  	[sflag:s15] =	ssyncset.done $0x0  }
0x55: {  	[sflag:s15] =	ssyncadd.s32 $0xFFFFFC00  }
0x56: {  	[spmem:s26] =	stream.linear.scatter [tilespmem:s7], [sflag:$0x3], $0x400, $0x38;
	[tilespmem:$0xDAC0] =	vst v63  }
0x57: {  	_ =	swait.ge [sflag:s15], $0x400  }
0x58: {  	[sflag:s15] =	ssyncset.done $0x0  }
0x59: {  	[sflag:s15] =	ssyncadd.s32 $0xFFFFFC00  }
0x5a: {  	[spmem:s28] =	stream.linear.scatter [tilespmem:s7], [sflag:$0x3], $0x400, $0x38;
	[tilespmem:$0xDAC0] =	vst v63  }
0x5b: {  	_ =	swait.ge [sflag:s15], $0x400  }
0x5c: {  	[sflag:s15] =	ssyncset.done $0x0  }
0x5d: {  	[sflag:s15] =	ssyncadd.s32 $0xFFFFFC00  }
0x5e: {  	[spmem:s29] =	stream.linear.scatter [tilespmem:s7], [sflag:$0x3], $0x400, $0x38;
	[tilespmem:$0xDAC0] =	vst v63  }
0x5f: {  	_ =	swait.ge [sflag:s15], $0x400  }
0x60: {  	[sflag:s15] =	ssyncset.done $0x0  }
0x61: {  	[sflag:s15] =	ssyncadd.s32 $0xFFFFFC00  }
0x62: {  	[spmem:s30] =	stream.linear.scatter [tilespmem:s7], [sflag:$0x3], $0x400, $0x38;
	[tilespmem:$0xDAC0] =	vst v63  }
0x63: {  	_ =	swait.ge [sflag:s15], $0x400  }
0x64: {  	[sflag:s15] =	ssyncset.done $0x0  }
0x65: {  	[sflag:s15] =	ssyncadd.s32 $0xFFFFFC00  }
0x66: {  	[spmem:s31] =	stream.linear.scatter [tilespmem:s7], [sflag:$0x3], $0x400, $0x38;
	[tilespmem:$0xDAC0] =	vst v63  }
0x67: {  	_ =	swait.ge [sflag:s15], $0x400  }
0x68: {  	[sflag:s15] =	ssyncset.done $0x0  }
0x69: {  	[sflag:s15] =	ssyncadd.s32 $0xFFFFFC00  }
0x6a: {  	[spmem:s0] =	stream.linear.scatter [tilespmem:s7], [sflag:$0x3], $0x400, $0x38;
	[tilespmem:$0xDAC0] =	vst v63  }
0x6b: {  	_ =	swait.ge [sflag:s15], $0x400  }
0x6c: {  	[sflag:s15] =	ssyncset.done $0x0  }
0x6d: {  	[sflag:s15] =	ssyncadd.s32 $0xFFFFFC00  }
0x6e: {  	[spmem:s1] =	stream.linear.scatter [tilespmem:s7], [sflag:$0x3], $0x400, $0x38;
	[tilespmem:$0xDAC0] =	vst v63  }
0x6f: {  	_ =	swait.ge [sflag:s15], $0x400  }
0x70: {  	[sflag:s15] =	ssyncset.done $0x0  }
0x71: {  	[sflag:s15] =	ssyncadd.s32 $0xFFFFFC00  }
0x72: {  	[spmem:s8] =	stream.linear.scatter [tilespmem:s7], [sflag:$0x3], $0x400, $0x38;
	[tilespmem:$0xDAC0] =	vst v63  }
0x73: {  	_ =	swait.ge [sflag:s15], $0x400  }
0x74: {  	[sflag:s15] =	ssyncset.done $0x0  }
0x75: {  	[sflag:s15] =	ssyncadd.s32 $0xFFFFFC00  }
0x76: {  	[spmem:s9] =	stream.linear.scatter [tilespmem:s7], [sflag:$0x3], $0x400, $0x38;
	[tilespmem:$0xDAC0] =	vst v63  }
0x77: {  	_ =	swait.ge [sflag:s15], $0x400  }
0x78: {  	[sflag:s15] =	ssyncset.done $0x0  }
0x79: {  	[sflag:s15] =	ssyncadd.s32 $0xFFFFFC00  }
0x7a: {  	[spmem:s10] =	stream.linear.scatter [tilespmem:s7], [sflag:$0x3], $0x400, $0x38;
	[tilespmem:$0xDAC0] =	vst v63  }
0x7b: {  	_ =	swait.ge [sflag:s15], $0x400  }
0x7c: {  	[sflag:s15] =	ssyncset.done $0x0  }
0x7d: {  	[sflag:s15] =	ssyncadd.s32 $0xFFFFFC00  }
0x7e: {  	[spmem:s11] =	stream.linear.scatter [tilespmem:s7], [sflag:$0x3], $0x400, $0x38;
	[tilespmem:$0xDAC0] =	vst v63  }
0x7f: {  	_ =	swait.ge [sflag:s15], $0x400  }
0x80: {  	[sflag:s15] =	ssyncset.done $0x0  }
0x81: {  	s20 =	simm.s32 $0x40;
	s21 =	simm.s32 $0x0;
	[sflag:s15] =	ssyncadd.s32 $0xFFFFFC00  }
.LBB2_6:
0x82: {  	p1 =	sne.s32 s20, $0xFC0;
	[tilespmem:s21+$0xFA0] =	vst v0;
	s21 =	smov.u32 s20;
	s20 =	sadd.s32 $0x40, s20  }
.Ltmp2:
0x83: {  	(pc) =	sbr.rel @p1 .LBB2_6-.Ltmp2, $2  }
0x84: {  	_ =	sdelay $0x2  }
0x85: {  	s21 =	sshra.s32 s21, $0x2  }
0x86: {  	[tilespmem:s21+$0xFA0] =	vst v0;
	s20 =	rddreg [dreg:$0x5]  }
0x87: {  	[tilespmem:s4], [sflag:$0x1] =	stream.linear.gather [hbm4b:s20+s4], $0x7D0, $0x38;
	[tilespmem:$0xDAC0] =	vst v63  }
0x88: {  	s23 =	rddreg [dreg:$0x6]  }
0x89: {  	[tilespmem:s16], [sflag:$0x2] =	stream.linear.gather [hbm4b:s23+s4], $0x7D0, $0x38;
	[tilespmem:$0xDAC0] =	vst v63  }
0x8a: {  	[bflag:$0x0] =	sbarrier.arrive $0xFFFF  }
0x8b: {  	_ =	swait.ge [sflag:s17], $0x7D0  }
0x8c: {  	[sflag:s17] =	ssyncset.done $0x0  }
0x8d: {  	[sflag:s17] =	ssyncadd.s32 $0xFFFFF830  }
0x8e: {  	[spmem:s2] =	stream.indirect.scatter.add.f32 [tilespmem:s7], [sflag:$0x3], $0x10, s4, s16, $0xb8;
	[tilespmem:$0xDAC0] =	vst v63  }
0x8f: {  	_ =	swait.ge [sflag:s15], $0x7D00  }
0x90: {  	[sflag:s15] =	ssyncset.done $0x0  }
0x91: {  	s21 =	rddreg [dreg:$0xe];
	[sflag:s15] =	ssyncadd.s32 $0xFFFF8300  }
0x92: {  	[tilespmem:s4], [sflag:$0x1] =	stream.linear.gather [hbm4b:s21+s4], $0x7D0, $0x38;
	[tilespmem:$0xDAC0] =	vst v63  }
0x93: {  	_ =	swait.ge [sflag:s18], $0x7D0  }
0x94: {  	[sflag:s18] =	ssyncset.done $0x0  }
0x95: {  	[sflag:s18] =	ssyncadd.s32 $0xFFFFF830  }
0x96: {  	[spmem:s3] =	stream.indirect.scatter.add.f32 [tilespmem:s7], [sflag:$0x3], $0x10, s16, s16, $0xb8;
	[tilespmem:$0xDAC0] =	vst v63  }
0x97: {  	_ =	swait.ge [sflag:s15], $0x7D00  }
0x98: {  	[sflag:s15] =	ssyncset.done $0x0  }
0x99: {  	s23 =	rddreg [dreg:$0xf];
	[sflag:s15] =	ssyncadd.s32 $0xFFFF8300  }
0x9a: {  	[tilespmem:s16], [sflag:$0x2] =	stream.linear.gather [hbm4b:s23+s4], $0x7D0, $0x38;
	[tilespmem:$0xDAC0] =	vst v63  }
0x9b: {  	_ =	swait.ge [sflag:s17], $0x7D0  }
0x9c: {  	[sflag:s17] =	ssyncset.done $0x0  }
0x9d: {  	[sflag:s17] =	ssyncadd.s32 $0xFFFFF830  }
0x9e: {  	[spmem:s2] =	stream.indirect.scatter.add.f32 [tilespmem:s7], [sflag:$0x3], $0x10, s4, s16, $0xb8;
	[tilespmem:$0xDAC0] =	vst v63  }
0x9f: {  	_ =	swait.ge [sflag:s15], $0x7D00  }
0xa0: {  	[sflag:s15] =	ssyncset.done $0x0  }
0xa1: {  	s21 =	rddreg [dreg:$0x10];
	[sflag:s15] =	ssyncadd.s32 $0xFFFF8300  }
0xa2: {  	[tilespmem:s4], [sflag:$0x1] =	stream.linear.gather [hbm4b:s21+s4], $0x7D0, $0x38;
	[tilespmem:$0xDAC0] =	vst v63  }
0xa3: {  	_ =	swait.ge [sflag:s18], $0x7D0  }
0xa4: {  	[sflag:s18] =	ssyncset.done $0x0  }
0xa5: {  	[sflag:s18] =	ssyncadd.s32 $0xFFFFF830  }
0xa6: {  	[spmem:s3] =	stream.indirect.scatter.add.f32 [tilespmem:s7], [sflag:$0x3], $0x10, s16, s16, $0xb8;
	[tilespmem:$0xDAC0] =	vst v63  }
0xa7: {  	_ =	swait.ge [sflag:s15], $0x7D00  }
0xa8: {  	[sflag:s15] =	ssyncset.done $0x0  }
0xa9: {  	s23 =	rddreg [dreg:$0x11];
	[sflag:s15] =	ssyncadd.s32 $0xFFFF8300  }
0xaa: {  	[tilespmem:s16], [sflag:$0x2] =	stream.linear.gather [hbm4b:s23+s4], $0x7D0, $0x38;
	[tilespmem:$0xDAC0] =	vst v63  }
0xab: {  	_ =	swait.ge [sflag:s17], $0x7D0  }
0xac: {  	[sflag:s17] =	ssyncset.done $0x0  }
0xad: {  	[sflag:s17] =	ssyncadd.s32 $0xFFFFF830  }
0xae: {  	[spmem:s2] =	stream.indirect.scatter.add.f32 [tilespmem:s7], [sflag:$0x3], $0x10, s4, s16, $0xb8;
	[tilespmem:$0xDAC0] =	vst v63  }
0xaf: {  	_ =	swait.ge [sflag:s15], $0x7D00  }
0xb0: {  	[sflag:s15] =	ssyncset.done $0x0  }
0xb1: {  	s21 =	rddreg [dreg:$0x12];
	[sflag:s15] =	ssyncadd.s32 $0xFFFF8300  }
0xb2: {  	[tilespmem:s4], [sflag:$0x1] =	stream.linear.gather [hbm4b:s21+s4], $0x7D0, $0x38;
	[tilespmem:$0xDAC0] =	vst v63  }
0xb3: {  	_ =	swait.ge [sflag:s18], $0x7D0  }
0xb4: {  	[sflag:s18] =	ssyncset.done $0x0  }
0xb5: {  	[sflag:s18] =	ssyncadd.s32 $0xFFFFF830  }
0xb6: {  	[spmem:s3] =	stream.indirect.scatter.add.f32 [tilespmem:s7], [sflag:$0x3], $0x10, s16, s16, $0xb8;
	[tilespmem:$0xDAC0] =	vst v63  }
0xb7: {  	_ =	swait.ge [sflag:s15], $0x7D00  }
0xb8: {  	[sflag:s15] =	ssyncset.done $0x0  }
0xb9: {  	s23 =	rddreg [dreg:$0x13];
	[sflag:s15] =	ssyncadd.s32 $0xFFFF8300  }
0xba: {  	[tilespmem:s16], [sflag:$0x2] =	stream.linear.gather [hbm4b:s23+s4], $0x7D0, $0x38;
	[tilespmem:$0xDAC0] =	vst v63  }
0xbb: {  	_ =	swait.ge [sflag:s17], $0x7D0  }
0xbc: {  	[sflag:s17] =	ssyncset.done $0x0  }
0xbd: {  	[sflag:s17] =	ssyncadd.s32 $0xFFFFF830  }
0xbe: {  	[spmem:s2] =	stream.indirect.scatter.add.f32 [tilespmem:s7], [sflag:$0x3], $0x10, s4, s16, $0xb8;
	[tilespmem:$0xDAC0] =	vst v63  }
0xbf: {  	_ =	swait.ge [sflag:s15], $0x7D00  }
0xc0: {  	[sflag:s15] =	ssyncset.done $0x0  }
0xc1: {  	s21 =	rddreg [dreg:$0x14];
	[sflag:s15] =	ssyncadd.s32 $0xFFFF8300  }
0xc2: {  	[tilespmem:s4], [sflag:$0x1] =	stream.linear.gather [hbm4b:s21+s4], $0x7D0, $0x38;
	[tilespmem:$0xDAC0] =	vst v63  }
0xc3: {  	_ =	swait.ge [sflag:s18], $0x7D0  }
0xc4: {  	[sflag:s18] =	ssyncset.done $0x0  }
0xc5: {  	[sflag:s18] =	ssyncadd.s32 $0xFFFFF830  }
0xc6: {  	[spmem:s3] =	stream.indirect.scatter.add.f32 [tilespmem:s7], [sflag:$0x3], $0x10, s16, s16, $0xb8;
	[tilespmem:$0xDAC0] =	vst v63  }
0xc7: {  	_ =	swait.ge [sflag:s15], $0x7D00  }
0xc8: {  	[sflag:s15] =	ssyncset.done $0x0  }
0xc9: {  	s23 =	rddreg [dreg:$0x15];
	[sflag:s15] =	ssyncadd.s32 $0xFFFF8300  }
0xca: {  	[tilespmem:s16], [sflag:$0x2] =	stream.linear.gather [hbm4b:s23+s4], $0x7D0, $0x38;
	[tilespmem:$0xDAC0] =	vst v63  }
0xcb: {  	_ =	swait.ge [sflag:s17], $0x7D0  }
0xcc: {  	[sflag:s17] =	ssyncset.done $0x0  }
0xcd: {  	[sflag:s17] =	ssyncadd.s32 $0xFFFFF830  }
0xce: {  	[spmem:s2] =	stream.indirect.scatter.add.f32 [tilespmem:s7], [sflag:$0x3], $0x10, s4, s16, $0xb8;
	[tilespmem:$0xDAC0] =	vst v63  }
0xcf: {  	_ =	swait.ge [sflag:s15], $0x7D00  }
0xd0: {  	[sflag:s15] =	ssyncset.done $0x0  }
0xd1: {  	[sflag:s15] =	ssyncadd.s32 $0xFFFF8300  }
0xd2: {  	_ =	swait.ge [sflag:s18], $0x7D0  }
0xd3: {  	[sflag:s18] =	ssyncset.done $0x0  }
0xd4: {  	[sflag:s18] =	ssyncadd.s32 $0xFFFFF830  }
0xd5: {  	[spmem:s3] =	stream.indirect.scatter.add.f32 [tilespmem:s7], [sflag:$0x3], $0x10, s16, s16, $0xb8;
	[tilespmem:$0xDAC0] =	vst v63  }
0xd6: {  	_ =	swait.ge [sflag:s15], $0x7D00  }
0xd7: {  	s21 =	stileid.u32;
	[sflag:s15] =	ssyncset.done $0x0  }
0xd8: {  	s20 =	sshll.u32 s21, $0x6;
	[sflag:s15] =	ssyncadd.s32 $0xFFFF8300  }
0xd9: {  	s20 =	sor.u32 $0x1C03, s20;
	s23 =	sshrl.u32 s5, $0x3;
	[bflag:$0x0] =	sbarrier.arrive $0xFFFF  }
0xda: {  	[hbm:s22], [sflag:s20] =	dma.local [spmem:s23], $0x4E0  }
0xdb: {  	_ =	swait.ge [sflag:s15], $0x4E0  }
0xdc: {  	[sflag:s15] =	ssyncset.done $0x0  }
0xdd: {  	s23 =	sshrl.u32 s6, $0x3;
	[sflag:s15] =	ssyncadd.s32 $0xFFFFFB20  }
0xde: {  	[hbm:s14], [sflag:s20] =	dma.local [spmem:s23], $0x4E0  }
0xdf: {  	_ =	swait.ge [sflag:s15], $0x4E0  }
0xe0: {  	[sflag:s15] =	ssyncset.done $0x0  }
0xe1: {  	s21 =	rddreg [dreg:$0x7];
	[sflag:s15] =	ssyncadd.s32 $0xFFFFFB20  }
0xe2: {  	[hbm:s21], [sflag:s20] =	dma.local @!p0 [spmem:s12], $0x20  }
0xe3: {  	s21 =	simm.s32 @!p0 $0x3  }
0xe4: {  	_ =	swait.ge @!p0 [sflag:s21], $0x20  }
0xe5: {  	[sflag:s21] =	ssyncset.done @!p0 $0x0  }
0xe6: {  	s23 =	rddreg [dreg:$0x8];
	[sflag:s21] =	ssyncadd.s32 @!p0 $0xFFFFFFE0  }
0xe7: {  	[hbm:s23], [sflag:s20] =	dma.local @!p0 [spmem:s13], $0x20  }
0xe8: {  	_ =	swait.ge @!p0 [sflag:s21], $0x20  }
0xe9: {  	s19 =	sadd.s32 $0x1, s19;
	s23 =	rddreg [dreg:$0x9]  }
0xea: {  	p1 =	sne.s32 s19, s23  }
.Ltmp3:
0xeb: {  	_ = 	snop;
	(pc) =	sbr.rel @p1 .LBB2_1-.Ltmp3, $3  }
0xec: {  	_ =	sdelay $0x1  }
0xed: {  	[sflag:s21] =	ssyncset.done @!p0 $0x0  }
0xee: {  	[sflag:s21] =	ssyncadd.s32 @!p0 $0xFFFFFFE0  }
0xef: {  	_ =	sfence.sel $0x180000  }
0xf0: {  	[bflag:$0x0] =	sbarrier.arrive $0xFFFF  }
0xf1: {  	_ =	strace $0x90000047  }
0xf2: {  	s0 =	stileid.u32;
	[bflag:$0x2] =	sbarrier.arrive $0xFFFF  }
0xf3: {  	p0 =	sne.s32 s0, $0x0;
	s0 =	rddreg [dreg:$0x4]  }
0xf4: {  	s0 =	sadd.s32 @!p0 $0x100000, s0  }
0xf5: {  	[sflag:s0] =	ssyncadd.tile.s32 @!p0 $0x1;
	_ =	shalt  }
.Lfunc_end2:
_tile_overlayer_lowered:
.L_overlay_start_2:
0xf6: {  	(tag) =	ssettag $0x2  }
0xf7: {  	s0 =	rddreg [dreg:$0x0];
	s2 =	stileid.u32  }
0xf8: {  	s1 =	rddreg [dreg:$0x1];
	p0 =	sne.s32 s2, $0x0  }
0xf9: {  	s3 =	rddreg [dreg:$0x2];
	[bflag:$0x3] =	sbarrier.arrive $0xFFFF;
	s2 =	simm.s32 @!p0 $0x1C03  }
0xfa: {  	[timem:s3], [sflag:s2] =	dma.local @!p0 [hbm:s0], s1  }
0xfb: {  	s0 =	simm.s32 @!p0 $0x3  }
0xfc: {  	_ =	swait.ge @!p0 [sflag:s0], s1  }
0xfd: {  	s1 =	ssub.s32 @!p0 $0x0, s1;
	[sflag:s0] =	ssyncset.done @!p0 $0x0  }
0xfe: {  	[sflag:s0] =	ssyncadd.s32 @!p0 s1  }
0xff: {  	[bflag:$0x3] =	sbarrier.arrive $0xFFFF  }
0x100: {  	_ =	shalt  }

</sc_bundles>
